<compile_context>
chip_gen: v7x
topology: tpu7x:2x2x1
jax: 0.10.2.dev20260603
libtpu: 0.0.44.dev20260713+nightly
codegen_flags: <defaults>
</compile_context>

<pallas_src>
import functools

import jax
import jax.numpy as jnp
from jax import lax
from jax.experimental import pallas as pl
from jax.experimental.pallas import tpu as pltpu
from jax.experimental.pallas import tpu_sc as plsc

_IN_CHANNELS = 26
_OUT_CHANNELS = 64
_NUM_STEPS = 3
_NUM_POINTS = 16
_BATCH = 16384

_NUM_CORES = 2
_NUM_SUBCORES = 16
_NUM_WORKERS = _NUM_CORES * _NUM_SUBCORES
_ROWS_PER = _BATCH // _NUM_WORKERS
_LANES = 16
_GROUPS = _ROWS_PER // _LANES


_TAB = 32


def _tables_body(angles_ref, velo_ref, vc_ref, vs_ref):
    a = angles_ref[...]
    v = velo_ref[...]
    scale = 1.0 / _NUM_STEPS
    vc_ref[...] = v * jnp.cos(a) * scale
    vs_ref[...] = v * jnp.sin(a) * scale


_make_tables = pl.pallas_call(
    _tables_body,
    out_shape=(
        jax.ShapeDtypeStruct((_TAB,), jnp.float32),
        jax.ShapeDtypeStruct((_TAB,), jnp.float32),
    ),
)


_IN_PER = _ROWS_PER * _IN_CHANNELS
_OUT_PER = _ROWS_PER * _OUT_CHANNELS


@functools.partial(
    pl.kernel,
    mesh=plsc.VectorSubcoreMesh(core_axis_name="c", subcore_axis_name="s"),
    out_type=jax.ShapeDtypeStruct((_BATCH * _OUT_CHANNELS,), jnp.float32),
    compiler_params=pltpu.CompilerParams(needs_layout_passes=False),
    scratch_types=[
        pltpu.VMEM((_IN_PER,), jnp.float32),
        pltpu.VMEM((_OUT_PER,), jnp.float32),
        pltpu.VMEM((_TAB,), jnp.float32),
        pltpu.VMEM((_TAB,), jnp.float32),
    ],
)
def _sc_flow(data_hbm, vc_hbm, vs_hbm, out_hbm, data_v, out_v, vc_v, vs_v):
    wid = lax.axis_index("s") * _NUM_CORES + lax.axis_index("c")
    pltpu.sync_copy(data_hbm.at[pl.ds(wid * _IN_PER, _IN_PER)], data_v)
    pltpu.sync_copy(vc_hbm, vc_v)
    pltpu.sync_copy(vs_hbm, vs_v)
    lane = lax.iota(jnp.int32, _LANES)
    lane_in = lane * _IN_CHANNELS
    lane_out = lane * _OUT_CHANNELS

    _CHUNK = 13

    def g_body(g, carry):
        row0 = g * _LANES
        in_idx = (row0 * _IN_CHANNELS) + lane_in
        out_idx = (row0 * _OUT_CHANNELS) + lane_out
        acc = jnp.zeros((_LANES,), jnp.float32)
        for lo in range(0, _IN_CHANNELS, _CHUNK):
            cs = range(lo, min(lo + _CHUNK, _IN_CHANNELS))
            xs = [plsc.load_gather(data_v, [in_idx + c]) for c in cs]
            for _ in range(_NUM_STEPS):
                es = [jnp.exp(x + x) for x in xs]
                rs = [2.0 / (e + 1.0) for e in es]
                ts = [1.0 - r for r in rs]
                pfs = [16.5 - 8.0 * r for r in rs]
                ps = [pf.astype(jnp.int32) for pf in pfs]
                vs_ = [plsc.load_gather(vc_v, [p]) for p in ps]
                ws = [plsc.load_gather(vs_v, [p]) for p in ps]
                xs = [x + (v + t * w)
                      for x, t, v, w in zip(xs, ts, vs_, ws)]
            for x in xs:
                acc = acc + x
        for col in range(_OUT_CHANNELS):
            plsc.store_scatter(out_v, [out_idx + col], acc)
        return carry

    lax.fori_loop(0, _GROUPS, g_body, 0)
    pltpu.sync_copy(out_v, out_hbm.at[pl.ds(wid * _OUT_PER, _OUT_PER)])


def kernel(data, angles, velo):
    angles_p = jnp.concatenate([angles, jnp.broadcast_to(angles[-1:], (_TAB - _NUM_POINTS,))])
    velo_p = jnp.concatenate([velo, jnp.broadcast_to(velo[-1:], (_TAB - _NUM_POINTS,))])
    vc, vs = _make_tables(angles_p, velo_p)
    flat = _sc_flow(data.reshape(-1), vc, vs)
    return flat.reshape(_BATCH, _OUT_CHANNELS)

# --- scband reference (transcript-rebuilt; emitter-appended) ---
"""Pipeline reference for scband-functional-flow-25907242729814 (READ-ONLY COPY).

The authoritative reference and input builder live on the scoring server;
editing this copy changes nothing except your own understanding.
"""

import jax, jax.numpy as jnp
import numpy as np

IN_CHANNELS = 26
OUT_CHANNELS = 64
NUM_STEPS = 3
NUM_POINTS = 16
BATCH = 16384


def setup_inputs(seed: int = 0) -> dict:
    key = jax.random.key(seed)
    k1, k2, k3 = jax.random.split(key, 3)
    data = jax.random.normal(k1, (BATCH, IN_CHANNELS), dtype=jnp.float32)
    # parameters initialized as 2*rand-1, matching torch init
    angles = 2.0 * jax.random.uniform(k2, (NUM_POINTS,), dtype=jnp.float32) - 1.0
    velo = 2.0 * jax.random.uniform(k3, (NUM_POINTS,), dtype=jnp.float32) - 1.0
    return {"data": data, "angles": angles, "velo": velo}


def reference(data, angles, velo):
    ones = jnp.ones((1, 1, OUT_CHANNELS), dtype=jnp.float32)
    x = data.reshape(-1, IN_CHANNELS, 1) * ones

    def step(d):
        d = jnp.tanh(d)
        pos = jnp.round((1.0 + d) * NUM_POINTS / 2.0).astype(jnp.int32)
        pos = jnp.clip(pos, 0, NUM_POINTS - 1)
        v = jnp.take(velo, pos, axis=0)
        a = jnp.take(angles, pos, axis=0)
        return v * jnp.cos(a) + d * v * jnp.sin(a)

    for _ in range(NUM_STEPS):
        x = x + step(x) / NUM_STEPS
    return jnp.sum(x.reshape(-1, IN_CHANNELS, OUT_CHANNELS), axis=1)

if __name__ == "__main__":
    import jax
    _d = setup_inputs()
    print(jax.jit(kernel)(*tuple(_d.values())))

</pallas_src>

<mosaic_0001>
#map = affine_map<(d0, d1) -> (0)>
module attributes {stable_mosaic.version = 14 : i64} {
  func.func @_sc_flow(%arg0: i32, %arg1: i32, %arg2: memref<425984xf32, #tpu.memory_space<hbm>>, %arg3: memref<32xf32, #tpu.memory_space<hbm>>, %arg4: memref<32xf32, #tpu.memory_space<hbm>>, %arg5: memref<1048576xf32, #tpu.memory_space<hbm>>, %arg6: memref<13312xf32, #tpu.memory_space<vmem>>, %arg7: memref<32768xf32, #tpu.memory_space<vmem>>, %arg8: memref<32xf32, #tpu.memory_space<vmem>>, %arg9: memref<32xf32, #tpu.memory_space<vmem>>) attributes {dimension_semantics = [#tpu.dimension_semantics<core_parallel>, #tpu.dimension_semantics<subcore_parallel>], iteration_bounds = array<i64: 2, 16>, scalar_prefetch = 0 : i64, scratch_operands = 4 : i64, tpu.core_type = #tpu.core_type<sc_vector_subcore>, window_params = [{transform_indices = #map}, {transform_indices = #map}, {transform_indices = #map}, {transform_indices = #map}]} {
    %mul3A = arith.constant 2 : i32
    %mul3A_0 = arith.muli %arg1, %mul3A : i32
    %add3A = arith.addi %mul3A_0, %arg0 : i32
    %mul3A_1 = arith.constant 13312 : i32
    %mul3A_2 = arith.muli %add3A, %mul3A_1 : i32
    "tpu.region"() ({
      %run_scoped3A = tpu.sem_alloc : memref<!tpu.dma_semaphore, #tpu.memory_space<semaphore_mem>>
      %dma_start3A = tpu.memref_slice %arg2[%mul3A_2] : memref<425984xf32, #tpu.memory_space<hbm>> -> memref<13312xf32, #tpu.memory_space<hbm>>
      %dma_start3A_16 = tpu.memref_slice %arg2[%mul3A_2] : memref<425984xf32, #tpu.memory_space<hbm>> -> memref<13312xf32, #tpu.memory_space<hbm>>
      tpu.enqueue_dma source(%dma_start3A_16 : memref<13312xf32, #tpu.memory_space<hbm>>) target(%arg6 : memref<13312xf32, #tpu.memory_space<vmem>>) target_semaphore(%run_scoped3A : memref<!tpu.dma_semaphore, #tpu.memory_space<semaphore_mem>>)
      %dma_wait3A = tpu.memref_slice %arg2[%mul3A_2] : memref<425984xf32, #tpu.memory_space<hbm>> -> memref<13312xf32, #tpu.memory_space<hbm>>
      %dma_wait3A_17 = tpu.memref_slice %arg2[%mul3A_2] : memref<425984xf32, #tpu.memory_space<hbm>> -> memref<13312xf32, #tpu.memory_space<hbm>>
      tpu.wait_dma2 semaphore(%run_scoped3A : memref<!tpu.dma_semaphore, #tpu.memory_space<semaphore_mem>>) src(%dma_wait3A_17 : memref<13312xf32, #tpu.memory_space<hbm>>) dst(%arg6 : memref<13312xf32, #tpu.memory_space<vmem>>)
      tpu.yield
    }) : () -> ()
    "tpu.region"() ({
      %run_scoped3A = tpu.sem_alloc : memref<!tpu.dma_semaphore, #tpu.memory_space<semaphore_mem>>
      tpu.enqueue_dma source(%arg3 : memref<32xf32, #tpu.memory_space<hbm>>) target(%arg8 : memref<32xf32, #tpu.memory_space<vmem>>) target_semaphore(%run_scoped3A : memref<!tpu.dma_semaphore, #tpu.memory_space<semaphore_mem>>)
      tpu.wait_dma2 semaphore(%run_scoped3A : memref<!tpu.dma_semaphore, #tpu.memory_space<semaphore_mem>>) src(%arg3 : memref<32xf32, #tpu.memory_space<hbm>>) dst(%arg8 : memref<32xf32, #tpu.memory_space<vmem>>)
      tpu.yield
    }) : () -> ()
    "tpu.region"() ({
      %run_scoped3A = tpu.sem_alloc : memref<!tpu.dma_semaphore, #tpu.memory_space<semaphore_mem>>
      tpu.enqueue_dma source(%arg4 : memref<32xf32, #tpu.memory_space<hbm>>) target(%arg9 : memref<32xf32, #tpu.memory_space<vmem>>) target_semaphore(%run_scoped3A : memref<!tpu.dma_semaphore, #tpu.memory_space<semaphore_mem>>)
      tpu.wait_dma2 semaphore(%run_scoped3A : memref<!tpu.dma_semaphore, #tpu.memory_space<semaphore_mem>>) src(%arg4 : memref<32xf32, #tpu.memory_space<hbm>>) dst(%arg9 : memref<32xf32, #tpu.memory_space<vmem>>)
      tpu.yield
    }) : () -> ()
    %iota3A = tpu.iota {dimensions = array<i32: 0>} : vector<16xi32>
    %mul3A_3 = arith.constant 26 : i32
    %mul3A_4 = vector.broadcast %mul3A_3 : i32 to vector<16xi32>
    %mul3A_5 = arith.muli %iota3A, %mul3A_4 : vector<16xi32>
    %mul3A_6 = arith.constant 64 : i32
    %mul3A_7 = vector.broadcast %mul3A_6 : i32 to vector<16xi32>
    %mul3A_8 = arith.muli %iota3A, %mul3A_7 : vector<16xi32>
    %scan3A = arith.constant 0 : i32
    %scan3A_9 = arith.constant 0 : i32
    %scan3A_10 = arith.constant 32 : i32
    %scan3A_11 = arith.addi %scan3A_9, %scan3A_10 : i32
    %scan3A_12 = arith.constant 1 : i32
    scf.for %scan3A_16 = %scan3A_9 to %scan3A_11 step %scan3A_12  : i32 {
      %mul3A_17 = arith.constant 16 : i32
      %mul3A_18 = arith.muli %scan3A_16, %mul3A_17 : i32
      %mul3A_19 = arith.constant 26 : i32
      %mul3A_20 = arith.muli %mul3A_18, %mul3A_19 : i32
      %add3A_21 = vector.broadcast %mul3A_20 : i32 to vector<16xi32>
      %add3A_22 = arith.addi %add3A_21, %mul3A_5 : vector<16xi32>
      %mul3A_23 = arith.constant 64 : i32
      %mul3A_24 = arith.muli %mul3A_18, %mul3A_23 : i32
      %add3A_25 = vector.broadcast %mul3A_24 : i32 to vector<16xi32>
      %add3A_26 = arith.addi %add3A_25, %mul3A_8 : vector<16xi32>
      %broadcast_in_dim3A = arith.constant 0.000000e+00 : f32
      %broadcast_in_dim3A_27 = vector.broadcast %broadcast_in_dim3A : f32 to vector<16xf32>
      %add3A_28 = arith.constant 0 : i32
      %add3A_29 = vector.broadcast %add3A_28 : i32 to vector<16xi32>
      %add3A_30 = arith.addi %add3A_22, %add3A_29 : vector<16xi32>
      %gather3A = tpu.vector_load_idx %arg6[%add3A_30] : memref<13312xf32, #tpu.memory_space<vmem>>[vector<16xi32>], vector<16xf32>,
      %add3A_31 = arith.constant 1 : i32
      %add3A_32 = vector.broadcast %add3A_31 : i32 to vector<16xi32>
      %add3A_33 = arith.addi %add3A_22, %add3A_32 : vector<16xi32>
      %gather3A_34 = tpu.vector_load_idx %arg6[%add3A_33] : memref<13312xf32, #tpu.memory_space<vmem>>[vector<16xi32>], vector<16xf32>,
      %add3A_35 = arith.constant 2 : i32
      %add3A_36 = vector.broadcast %add3A_35 : i32 to vector<16xi32>
      %add3A_37 = arith.addi %add3A_22, %add3A_36 : vector<16xi32>
      %gather3A_38 = tpu.vector_load_idx %arg6[%add3A_37] : memref<13312xf32, #tpu.memory_space<vmem>>[vector<16xi32>], vector<16xf32>,
      %add3A_39 = arith.constant 3 : i32
      %add3A_40 = vector.broadcast %add3A_39 : i32 to vector<16xi32>
      %add3A_41 = arith.addi %add3A_22, %add3A_40 : vector<16xi32>
      %gather3A_42 = tpu.vector_load_idx %arg6[%add3A_41] : memref<13312xf32, #tpu.memory_space<vmem>>[vector<16xi32>], vector<16xf32>,
      %add3A_43 = arith.constant 4 : i32
      %add3A_44 = vector.broadcast %add3A_43 : i32 to vector<16xi32>
      %add3A_45 = arith.addi %add3A_22, %add3A_44 : vector<16xi32>
      %gather3A_46 = tpu.vector_load_idx %arg6[%add3A_45] : memref<13312xf32, #tpu.memory_space<vmem>>[vector<16xi32>], vector<16xf32>,
      %add3A_47 = arith.constant 5 : i32
      %add3A_48 = vector.broadcast %add3A_47 : i32 to vector<16xi32>
      %add3A_49 = arith.addi %add3A_22, %add3A_48 : vector<16xi32>
      %gather3A_50 = tpu.vector_load_idx %arg6[%add3A_49] : memref<13312xf32, #tpu.memory_space<vmem>>[vector<16xi32>], vector<16xf32>,
      %add3A_51 = arith.constant 6 : i32
      %add3A_52 = vector.broadcast %add3A_51 : i32 to vector<16xi32>
      %add3A_53 = arith.addi %add3A_22, %add3A_52 : vector<16xi32>
      %gather3A_54 = tpu.vector_load_idx %arg6[%add3A_53] : memref<13312xf32, #tpu.memory_space<vmem>>[vector<16xi32>], vector<16xf32>,
      %add3A_55 = arith.constant 7 : i32
      %add3A_56 = vector.broadcast %add3A_55 : i32 to vector<16xi32>
      %add3A_57 = arith.addi %add3A_22, %add3A_56 : vector<16xi32>
      %gather3A_58 = tpu.vector_load_idx %arg6[%add3A_57] : memref<13312xf32, #tpu.memory_space<vmem>>[vector<16xi32>], vector<16xf32>,
      %add3A_59 = arith.constant 8 : i32
      %add3A_60 = vector.broadcast %add3A_59 : i32 to vector<16xi32>
      %add3A_61 = arith.addi %add3A_22, %add3A_60 : vector<16xi32>
      %gather3A_62 = tpu.vector_load_idx %arg6[%add3A_61] : memref<13312xf32, #tpu.memory_space<vmem>>[vector<16xi32>], vector<16xf32>,
      %add3A_63 = arith.constant 9 : i32
      %add3A_64 = vector.broadcast %add3A_63 : i32 to vector<16xi32>
      %add3A_65 = arith.addi %add3A_22, %add3A_64 : vector<16xi32>
      %gather3A_66 = tpu.vector_load_idx %arg6[%add3A_65] : memref<13312xf32, #tpu.memory_space<vmem>>[vector<16xi32>], vector<16xf32>,
      %add3A_67 = arith.constant 10 : i32
      %add3A_68 = vector.broadcast %add3A_67 : i32 to vector<16xi32>
      %add3A_69 = arith.addi %add3A_22, %add3A_68 : vector<16xi32>
      %gather3A_70 = tpu.vector_load_idx %arg6[%add3A_69] : memref<13312xf32, #tpu.memory_space<vmem>>[vector<16xi32>], vector<16xf32>,
      %add3A_71 = arith.constant 11 : i32
      %add3A_72 = vector.broadcast %add3A_71 : i32 to vector<16xi32>
      %add3A_73 = arith.addi %add3A_22, %add3A_72 : vector<16xi32>
      %gather3A_74 = tpu.vector_load_idx %arg6[%add3A_73] : memref<13312xf32, #tpu.memory_space<vmem>>[vector<16xi32>], vector<16xf32>,
      %add3A_75 = arith.constant 12 : i32
      %add3A_76 = vector.broadcast %add3A_75 : i32 to vector<16xi32>
      %add3A_77 = arith.addi %add3A_22, %add3A_76 : vector<16xi32>
      %gather3A_78 = tpu.vector_load_idx %arg6[%add3A_77] : memref<13312xf32, #tpu.memory_space<vmem>>[vector<16xi32>], vector<16xf32>,
      %add3A_79 = arith.addf %gather3A, %gather3A : vector<16xf32>
      %exp3A = math.exp %add3A_79 : vector<16xf32>
      %add3A_80 = arith.addf %gather3A_34, %gather3A_34 : vector<16xf32>
      %exp3A_81 = math.exp %add3A_80 : vector<16xf32>
      %add3A_82 = arith.addf %gather3A_38, %gather3A_38 : vector<16xf32>
      %exp3A_83 = math.exp %add3A_82 : vector<16xf32>
      %add3A_84 = arith.addf %gather3A_42, %gather3A_42 : vector<16xf32>
      %exp3A_85 = math.exp %add3A_84 : vector<16xf32>
      %add3A_86 = arith.addf %gather3A_46, %gather3A_46 : vector<16xf32>
      %exp3A_87 = math.exp %add3A_86 : vector<16xf32>
      %add3A_88 = arith.addf %gather3A_50, %gather3A_50 : vector<16xf32>
      %exp3A_89 = math.exp %add3A_88 : vector<16xf32>
      %add3A_90 = arith.addf %gather3A_54, %gather3A_54 : vector<16xf32>
      %exp3A_91 = math.exp %add3A_90 : vector<16xf32>
      %add3A_92 = arith.addf %gather3A_58, %gather3A_58 : vector<16xf32>
      %exp3A_93 = math.exp %add3A_92 : vector<16xf32>
      %add3A_94 = arith.addf %gather3A_62, %gather3A_62 : vector<16xf32>
      %exp3A_95 = math.exp %add3A_94 : vector<16xf32>
      %add3A_96 = arith.addf %gather3A_66, %gather3A_66 : vector<16xf32>
      %exp3A_97 = math.exp %add3A_96 : vector<16xf32>
      %add3A_98 = arith.addf %gather3A_70, %gather3A_70 : vector<16xf32>
      %exp3A_99 = math.exp %add3A_98 : vector<16xf32>
      %add3A_100 = arith.addf %gather3A_74, %gather3A_74 : vector<16xf32>
      %exp3A_101 = math.exp %add3A_100 : vector<16xf32>
      %add3A_102 = arith.addf %gather3A_78, %gather3A_78 : vector<16xf32>
      %exp3A_103 = math.exp %add3A_102 : vector<16xf32>
      %add3A_104 = arith.constant 1.000000e+00 : f32
      %add3A_105 = vector.broadcast %add3A_104 : f32 to vector<16xf32>
      %add3A_106 = arith.addf %exp3A, %add3A_105 : vector<16xf32>
      %div3A = arith.constant 2.000000e+00 : f32
      %div3A_107 = vector.broadcast %div3A : f32 to vector<16xf32>
      %div3A_108 = arith.divf %div3A_107, %add3A_106 : vector<16xf32>
      %add3A_109 = arith.constant 1.000000e+00 : f32
      %add3A_110 = vector.broadcast %add3A_109 : f32 to vector<16xf32>
      %add3A_111 = arith.addf %exp3A_81, %add3A_110 : vector<16xf32>
      %div3A_112 = arith.constant 2.000000e+00 : f32
      %div3A_113 = vector.broadcast %div3A_112 : f32 to vector<16xf32>
      %div3A_114 = arith.divf %div3A_113, %add3A_111 : vector<16xf32>
      %add3A_115 = arith.constant 1.000000e+00 : f32
      %add3A_116 = vector.broadcast %add3A_115 : f32 to vector<16xf32>
      %add3A_117 = arith.addf %exp3A_83, %add3A_116 : vector<16xf32>
      %div3A_118 = arith.constant 2.000000e+00 : f32
      %div3A_119 = vector.broadcast %div3A_118 : f32 to vector<16xf32>
      %div3A_120 = arith.divf %div3A_119, %add3A_117 : vector<16xf32>
      %add3A_121 = arith.constant 1.000000e+00 : f32
      %add3A_122 = vector.broadcast %add3A_121 : f32 to vector<16xf32>
      %add3A_123 = arith.addf %exp3A_85, %add3A_122 : vector<16xf32>
      %div3A_124 = arith.constant 2.000000e+00 : f32
      %div3A_125 = vector.broadcast %div3A_124 : f32 to vector<16xf32>
      %div3A_126 = arith.divf %div3A_125, %add3A_123 : vector<16xf32>
      %add3A_127 = arith.constant 1.000000e+00 : f32
      %add3A_128 = vector.broadcast %add3A_127 : f32 to vector<16xf32>
      %add3A_129 = arith.addf %exp3A_87, %add3A_128 : vector<16xf32>
      %div3A_130 = arith.constant 2.000000e+00 : f32
      %div3A_131 = vector.broadcast %div3A_130 : f32 to vector<16xf32>
      %div3A_132 = arith.divf %div3A_131, %add3A_129 : vector<16xf32>
      %add3A_133 = arith.constant 1.000000e+00 : f32
      %add3A_134 = vector.broadcast %add3A_133 : f32 to vector<16xf32>
      %add3A_135 = arith.addf %exp3A_89, %add3A_134 : vector<16xf32>
      %div3A_136 = arith.constant 2.000000e+00 : f32
      %div3A_137 = vector.broadcast %div3A_136 : f32 to vector<16xf32>
      %div3A_138 = arith.divf %div3A_137, %add3A_135 : vector<16xf32>
      %add3A_139 = arith.constant 1.000000e+00 : f32
      %add3A_140 = vector.broadcast %add3A_139 : f32 to vector<16xf32>
      %add3A_141 = arith.addf %exp3A_91, %add3A_140 : vector<16xf32>
      %div3A_142 = arith.constant 2.000000e+00 : f32
      %div3A_143 = vector.broadcast %div3A_142 : f32 to vector<16xf32>
      %div3A_144 = arith.divf %div3A_143, %add3A_141 : vector<16xf32>
      %add3A_145 = arith.constant 1.000000e+00 : f32
      %add3A_146 = vector.broadcast %add3A_145 : f32 to vector<16xf32>
      %add3A_147 = arith.addf %exp3A_93, %add3A_146 : vector<16xf32>
      %div3A_148 = arith.constant 2.000000e+00 : f32
      %div3A_149 = vector.broadcast %div3A_148 : f32 to vector<16xf32>
      %div3A_150 = arith.divf %div3A_149, %add3A_147 : vector<16xf32>
      %add3A_151 = arith.constant 1.000000e+00 : f32
      %add3A_152 = vector.broadcast %add3A_151 : f32 to vector<16xf32>
      %add3A_153 = arith.addf %exp3A_95, %add3A_152 : vector<16xf32>
      %div3A_154 = arith.constant 2.000000e+00 : f32
      %div3A_155 = vector.broadcast %div3A_154 : f32 to vector<16xf32>
      %div3A_156 = arith.divf %div3A_155, %add3A_153 : vector<16xf32>
      %add3A_157 = arith.constant 1.000000e+00 : f32
      %add3A_158 = vector.broadcast %add3A_157 : f32 to vector<16xf32>
      %add3A_159 = arith.addf %exp3A_97, %add3A_158 : vector<16xf32>
      %div3A_160 = arith.constant 2.000000e+00 : f32
      %div3A_161 = vector.broadcast %div3A_160 : f32 to vector<16xf32>
      %div3A_162 = arith.divf %div3A_161, %add3A_159 : vector<16xf32>
      %add3A_163 = arith.constant 1.000000e+00 : f32
      %add3A_164 = vector.broadcast %add3A_163 : f32 to vector<16xf32>
      %add3A_165 = arith.addf %exp3A_99, %add3A_164 : vector<16xf32>
      %div3A_166 = arith.constant 2.000000e+00 : f32
      %div3A_167 = vector.broadcast %div3A_166 : f32 to vector<16xf32>
      %div3A_168 = arith.divf %div3A_167, %add3A_165 : vector<16xf32>
      %add3A_169 = arith.constant 1.000000e+00 : f32
      %add3A_170 = vector.broadcast %add3A_169 : f32 to vector<16xf32>
      %add3A_171 = arith.addf %exp3A_101, %add3A_170 : vector<16xf32>
      %div3A_172 = arith.constant 2.000000e+00 : f32
      %div3A_173 = vector.broadcast %div3A_172 : f32 to vector<16xf32>
      %div3A_174 = arith.divf %div3A_173, %add3A_171 : vector<16xf32>
      %add3A_175 = arith.constant 1.000000e+00 : f32
      %add3A_176 = vector.broadcast %add3A_175 : f32 to vector<16xf32>
      %add3A_177 = arith.addf %exp3A_103, %add3A_176 : vector<16xf32>
      %div3A_178 = arith.constant 2.000000e+00 : f32
      %div3A_179 = vector.broadcast %div3A_178 : f32 to vector<16xf32>
      %div3A_180 = arith.divf %div3A_179, %add3A_177 : vector<16xf32>
      %sub3A = arith.constant 1.000000e+00 : f32
      %sub3A_181 = vector.broadcast %sub3A : f32 to vector<16xf32>
      %sub3A_182 = arith.subf %sub3A_181, %div3A_108 : vector<16xf32>
      %sub3A_183 = arith.constant 1.000000e+00 : f32
      %sub3A_184 = vector.broadcast %sub3A_183 : f32 to vector<16xf32>
      %sub3A_185 = arith.subf %sub3A_184, %div3A_114 : vector<16xf32>
      %sub3A_186 = arith.constant 1.000000e+00 : f32
      %sub3A_187 = vector.broadcast %sub3A_186 : f32 to vector<16xf32>
      %sub3A_188 = arith.subf %sub3A_187, %div3A_120 : vector<16xf32>
      %sub3A_189 = arith.constant 1.000000e+00 : f32
      %sub3A_190 = vector.broadcast %sub3A_189 : f32 to vector<16xf32>
      %sub3A_191 = arith.subf %sub3A_190, %div3A_126 : vector<16xf32>
      %sub3A_192 = arith.constant 1.000000e+00 : f32
      %sub3A_193 = vector.broadcast %sub3A_192 : f32 to vector<16xf32>
      %sub3A_194 = arith.subf %sub3A_193, %div3A_132 : vector<16xf32>
      %sub3A_195 = arith.constant 1.000000e+00 : f32
      %sub3A_196 = vector.broadcast %sub3A_195 : f32 to vector<16xf32>
      %sub3A_197 = arith.subf %sub3A_196, %div3A_138 : vector<16xf32>
      %sub3A_198 = arith.constant 1.000000e+00 : f32
      %sub3A_199 = vector.broadcast %sub3A_198 : f32 to vector<16xf32>
      %sub3A_200 = arith.subf %sub3A_199, %div3A_144 : vector<16xf32>
      %sub3A_201 = arith.constant 1.000000e+00 : f32
      %sub3A_202 = vector.broadcast %sub3A_201 : f32 to vector<16xf32>
      %sub3A_203 = arith.subf %sub3A_202, %div3A_150 : vector<16xf32>
      %sub3A_204 = arith.constant 1.000000e+00 : f32
      %sub3A_205 = vector.broadcast %sub3A_204 : f32 to vector<16xf32>
      %sub3A_206 = arith.subf %sub3A_205, %div3A_156 : vector<16xf32>
      %sub3A_207 = arith.constant 1.000000e+00 : f32
      %sub3A_208 = vector.broadcast %sub3A_207 : f32 to vector<16xf32>
      %sub3A_209 = arith.subf %sub3A_208, %div3A_162 : vector<16xf32>
      %sub3A_210 = arith.constant 1.000000e+00 : f32
      %sub3A_211 = vector.broadcast %sub3A_210 : f32 to vector<16xf32>
      %sub3A_212 = arith.subf %sub3A_211, %div3A_168 : vector<16xf32>
      %sub3A_213 = arith.constant 1.000000e+00 : f32
      %sub3A_214 = vector.broadcast %sub3A_213 : f32 to vector<16xf32>
      %sub3A_215 = arith.subf %sub3A_214, %div3A_174 : vector<16xf32>
      %sub3A_216 = arith.constant 1.000000e+00 : f32
      %sub3A_217 = vector.broadcast %sub3A_216 : f32 to vector<16xf32>
      %sub3A_218 = arith.subf %sub3A_217, %div3A_180 : vector<16xf32>
      %mul3A_219 = arith.constant 8.000000e+00 : f32
      %mul3A_220 = vector.broadcast %mul3A_219 : f32 to vector<16xf32>
      %mul3A_221 = arith.mulf %mul3A_220, %div3A_108 : vector<16xf32>
      %sub3A_222 = arith.constant 1.650000e+01 : f32
      %sub3A_223 = vector.broadcast %sub3A_222 : f32 to vector<16xf32>
      %sub3A_224 = arith.subf %sub3A_223, %mul3A_221 : vector<16xf32>
      %mul3A_225 = arith.constant 8.000000e+00 : f32
      %mul3A_226 = vector.broadcast %mul3A_225 : f32 to vector<16xf32>
      %mul3A_227 = arith.mulf %mul3A_226, %div3A_114 : vector<16xf32>
      %sub3A_228 = arith.constant 1.650000e+01 : f32
      %sub3A_229 = vector.broadcast %sub3A_228 : f32 to vector<16xf32>
      %sub3A_230 = arith.subf %sub3A_229, %mul3A_227 : vector<16xf32>
      %mul3A_231 = arith.constant 8.000000e+00 : f32
      %mul3A_232 = vector.broadcast %mul3A_231 : f32 to vector<16xf32>
      %mul3A_233 = arith.mulf %mul3A_232, %div3A_120 : vector<16xf32>
      %sub3A_234 = arith.constant 1.650000e+01 : f32
      %sub3A_235 = vector.broadcast %sub3A_234 : f32 to vector<16xf32>
      %sub3A_236 = arith.subf %sub3A_235, %mul3A_233 : vector<16xf32>
      %mul3A_237 = arith.constant 8.000000e+00 : f32
      %mul3A_238 = vector.broadcast %mul3A_237 : f32 to vector<16xf32>
      %mul3A_239 = arith.mulf %mul3A_238, %div3A_126 : vector<16xf32>
      %sub3A_240 = arith.constant 1.650000e+01 : f32
      %sub3A_241 = vector.broadcast %sub3A_240 : f32 to vector<16xf32>
      %sub3A_242 = arith.subf %sub3A_241, %mul3A_239 : vector<16xf32>
      %mul3A_243 = arith.constant 8.000000e+00 : f32
      %mul3A_244 = vector.broadcast %mul3A_243 : f32 to vector<16xf32>
      %mul3A_245 = arith.mulf %mul3A_244, %div3A_132 : vector<16xf32>
      %sub3A_246 = arith.constant 1.650000e+01 : f32
      %sub3A_247 = vector.broadcast %sub3A_246 : f32 to vector<16xf32>
      %sub3A_248 = arith.subf %sub3A_247, %mul3A_245 : vector<16xf32>
      %mul3A_249 = arith.constant 8.000000e+00 : f32
      %mul3A_250 = vector.broadcast %mul3A_249 : f32 to vector<16xf32>
      %mul3A_251 = arith.mulf %mul3A_250, %div3A_138 : vector<16xf32>
      %sub3A_252 = arith.constant 1.650000e+01 : f32
      %sub3A_253 = vector.broadcast %sub3A_252 : f32 to vector<16xf32>
      %sub3A_254 = arith.subf %sub3A_253, %mul3A_251 : vector<16xf32>
      %mul3A_255 = arith.constant 8.000000e+00 : f32
      %mul3A_256 = vector.broadcast %mul3A_255 : f32 to vector<16xf32>
      %mul3A_257 = arith.mulf %mul3A_256, %div3A_144 : vector<16xf32>
      %sub3A_258 = arith.constant 1.650000e+01 : f32
      %sub3A_259 = vector.broadcast %sub3A_258 : f32 to vector<16xf32>
      %sub3A_260 = arith.subf %sub3A_259, %mul3A_257 : vector<16xf32>
      %mul3A_261 = arith.constant 8.000000e+00 : f32
      %mul3A_262 = vector.broadcast %mul3A_261 : f32 to vector<16xf32>
      %mul3A_263 = arith.mulf %mul3A_262, %div3A_150 : vector<16xf32>
      %sub3A_264 = arith.constant 1.650000e+01 : f32
      %sub3A_265 = vector.broadcast %sub3A_264 : f32 to vector<16xf32>
      %sub3A_266 = arith.subf %sub3A_265, %mul3A_263 : vector<16xf32>
      %mul3A_267 = arith.constant 8.000000e+00 : f32
      %mul3A_268 = vector.broadcast %mul3A_267 : f32 to vector<16xf32>
      %mul3A_269 = arith.mulf %mul3A_268, %div3A_156 : vector<16xf32>
      %sub3A_270 = arith.constant 1.650000e+01 : f32
      %sub3A_271 = vector.broadcast %sub3A_270 : f32 to vector<16xf32>
      %sub3A_272 = arith.subf %sub3A_271, %mul3A_269 : vector<16xf32>
      %mul3A_273 = arith.constant 8.000000e+00 : f32
      %mul3A_274 = vector.broadcast %mul3A_273 : f32 to vector<16xf32>
      %mul3A_275 = arith.mulf %mul3A_274, %div3A_162 : vector<16xf32>
      %sub3A_276 = arith.constant 1.650000e+01 : f32
      %sub3A_277 = vector.broadcast %sub3A_276 : f32 to vector<16xf32>
      %sub3A_278 = arith.subf %sub3A_277, %mul3A_275 : vector<16xf32>
      %mul3A_279 = arith.constant 8.000000e+00 : f32
      %mul3A_280 = vector.broadcast %mul3A_279 : f32 to vector<16xf32>
      %mul3A_281 = arith.mulf %mul3A_280, %div3A_168 : vector<16xf32>
      %sub3A_282 = arith.constant 1.650000e+01 : f32
      %sub3A_283 = vector.broadcast %sub3A_282 : f32 to vector<16xf32>
      %sub3A_284 = arith.subf %sub3A_283, %mul3A_281 : vector<16xf32>
      %mul3A_285 = arith.constant 8.000000e+00 : f32
      %mul3A_286 = vector.broadcast %mul3A_285 : f32 to vector<16xf32>
      %mul3A_287 = arith.mulf %mul3A_286, %div3A_174 : vector<16xf32>
      %sub3A_288 = arith.constant 1.650000e+01 : f32
      %sub3A_289 = vector.broadcast %sub3A_288 : f32 to vector<16xf32>
      %sub3A_290 = arith.subf %sub3A_289, %mul3A_287 : vector<16xf32>
      %mul3A_291 = arith.constant 8.000000e+00 : f32
      %mul3A_292 = vector.broadcast %mul3A_291 : f32 to vector<16xf32>
      %mul3A_293 = arith.mulf %mul3A_292, %div3A_180 : vector<16xf32>
      %sub3A_294 = arith.constant 1.650000e+01 : f32
      %sub3A_295 = vector.broadcast %sub3A_294 : f32 to vector<16xf32>
      %sub3A_296 = arith.subf %sub3A_295, %mul3A_293 : vector<16xf32>
      %convert_element_type3A = arith.fptosi %sub3A_224 : vector<16xf32> to vector<16xi32>
      %convert_element_type3A_297 = arith.fptosi %sub3A_230 : vector<16xf32> to vector<16xi32>
      %convert_element_type3A_298 = arith.fptosi %sub3A_236 : vector<16xf32> to vector<16xi32>
      %convert_element_type3A_299 = arith.fptosi %sub3A_242 : vector<16xf32> to vector<16xi32>
      %convert_element_type3A_300 = arith.fptosi %sub3A_248 : vector<16xf32> to vector<16xi32>
      %convert_element_type3A_301 = arith.fptosi %sub3A_254 : vector<16xf32> to vector<16xi32>
      %convert_element_type3A_302 = arith.fptosi %sub3A_260 : vector<16xf32> to vector<16xi32>
      %convert_element_type3A_303 = arith.fptosi %sub3A_266 : vector<16xf32> to vector<16xi32>
      %convert_element_type3A_304 = arith.fptosi %sub3A_272 : vector<16xf32> to vector<16xi32>
      %convert_element_type3A_305 = arith.fptosi %sub3A_278 : vector<16xf32> to vector<16xi32>
      %convert_element_type3A_306 = arith.fptosi %sub3A_284 : vector<16xf32> to vector<16xi32>
      %convert_element_type3A_307 = arith.fptosi %sub3A_290 : vector<16xf32> to vector<16xi32>
      %convert_element_type3A_308 = arith.fptosi %sub3A_296 : vector<16xf32> to vector<16xi32>
      %gather3A_309 = tpu.vector_load_idx %arg8[%convert_element_type3A] : memref<32xf32, #tpu.memory_space<vmem>>[vector<16xi32>], vector<16xf32>,
      %gather3A_310 = tpu.vector_load_idx %arg8[%convert_element_type3A_297] : memref<32xf32, #tpu.memory_space<vmem>>[vector<16xi32>], vector<16xf32>,
      %gather3A_311 = tpu.vector_load_idx %arg8[%convert_element_type3A_298] : memref<32xf32, #tpu.memory_space<vmem>>[vector<16xi32>], vector<16xf32>,
      %gather3A_312 = tpu.vector_load_idx %arg8[%convert_element_type3A_299] : memref<32xf32, #tpu.memory_space<vmem>>[vector<16xi32>], vector<16xf32>,
      %gather3A_313 = tpu.vector_load_idx %arg8[%convert_element_type3A_300] : memref<32xf32, #tpu.memory_space<vmem>>[vector<16xi32>], vector<16xf32>,
      %gather3A_314 = tpu.vector_load_idx %arg8[%convert_element_type3A_301] : memref<32xf32, #tpu.memory_space<vmem>>[vector<16xi32>], vector<16xf32>,
      %gather3A_315 = tpu.vector_load_idx %arg8[%convert_element_type3A_302] : memref<32xf32, #tpu.memory_space<vmem>>[vector<16xi32>], vector<16xf32>,
      %gather3A_316 = tpu.vector_load_idx %arg8[%convert_element_type3A_303] : memref<32xf32, #tpu.memory_space<vmem>>[vector<16xi32>], vector<16xf32>,
      %gather3A_317 = tpu.vector_load_idx %arg8[%convert_element_type3A_304] : memref<32xf32, #tpu.memory_space<vmem>>[vector<16xi32>], vector<16xf32>,
      %gather3A_318 = tpu.vector_load_idx %arg8[%convert_element_type3A_305] : memref<32xf32, #tpu.memory_space<vmem>>[vector<16xi32>], vector<16xf32>,
      %gather3A_319 = tpu.vector_load_idx %arg8[%convert_element_type3A_306] : memref<32xf32, #tpu.memory_space<vmem>>[vector<16xi32>], vector<16xf32>,
      %gather3A_320 = tpu.vector_load_idx %arg8[%convert_element_type3A_307] : memref<32xf32, #tpu.memory_space<vmem>>[vector<16xi32>], vector<16xf32>,
      %gather3A_321 = tpu.vector_load_idx %arg8[%convert_element_type3A_308] : memref<32xf32, #tpu.memory_space<vmem>>[vector<16xi32>], vector<16xf32>,
      %gather3A_322 = tpu.vector_load_idx %arg9[%convert_element_type3A] : memref<32xf32, #tpu.memory_space<vmem>>[vector<16xi32>], vector<16xf32>,
      %gather3A_323 = tpu.vector_load_idx %arg9[%convert_element_type3A_297] : memref<32xf32, #tpu.memory_space<vmem>>[vector<16xi32>], vector<16xf32>,
      %gather3A_324 = tpu.vector_load_idx %arg9[%convert_element_type3A_298] : memref<32xf32, #tpu.memory_space<vmem>>[vector<16xi32>], vector<16xf32>,
      %gather3A_325 = tpu.vector_load_idx %arg9[%convert_element_type3A_299] : memref<32xf32, #tpu.memory_space<vmem>>[vector<16xi32>], vector<16xf32>,
      %gather3A_326 = tpu.vector_load_idx %arg9[%convert_element_type3A_300] : memref<32xf32, #tpu.memory_space<vmem>>[vector<16xi32>], vector<16xf32>,
      %gather3A_327 = tpu.vector_load_idx %arg9[%convert_element_type3A_301] : memref<32xf32, #tpu.memory_space<vmem>>[vector<16xi32>], vector<16xf32>,
      %gather3A_328 = tpu.vector_load_idx %arg9[%convert_element_type3A_302] : memref<32xf32, #tpu.memory_space<vmem>>[vector<16xi32>], vector<16xf32>,
      %gather3A_329 = tpu.vector_load_idx %arg9[%convert_element_type3A_303] : memref<32xf32, #tpu.memory_space<vmem>>[vector<16xi32>], vector<16xf32>,
      %gather3A_330 = tpu.vector_load_idx %arg9[%convert_element_type3A_304] : memref<32xf32, #tpu.memory_space<vmem>>[vector<16xi32>], vector<16xf32>,
      %gather3A_331 = tpu.vector_load_idx %arg9[%convert_element_type3A_305] : memref<32xf32, #tpu.memory_space<vmem>>[vector<16xi32>], vector<16xf32>,
      %gather3A_332 = tpu.vector_load_idx %arg9[%convert_element_type3A_306] : memref<32xf32, #tpu.memory_space<vmem>>[vector<16xi32>], vector<16xf32>,
      %gather3A_333 = tpu.vector_load_idx %arg9[%convert_element_type3A_307] : memref<32xf32, #tpu.memory_space<vmem>>[vector<16xi32>], vector<16xf32>,
      %gather3A_334 = tpu.vector_load_idx %arg9[%convert_element_type3A_308] : memref<32xf32, #tpu.memory_space<vmem>>[vector<16xi32>], vector<16xf32>,
      %mul3A_335 = arith.mulf %sub3A_182, %gather3A_322 : vector<16xf32>
      %add3A_336 = arith.addf %gather3A_309, %mul3A_335 : vector<16xf32>
      %add3A_337 = arith.addf %gather3A, %add3A_336 : vector<16xf32>
      %mul3A_338 = arith.mulf %sub3A_185, %gather3A_323 : vector<16xf32>
      %add3A_339 = arith.addf %gather3A_310, %mul3A_338 : vector<16xf32>
      %add3A_340 = arith.addf %gather3A_34, %add3A_339 : vector<16xf32>
      %mul3A_341 = arith.mulf %sub3A_188, %gather3A_324 : vector<16xf32>
      %add3A_342 = arith.addf %gather3A_311, %mul3A_341 : vector<16xf32>
      %add3A_343 = arith.addf %gather3A_38, %add3A_342 : vector<16xf32>
      %mul3A_344 = arith.mulf %sub3A_191, %gather3A_325 : vector<16xf32>
      %add3A_345 = arith.addf %gather3A_312, %mul3A_344 : vector<16xf32>
      %add3A_346 = arith.addf %gather3A_42, %add3A_345 : vector<16xf32>
      %mul3A_347 = arith.mulf %sub3A_194, %gather3A_326 : vector<16xf32>
      %add3A_348 = arith.addf %gather3A_313, %mul3A_347 : vector<16xf32>
      %add3A_349 = arith.addf %gather3A_46, %add3A_348 : vector<16xf32>
      %mul3A_350 = arith.mulf %sub3A_197, %gather3A_327 : vector<16xf32>
      %add3A_351 = arith.addf %gather3A_314, %mul3A_350 : vector<16xf32>
      %add3A_352 = arith.addf %gather3A_50, %add3A_351 : vector<16xf32>
      %mul3A_353 = arith.mulf %sub3A_200, %gather3A_328 : vector<16xf32>
      %add3A_354 = arith.addf %gather3A_315, %mul3A_353 : vector<16xf32>
      %add3A_355 = arith.addf %gather3A_54, %add3A_354 : vector<16xf32>
      %mul3A_356 = arith.mulf %sub3A_203, %gather3A_329 : vector<16xf32>
      %add3A_357 = arith.addf %gather3A_316, %mul3A_356 : vector<16xf32>
      %add3A_358 = arith.addf %gather3A_58, %add3A_357 : vector<16xf32>
      %mul3A_359 = arith.mulf %sub3A_206, %gather3A_330 : vector<16xf32>
      %add3A_360 = arith.addf %gather3A_317, %mul3A_359 : vector<16xf32>
      %add3A_361 = arith.addf %gather3A_62, %add3A_360 : vector<16xf32>
      %mul3A_362 = arith.mulf %sub3A_209, %gather3A_331 : vector<16xf32>
      %add3A_363 = arith.addf %gather3A_318, %mul3A_362 : vector<16xf32>
      %add3A_364 = arith.addf %gather3A_66, %add3A_363 : vector<16xf32>
      %mul3A_365 = arith.mulf %sub3A_212, %gather3A_332 : vector<16xf32>
      %add3A_366 = arith.addf %gather3A_319, %mul3A_365 : vector<16xf32>
      %add3A_367 = arith.addf %gather3A_70, %add3A_366 : vector<16xf32>
      %mul3A_368 = arith.mulf %sub3A_215, %gather3A_333 : vector<16xf32>
      %add3A_369 = arith.addf %gather3A_320, %mul3A_368 : vector<16xf32>
      %add3A_370 = arith.addf %gather3A_74, %add3A_369 : vector<16xf32>
      %mul3A_371 = arith.mulf %sub3A_218, %gather3A_334 : vector<16xf32>
      %add3A_372 = arith.addf %gather3A_321, %mul3A_371 : vector<16xf32>
      %add3A_373 = arith.addf %gather3A_78, %add3A_372 : vector<16xf32>
      %add3A_374 = arith.addf %add3A_337, %add3A_337 : vector<16xf32>
      %exp3A_375 = math.exp %add3A_374 : vector<16xf32>
      %add3A_376 = arith.addf %add3A_340, %add3A_340 : vector<16xf32>
      %exp3A_377 = math.exp %add3A_376 : vector<16xf32>
      %add3A_378 = arith.addf %add3A_343, %add3A_343 : vector<16xf32>
      %exp3A_379 = math.exp %add3A_378 : vector<16xf32>
      %add3A_380 = arith.addf %add3A_346, %add3A_346 : vector<16xf32>
      %exp3A_381 = math.exp %add3A_380 : vector<16xf32>
      %add3A_382 = arith.addf %add3A_349, %add3A_349 : vector<16xf32>
      %exp3A_383 = math.exp %add3A_382 : vector<16xf32>
      %add3A_384 = arith.addf %add3A_352, %add3A_352 : vector<16xf32>
      %exp3A_385 = math.exp %add3A_384 : vector<16xf32>
      %add3A_386 = arith.addf %add3A_355, %add3A_355 : vector<16xf32>
      %exp3A_387 = math.exp %add3A_386 : vector<16xf32>
      %add3A_388 = arith.addf %add3A_358, %add3A_358 : vector<16xf32>
      %exp3A_389 = math.exp %add3A_388 : vector<16xf32>
      %add3A_390 = arith.addf %add3A_361, %add3A_361 : vector<16xf32>
      %exp3A_391 = math.exp %add3A_390 : vector<16xf32>
      %add3A_392 = arith.addf %add3A_364, %add3A_364 : vector<16xf32>
      %exp3A_393 = math.exp %add3A_392 : vector<16xf32>
      %add3A_394 = arith.addf %add3A_367, %add3A_367 : vector<16xf32>
      %exp3A_395 = math.exp %add3A_394 : vector<16xf32>
      %add3A_396 = arith.addf %add3A_370, %add3A_370 : vector<16xf32>
      %exp3A_397 = math.exp %add3A_396 : vector<16xf32>
      %add3A_398 = arith.addf %add3A_373, %add3A_373 : vector<16xf32>
      %exp3A_399 = math.exp %add3A_398 : vector<16xf32>
      %add3A_400 = arith.constant 1.000000e+00 : f32
      %add3A_401 = vector.broadcast %add3A_400 : f32 to vector<16xf32>
      %add3A_402 = arith.addf %exp3A_375, %add3A_401 : vector<16xf32>
      %div3A_403 = arith.constant 2.000000e+00 : f32
      %div3A_404 = vector.broadcast %div3A_403 : f32 to vector<16xf32>
      %div3A_405 = arith.divf %div3A_404, %add3A_402 : vector<16xf32>
      %add3A_406 = arith.constant 1.000000e+00 : f32
      %add3A_407 = vector.broadcast %add3A_406 : f32 to vector<16xf32>
      %add3A_408 = arith.addf %exp3A_377, %add3A_407 : vector<16xf32>
      %div3A_409 = arith.constant 2.000000e+00 : f32
      %div3A_410 = vector.broadcast %div3A_409 : f32 to vector<16xf32>
      %div3A_411 = arith.divf %div3A_410, %add3A_408 : vector<16xf32>
      %add3A_412 = arith.constant 1.000000e+00 : f32
      %add3A_413 = vector.broadcast %add3A_412 : f32 to vector<16xf32>
      %add3A_414 = arith.addf %exp3A_379, %add3A_413 : vector<16xf32>
      %div3A_415 = arith.constant 2.000000e+00 : f32
      %div3A_416 = vector.broadcast %div3A_415 : f32 to vector<16xf32>
      %div3A_417 = arith.divf %div3A_416, %add3A_414 : vector<16xf32>
      %add3A_418 = arith.constant 1.000000e+00 : f32
      %add3A_419 = vector.broadcast %add3A_418 : f32 to vector<16xf32>
      %add3A_420 = arith.addf %exp3A_381, %add3A_419 : vector<16xf32>
      %div3A_421 = arith.constant 2.000000e+00 : f32
      %div3A_422 = vector.broadcast %div3A_421 : f32 to vector<16xf32>
      %div3A_423 = arith.divf %div3A_422, %add3A_420 : vector<16xf32>
      %add3A_424 = arith.constant 1.000000e+00 : f32
      %add3A_425 = vector.broadcast %add3A_424 : f32 to vector<16xf32>
      %add3A_426 = arith.addf %exp3A_383, %add3A_425 : vector<16xf32>
      %div3A_427 = arith.constant 2.000000e+00 : f32
      %div3A_428 = vector.broadcast %div3A_427 : f32 to vector<16xf32>
      %div3A_429 = arith.divf %div3A_428, %add3A_426 : vector<16xf32>
      %add3A_430 = arith.constant 1.000000e+00 : f32
      %add3A_431 = vector.broadcast %add3A_430 : f32 to vector<16xf32>
      %add3A_432 = arith.addf %exp3A_385, %add3A_431 : vector<16xf32>
      %div3A_433 = arith.constant 2.000000e+00 : f32
      %div3A_434 = vector.broadcast %div3A_433 : f32 to vector<16xf32>
      %div3A_435 = arith.divf %div3A_434, %add3A_432 : vector<16xf32>
      %add3A_436 = arith.constant 1.000000e+00 : f32
      %add3A_437 = vector.broadcast %add3A_436 : f32 to vector<16xf32>
      %add3A_438 = arith.addf %exp3A_387, %add3A_437 : vector<16xf32>
      %div3A_439 = arith.constant 2.000000e+00 : f32
      %div3A_440 = vector.broadcast %div3A_439 : f32 to vector<16xf32>
      %div3A_441 = arith.divf %div3A_440, %add3A_438 : vector<16xf32>
      %add3A_442 = arith.constant 1.000000e+00 : f32
      %add3A_443 = vector.broadcast %add3A_442 : f32 to vector<16xf32>
      %add3A_444 = arith.addf %exp3A_389, %add3A_443 : vector<16xf32>
      %div3A_445 = arith.constant 2.000000e+00 : f32
      %div3A_446 = vector.broadcast %div3A_445 : f32 to vector<16xf32>
      %div3A_447 = arith.divf %div3A_446, %add3A_444 : vector<16xf32>
      %add3A_448 = arith.constant 1.000000e+00 : f32
      %add3A_449 = vector.broadcast %add3A_448 : f32 to vector<16xf32>
      %add3A_450 = arith.addf %exp3A_391, %add3A_449 : vector<16xf32>
      %div3A_451 = arith.constant 2.000000e+00 : f32
      %div3A_452 = vector.broadcast %div3A_451 : f32 to vector<16xf32>
      %div3A_453 = arith.divf %div3A_452, %add3A_450 : vector<16xf32>
      %add3A_454 = arith.constant 1.000000e+00 : f32
      %add3A_455 = vector.broadcast %add3A_454 : f32 to vector<16xf32>
      %add3A_456 = arith.addf %exp3A_393, %add3A_455 : vector<16xf32>
      %div3A_457 = arith.constant 2.000000e+00 : f32
      %div3A_458 = vector.broadcast %div3A_457 : f32 to vector<16xf32>
      %div3A_459 = arith.divf %div3A_458, %add3A_456 : vector<16xf32>
      %add3A_460 = arith.constant 1.000000e+00 : f32
      %add3A_461 = vector.broadcast %add3A_460 : f32 to vector<16xf32>
      %add3A_462 = arith.addf %exp3A_395, %add3A_461 : vector<16xf32>
      %div3A_463 = arith.constant 2.000000e+00 : f32
      %div3A_464 = vector.broadcast %div3A_463 : f32 to vector<16xf32>
      %div3A_465 = arith.divf %div3A_464, %add3A_462 : vector<16xf32>
      %add3A_466 = arith.constant 1.000000e+00 : f32
      %add3A_467 = vector.broadcast %add3A_466 : f32 to vector<16xf32>
      %add3A_468 = arith.addf %exp3A_397, %add3A_467 : vector<16xf32>
      %div3A_469 = arith.constant 2.000000e+00 : f32
      %div3A_470 = vector.broadcast %div3A_469 : f32 to vector<16xf32>
      %div3A_471 = arith.divf %div3A_470, %add3A_468 : vector<16xf32>
      %add3A_472 = arith.constant 1.000000e+00 : f32
      %add3A_473 = vector.broadcast %add3A_472 : f32 to vector<16xf32>
      %add3A_474 = arith.addf %exp3A_399, %add3A_473 : vector<16xf32>
      %div3A_475 = arith.constant 2.000000e+00 : f32
      %div3A_476 = vector.broadcast %div3A_475 : f32 to vector<16xf32>
      %div3A_477 = arith.divf %div3A_476, %add3A_474 : vector<16xf32>
      %sub3A_478 = arith.constant 1.000000e+00 : f32
      %sub3A_479 = vector.broadcast %sub3A_478 : f32 to vector<16xf32>
      %sub3A_480 = arith.subf %sub3A_479, %div3A_405 : vector<16xf32>
      %sub3A_481 = arith.constant 1.000000e+00 : f32
      %sub3A_482 = vector.broadcast %sub3A_481 : f32 to vector<16xf32>
      %sub3A_483 = arith.subf %sub3A_482, %div3A_411 : vector<16xf32>
      %sub3A_484 = arith.constant 1.000000e+00 : f32
      %sub3A_485 = vector.broadcast %sub3A_484 : f32 to vector<16xf32>
      %sub3A_486 = arith.subf %sub3A_485, %div3A_417 : vector<16xf32>
      %sub3A_487 = arith.constant 1.000000e+00 : f32
      %sub3A_488 = vector.broadcast %sub3A_487 : f32 to vector<16xf32>
      %sub3A_489 = arith.subf %sub3A_488, %div3A_423 : vector<16xf32>
      %sub3A_490 = arith.constant 1.000000e+00 : f32
      %sub3A_491 = vector.broadcast %sub3A_490 : f32 to vector<16xf32>
      %sub3A_492 = arith.subf %sub3A_491, %div3A_429 : vector<16xf32>
      %sub3A_493 = arith.constant 1.000000e+00 : f32
      %sub3A_494 = vector.broadcast %sub3A_493 : f32 to vector<16xf32>
      %sub3A_495 = arith.subf %sub3A_494, %div3A_435 : vector<16xf32>
      %sub3A_496 = arith.constant 1.000000e+00 : f32
      %sub3A_497 = vector.broadcast %sub3A_496 : f32 to vector<16xf32>
      %sub3A_498 = arith.subf %sub3A_497, %div3A_441 : vector<16xf32>
      %sub3A_499 = arith.constant 1.000000e+00 : f32
      %sub3A_500 = vector.broadcast %sub3A_499 : f32 to vector<16xf32>
      %sub3A_501 = arith.subf %sub3A_500, %div3A_447 : vector<16xf32>
      %sub3A_502 = arith.constant 1.000000e+00 : f32
      %sub3A_503 = vector.broadcast %sub3A_502 : f32 to vector<16xf32>
      %sub3A_504 = arith.subf %sub3A_503, %div3A_453 : vector<16xf32>
      %sub3A_505 = arith.constant 1.000000e+00 : f32
      %sub3A_506 = vector.broadcast %sub3A_505 : f32 to vector<16xf32>
      %sub3A_507 = arith.subf %sub3A_506, %div3A_459 : vector<16xf32>
      %sub3A_508 = arith.constant 1.000000e+00 : f32
      %sub3A_509 = vector.broadcast %sub3A_508 : f32 to vector<16xf32>
      %sub3A_510 = arith.subf %sub3A_509, %div3A_465 : vector<16xf32>
      %sub3A_511 = arith.constant 1.000000e+00 : f32
      %sub3A_512 = vector.broadcast %sub3A_511 : f32 to vector<16xf32>
      %sub3A_513 = arith.subf %sub3A_512, %div3A_471 : vector<16xf32>
      %sub3A_514 = arith.constant 1.000000e+00 : f32
      %sub3A_515 = vector.broadcast %sub3A_514 : f32 to vector<16xf32>
      %sub3A_516 = arith.subf %sub3A_515, %div3A_477 : vector<16xf32>
      %mul3A_517 = arith.constant 8.000000e+00 : f32
      %mul3A_518 = vector.broadcast %mul3A_517 : f32 to vector<16xf32>
      %mul3A_519 = arith.mulf %mul3A_518, %div3A_405 : vector<16xf32>
      %sub3A_520 = arith.constant 1.650000e+01 : f32
      %sub3A_521 = vector.broadcast %sub3A_520 : f32 to vector<16xf32>
      %sub3A_522 = arith.subf %sub3A_521, %mul3A_519 : vector<16xf32>
      %mul3A_523 = arith.constant 8.000000e+00 : f32
      %mul3A_524 = vector.broadcast %mul3A_523 : f32 to vector<16xf32>
      %mul3A_525 = arith.mulf %mul3A_524, %div3A_411 : vector<16xf32>
      %sub3A_526 = arith.constant 1.650000e+01 : f32
      %sub3A_527 = vector.broadcast %sub3A_526 : f32 to vector<16xf32>
      %sub3A_528 = arith.subf %sub3A_527, %mul3A_525 : vector<16xf32>
      %mul3A_529 = arith.constant 8.000000e+00 : f32
      %mul3A_530 = vector.broadcast %mul3A_529 : f32 to vector<16xf32>
      %mul3A_531 = arith.mulf %mul3A_530, %div3A_417 : vector<16xf32>
      %sub3A_532 = arith.constant 1.650000e+01 : f32
      %sub3A_533 = vector.broadcast %sub3A_532 : f32 to vector<16xf32>
      %sub3A_534 = arith.subf %sub3A_533, %mul3A_531 : vector<16xf32>
      %mul3A_535 = arith.constant 8.000000e+00 : f32
      %mul3A_536 = vector.broadcast %mul3A_535 : f32 to vector<16xf32>
      %mul3A_537 = arith.mulf %mul3A_536, %div3A_423 : vector<16xf32>
      %sub3A_538 = arith.constant 1.650000e+01 : f32
      %sub3A_539 = vector.broadcast %sub3A_538 : f32 to vector<16xf32>
      %sub3A_540 = arith.subf %sub3A_539, %mul3A_537 : vector<16xf32>
      %mul3A_541 = arith.constant 8.000000e+00 : f32
      %mul3A_542 = vector.broadcast %mul3A_541 : f32 to vector<16xf32>
      %mul3A_543 = arith.mulf %mul3A_542, %div3A_429 : vector<16xf32>
      %sub3A_544 = arith.constant 1.650000e+01 : f32
      %sub3A_545 = vector.broadcast %sub3A_544 : f32 to vector<16xf32>
      %sub3A_546 = arith.subf %sub3A_545, %mul3A_543 : vector<16xf32>
      %mul3A_547 = arith.constant 8.000000e+00 : f32
      %mul3A_548 = vector.broadcast %mul3A_547 : f32 to vector<16xf32>
      %mul3A_549 = arith.mulf %mul3A_548, %div3A_435 : vector<16xf32>
      %sub3A_550 = arith.constant 1.650000e+01 : f32
      %sub3A_551 = vector.broadcast %sub3A_550 : f32 to vector<16xf32>
      %sub3A_552 = arith.subf %sub3A_551, %mul3A_549 : vector<16xf32>
      %mul3A_553 = arith.constant 8.000000e+00 : f32
      %mul3A_554 = vector.broadcast %mul3A_553 : f32 to vector<16xf32>
      %mul3A_555 = arith.mulf %mul3A_554, %div3A_441 : vector<16xf32>
      %sub3A_556 = arith.constant 1.650000e+01 : f32
      %sub3A_557 = vector.broadcast %sub3A_556 : f32 to vector<16xf32>
      %sub3A_558 = arith.subf %sub3A_557, %mul3A_555 : vector<16xf32>
      %mul3A_559 = arith.constant 8.000000e+00 : f32
      %mul3A_560 = vector.broadcast %mul3A_559 : f32 to vector<16xf32>
      %mul3A_561 = arith.mulf %mul3A_560, %div3A_447 : vector<16xf32>
      %sub3A_562 = arith.constant 1.650000e+01 : f32
      %sub3A_563 = vector.broadcast %sub3A_562 : f32 to vector<16xf32>
      %sub3A_564 = arith.subf %sub3A_563, %mul3A_561 : vector<16xf32>
      %mul3A_565 = arith.constant 8.000000e+00 : f32
      %mul3A_566 = vector.broadcast %mul3A_565 : f32 to vector<16xf32>
      %mul3A_567 = arith.mulf %mul3A_566, %div3A_453 : vector<16xf32>
      %sub3A_568 = arith.constant 1.650000e+01 : f32
      %sub3A_569 = vector.broadcast %sub3A_568 : f32 to vector<16xf32>
      %sub3A_570 = arith.subf %sub3A_569, %mul3A_567 : vector<16xf32>
      %mul3A_571 = arith.constant 8.000000e+00 : f32
      %mul3A_572 = vector.broadcast %mul3A_571 : f32 to vector<16xf32>
      %mul3A_573 = arith.mulf %mul3A_572, %div3A_459 : vector<16xf32>
      %sub3A_574 = arith.constant 1.650000e+01 : f32
      %sub3A_575 = vector.broadcast %sub3A_574 : f32 to vector<16xf32>
      %sub3A_576 = arith.subf %sub3A_575, %mul3A_573 : vector<16xf32>
      %mul3A_577 = arith.constant 8.000000e+00 : f32
      %mul3A_578 = vector.broadcast %mul3A_577 : f32 to vector<16xf32>
      %mul3A_579 = arith.mulf %mul3A_578, %div3A_465 : vector<16xf32>
      %sub3A_580 = arith.constant 1.650000e+01 : f32
      %sub3A_581 = vector.broadcast %sub3A_580 : f32 to vector<16xf32>
      %sub3A_582 = arith.subf %sub3A_581, %mul3A_579 : vector<16xf32>
      %mul3A_583 = arith.constant 8.000000e+00 : f32
      %mul3A_584 = vector.broadcast %mul3A_583 : f32 to vector<16xf32>
      %mul3A_585 = arith.mulf %mul3A_584, %div3A_471 : vector<16xf32>
      %sub3A_586 = arith.constant 1.650000e+01 : f32
      %sub3A_587 = vector.broadcast %sub3A_586 : f32 to vector<16xf32>
      %sub3A_588 = arith.subf %sub3A_587, %mul3A_585 : vector<16xf32>
      %mul3A_589 = arith.constant 8.000000e+00 : f32
      %mul3A_590 = vector.broadcast %mul3A_589 : f32 to vector<16xf32>
      %mul3A_591 = arith.mulf %mul3A_590, %div3A_477 : vector<16xf32>
      %sub3A_592 = arith.constant 1.650000e+01 : f32
      %sub3A_593 = vector.broadcast %sub3A_592 : f32 to vector<16xf32>
      %sub3A_594 = arith.subf %sub3A_593, %mul3A_591 : vector<16xf32>
      %convert_element_type3A_595 = arith.fptosi %sub3A_522 : vector<16xf32> to vector<16xi32>
      %convert_element_type3A_596 = arith.fptosi %sub3A_528 : vector<16xf32> to vector<16xi32>
      %convert_element_type3A_597 = arith.fptosi %sub3A_534 : vector<16xf32> to vector<16xi32>
      %convert_element_type3A_598 = arith.fptosi %sub3A_540 : vector<16xf32> to vector<16xi32>
      %convert_element_type3A_599 = arith.fptosi %sub3A_546 : vector<16xf32> to vector<16xi32>
      %convert_element_type3A_600 = arith.fptosi %sub3A_552 : vector<16xf32> to vector<16xi32>
      %convert_element_type3A_601 = arith.fptosi %sub3A_558 : vector<16xf32> to vector<16xi32>
      %convert_element_type3A_602 = arith.fptosi %sub3A_564 : vector<16xf32> to vector<16xi32>
      %convert_element_type3A_603 = arith.fptosi %sub3A_570 : vector<16xf32> to vector<16xi32>
      %convert_element_type3A_604 = arith.fptosi %sub3A_576 : vector<16xf32> to vector<16xi32>
      %convert_element_type3A_605 = arith.fptosi %sub3A_582 : vector<16xf32> to vector<16xi32>
      %convert_element_type3A_606 = arith.fptosi %sub3A_588 : vector<16xf32> to vector<16xi32>
      %convert_element_type3A_607 = arith.fptosi %sub3A_594 : vector<16xf32> to vector<16xi32>
      %gather3A_608 = tpu.vector_load_idx %arg8[%convert_element_type3A_595] : memref<32xf32, #tpu.memory_space<vmem>>[vector<16xi32>], vector<16xf32>,
      %gather3A_609 = tpu.vector_load_idx %arg8[%convert_element_type3A_596] : memref<32xf32, #tpu.memory_space<vmem>>[vector<16xi32>], vector<16xf32>,
      %gather3A_610 = tpu.vector_load_idx %arg8[%convert_element_type3A_597] : memref<32xf32, #tpu.memory_space<vmem>>[vector<16xi32>], vector<16xf32>,
      %gather3A_611 = tpu.vector_load_idx %arg8[%convert_element_type3A_598] : memref<32xf32, #tpu.memory_space<vmem>>[vector<16xi32>], vector<16xf32>,
      %gather3A_612 = tpu.vector_load_idx %arg8[%convert_element_type3A_599] : memref<32xf32, #tpu.memory_space<vmem>>[vector<16xi32>], vector<16xf32>,
      %gather3A_613 = tpu.vector_load_idx %arg8[%convert_element_type3A_600] : memref<32xf32, #tpu.memory_space<vmem>>[vector<16xi32>], vector<16xf32>,
      %gather3A_614 = tpu.vector_load_idx %arg8[%convert_element_type3A_601] : memref<32xf32, #tpu.memory_space<vmem>>[vector<16xi32>], vector<16xf32>,
      %gather3A_615 = tpu.vector_load_idx %arg8[%convert_element_type3A_602] : memref<32xf32, #tpu.memory_space<vmem>>[vector<16xi32>], vector<16xf32>,
      %gather3A_616 = tpu.vector_load_idx %arg8[%convert_element_type3A_603] : memref<32xf32, #tpu.memory_space<vmem>>[vector<16xi32>], vector<16xf32>,
      %gather3A_617 = tpu.vector_load_idx %arg8[%convert_element_type3A_604] : memref<32xf32, #tpu.memory_space<vmem>>[vector<16xi32>], vector<16xf32>,
      %gather3A_618 = tpu.vector_load_idx %arg8[%convert_element_type3A_605] : memref<32xf32, #tpu.memory_space<vmem>>[vector<16xi32>], vector<16xf32>,
      %gather3A_619 = tpu.vector_load_idx %arg8[%convert_element_type3A_606] : memref<32xf32, #tpu.memory_space<vmem>>[vector<16xi32>], vector<16xf32>,
      %gather3A_620 = tpu.vector_load_idx %arg8[%convert_element_type3A_607] : memref<32xf32, #tpu.memory_space<vmem>>[vector<16xi32>], vector<16xf32>,
      %gather3A_621 = tpu.vector_load_idx %arg9[%convert_element_type3A_595] : memref<32xf32, #tpu.memory_space<vmem>>[vector<16xi32>], vector<16xf32>,
      %gather3A_622 = tpu.vector_load_idx %arg9[%convert_element_type3A_596] : memref<32xf32, #tpu.memory_space<vmem>>[vector<16xi32>], vector<16xf32>,
      %gather3A_623 = tpu.vector_load_idx %arg9[%convert_element_type3A_597] : memref<32xf32, #tpu.memory_space<vmem>>[vector<16xi32>], vector<16xf32>,
      %gather3A_624 = tpu.vector_load_idx %arg9[%convert_element_type3A_598] : memref<32xf32, #tpu.memory_space<vmem>>[vector<16xi32>], vector<16xf32>,
      %gather3A_625 = tpu.vector_load_idx %arg9[%convert_element_type3A_599] : memref<32xf32, #tpu.memory_space<vmem>>[vector<16xi32>], vector<16xf32>,
      %gather3A_626 = tpu.vector_load_idx %arg9[%convert_element_type3A_600] : memref<32xf32, #tpu.memory_space<vmem>>[vector<16xi32>], vector<16xf32>,
      %gather3A_627 = tpu.vector_load_idx %arg9[%convert_element_type3A_601] : memref<32xf32, #tpu.memory_space<vmem>>[vector<16xi32>], vector<16xf32>,
      %gather3A_628 = tpu.vector_load_idx %arg9[%convert_element_type3A_602] : memref<32xf32, #tpu.memory_space<vmem>>[vector<16xi32>], vector<16xf32>,
      %gather3A_629 = tpu.vector_load_idx %arg9[%convert_element_type3A_603] : memref<32xf32, #tpu.memory_space<vmem>>[vector<16xi32>], vector<16xf32>,
      %gather3A_630 = tpu.vector_load_idx %arg9[%convert_element_type3A_604] : memref<32xf32, #tpu.memory_space<vmem>>[vector<16xi32>], vector<16xf32>,
      %gather3A_631 = tpu.vector_load_idx %arg9[%convert_element_type3A_605] : memref<32xf32, #tpu.memory_space<vmem>>[vector<16xi32>], vector<16xf32>,
      %gather3A_632 = tpu.vector_load_idx %arg9[%convert_element_type3A_606] : memref<32xf32, #tpu.memory_space<vmem>>[vector<16xi32>], vector<16xf32>,
      %gather3A_633 = tpu.vector_load_idx %arg9[%convert_element_type3A_607] : memref<32xf32, #tpu.memory_space<vmem>>[vector<16xi32>], vector<16xf32>,
      %mul3A_634 = arith.mulf %sub3A_480, %gather3A_621 : vector<16xf32>
      %add3A_635 = arith.addf %gather3A_608, %mul3A_634 : vector<16xf32>
      %add3A_636 = arith.addf %add3A_337, %add3A_635 : vector<16xf32>
      %mul3A_637 = arith.mulf %sub3A_483, %gather3A_622 : vector<16xf32>
      %add3A_638 = arith.addf %gather3A_609, %mul3A_637 : vector<16xf32>
      %add3A_639 = arith.addf %add3A_340, %add3A_638 : vector<16xf32>
      %mul3A_640 = arith.mulf %sub3A_486, %gather3A_623 : vector<16xf32>
      %add3A_641 = arith.addf %gather3A_610, %mul3A_640 : vector<16xf32>
      %add3A_642 = arith.addf %add3A_343, %add3A_641 : vector<16xf32>
      %mul3A_643 = arith.mulf %sub3A_489, %gather3A_624 : vector<16xf32>
      %add3A_644 = arith.addf %gather3A_611, %mul3A_643 : vector<16xf32>
      %add3A_645 = arith.addf %add3A_346, %add3A_644 : vector<16xf32>
      %mul3A_646 = arith.mulf %sub3A_492, %gather3A_625 : vector<16xf32>
      %add3A_647 = arith.addf %gather3A_612, %mul3A_646 : vector<16xf32>
      %add3A_648 = arith.addf %add3A_349, %add3A_647 : vector<16xf32>
      %mul3A_649 = arith.mulf %sub3A_495, %gather3A_626 : vector<16xf32>
      %add3A_650 = arith.addf %gather3A_613, %mul3A_649 : vector<16xf32>
      %add3A_651 = arith.addf %add3A_352, %add3A_650 : vector<16xf32>
      %mul3A_652 = arith.mulf %sub3A_498, %gather3A_627 : vector<16xf32>
      %add3A_653 = arith.addf %gather3A_614, %mul3A_652 : vector<16xf32>
      %add3A_654 = arith.addf %add3A_355, %add3A_653 : vector<16xf32>
      %mul3A_655 = arith.mulf %sub3A_501, %gather3A_628 : vector<16xf32>
      %add3A_656 = arith.addf %gather3A_615, %mul3A_655 : vector<16xf32>
      %add3A_657 = arith.addf %add3A_358, %add3A_656 : vector<16xf32>
      %mul3A_658 = arith.mulf %sub3A_504, %gather3A_629 : vector<16xf32>
      %add3A_659 = arith.addf %gather3A_616, %mul3A_658 : vector<16xf32>
      %add3A_660 = arith.addf %add3A_361, %add3A_659 : vector<16xf32>
      %mul3A_661 = arith.mulf %sub3A_507, %gather3A_630 : vector<16xf32>
      %add3A_662 = arith.addf %gather3A_617, %mul3A_661 : vector<16xf32>
      %add3A_663 = arith.addf %add3A_364, %add3A_662 : vector<16xf32>
      %mul3A_664 = arith.mulf %sub3A_510, %gather3A_631 : vector<16xf32>
      %add3A_665 = arith.addf %gather3A_618, %mul3A_664 : vector<16xf32>
      %add3A_666 = arith.addf %add3A_367, %add3A_665 : vector<16xf32>
      %mul3A_667 = arith.mulf %sub3A_513, %gather3A_632 : vector<16xf32>
      %add3A_668 = arith.addf %gather3A_619, %mul3A_667 : vector<16xf32>
      %add3A_669 = arith.addf %add3A_370, %add3A_668 : vector<16xf32>
      %mul3A_670 = arith.mulf %sub3A_516, %gather3A_633 : vector<16xf32>
      %add3A_671 = arith.addf %gather3A_620, %mul3A_670 : vector<16xf32>
      %add3A_672 = arith.addf %add3A_373, %add3A_671 : vector<16xf32>
      %add3A_673 = arith.addf %add3A_636, %add3A_636 : vector<16xf32>
      %exp3A_674 = math.exp %add3A_673 : vector<16xf32>
      %add3A_675 = arith.addf %add3A_639, %add3A_639 : vector<16xf32>
      %exp3A_676 = math.exp %add3A_675 : vector<16xf32>
      %add3A_677 = arith.addf %add3A_642, %add3A_642 : vector<16xf32>
      %exp3A_678 = math.exp %add3A_677 : vector<16xf32>
      %add3A_679 = arith.addf %add3A_645, %add3A_645 : vector<16xf32>
      %exp3A_680 = math.exp %add3A_679 : vector<16xf32>
      %add3A_681 = arith.addf %add3A_648, %add3A_648 : vector<16xf32>
      %exp3A_682 = math.exp %add3A_681 : vector<16xf32>
      %add3A_683 = arith.addf %add3A_651, %add3A_651 : vector<16xf32>
      %exp3A_684 = math.exp %add3A_683 : vector<16xf32>
      %add3A_685 = arith.addf %add3A_654, %add3A_654 : vector<16xf32>
      %exp3A_686 = math.exp %add3A_685 : vector<16xf32>
      %add3A_687 = arith.addf %add3A_657, %add3A_657 : vector<16xf32>
      %exp3A_688 = math.exp %add3A_687 : vector<16xf32>
      %add3A_689 = arith.addf %add3A_660, %add3A_660 : vector<16xf32>
      %exp3A_690 = math.exp %add3A_689 : vector<16xf32>
      %add3A_691 = arith.addf %add3A_663, %add3A_663 : vector<16xf32>
      %exp3A_692 = math.exp %add3A_691 : vector<16xf32>
      %add3A_693 = arith.addf %add3A_666, %add3A_666 : vector<16xf32>
      %exp3A_694 = math.exp %add3A_693 : vector<16xf32>
      %add3A_695 = arith.addf %add3A_669, %add3A_669 : vector<16xf32>
      %exp3A_696 = math.exp %add3A_695 : vector<16xf32>
      %add3A_697 = arith.addf %add3A_672, %add3A_672 : vector<16xf32>
      %exp3A_698 = math.exp %add3A_697 : vector<16xf32>
      %add3A_699 = arith.constant 1.000000e+00 : f32
      %add3A_700 = vector.broadcast %add3A_699 : f32 to vector<16xf32>
      %add3A_701 = arith.addf %exp3A_674, %add3A_700 : vector<16xf32>
      %div3A_702 = arith.constant 2.000000e+00 : f32
      %div3A_703 = vector.broadcast %div3A_702 : f32 to vector<16xf32>
      %div3A_704 = arith.divf %div3A_703, %add3A_701 : vector<16xf32>
      %add3A_705 = arith.constant 1.000000e+00 : f32
      %add3A_706 = vector.broadcast %add3A_705 : f32 to vector<16xf32>
      %add3A_707 = arith.addf %exp3A_676, %add3A_706 : vector<16xf32>
      %div3A_708 = arith.constant 2.000000e+00 : f32
      %div3A_709 = vector.broadcast %div3A_708 : f32 to vector<16xf32>
      %div3A_710 = arith.divf %div3A_709, %add3A_707 : vector<16xf32>
      %add3A_711 = arith.constant 1.000000e+00 : f32
      %add3A_712 = vector.broadcast %add3A_711 : f32 to vector<16xf32>
      %add3A_713 = arith.addf %exp3A_678, %add3A_712 : vector<16xf32>
      %div3A_714 = arith.constant 2.000000e+00 : f32
      %div3A_715 = vector.broadcast %div3A_714 : f32 to vector<16xf32>
      %div3A_716 = arith.divf %div3A_715, %add3A_713 : vector<16xf32>
      %add3A_717 = arith.constant 1.000000e+00 : f32
      %add3A_718 = vector.broadcast %add3A_717 : f32 to vector<16xf32>
      %add3A_719 = arith.addf %exp3A_680, %add3A_718 : vector<16xf32>
      %div3A_720 = arith.constant 2.000000e+00 : f32
      %div3A_721 = vector.broadcast %div3A_720 : f32 to vector<16xf32>
      %div3A_722 = arith.divf %div3A_721, %add3A_719 : vector<16xf32>
      %add3A_723 = arith.constant 1.000000e+00 : f32
      %add3A_724 = vector.broadcast %add3A_723 : f32 to vector<16xf32>
      %add3A_725 = arith.addf %exp3A_682, %add3A_724 : vector<16xf32>
      %div3A_726 = arith.constant 2.000000e+00 : f32
      %div3A_727 = vector.broadcast %div3A_726 : f32 to vector<16xf32>
      %div3A_728 = arith.divf %div3A_727, %add3A_725 : vector<16xf32>
      %add3A_729 = arith.constant 1.000000e+00 : f32
      %add3A_730 = vector.broadcast %add3A_729 : f32 to vector<16xf32>
      %add3A_731 = arith.addf %exp3A_684, %add3A_730 : vector<16xf32>
      %div3A_732 = arith.constant 2.000000e+00 : f32
      %div3A_733 = vector.broadcast %div3A_732 : f32 to vector<16xf32>
      %div3A_734 = arith.divf %div3A_733, %add3A_731 : vector<16xf32>
      %add3A_735 = arith.constant 1.000000e+00 : f32
      %add3A_736 = vector.broadcast %add3A_735 : f32 to vector<16xf32>
      %add3A_737 = arith.addf %exp3A_686, %add3A_736 : vector<16xf32>
      %div3A_738 = arith.constant 2.000000e+00 : f32
      %div3A_739 = vector.broadcast %div3A_738 : f32 to vector<16xf32>
      %div3A_740 = arith.divf %div3A_739, %add3A_737 : vector<16xf32>
      %add3A_741 = arith.constant 1.000000e+00 : f32
      %add3A_742 = vector.broadcast %add3A_741 : f32 to vector<16xf32>
      %add3A_743 = arith.addf %exp3A_688, %add3A_742 : vector<16xf32>
      %div3A_744 = arith.constant 2.000000e+00 : f32
      %div3A_745 = vector.broadcast %div3A_744 : f32 to vector<16xf32>
      %div3A_746 = arith.divf %div3A_745, %add3A_743 : vector<16xf32>
      %add3A_747 = arith.constant 1.000000e+00 : f32
      %add3A_748 = vector.broadcast %add3A_747 : f32 to vector<16xf32>
      %add3A_749 = arith.addf %exp3A_690, %add3A_748 : vector<16xf32>
      %div3A_750 = arith.constant 2.000000e+00 : f32
      %div3A_751 = vector.broadcast %div3A_750 : f32 to vector<16xf32>
      %div3A_752 = arith.divf %div3A_751, %add3A_749 : vector<16xf32>
      %add3A_753 = arith.constant 1.000000e+00 : f32
      %add3A_754 = vector.broadcast %add3A_753 : f32 to vector<16xf32>
      %add3A_755 = arith.addf %exp3A_692, %add3A_754 : vector<16xf32>
      %div3A_756 = arith.constant 2.000000e+00 : f32
      %div3A_757 = vector.broadcast %div3A_756 : f32 to vector<16xf32>
      %div3A_758 = arith.divf %div3A_757, %add3A_755 : vector<16xf32>
      %add3A_759 = arith.constant 1.000000e+00 : f32
      %add3A_760 = vector.broadcast %add3A_759 : f32 to vector<16xf32>
      %add3A_761 = arith.addf %exp3A_694, %add3A_760 : vector<16xf32>
      %div3A_762 = arith.constant 2.000000e+00 : f32
      %div3A_763 = vector.broadcast %div3A_762 : f32 to vector<16xf32>
      %div3A_764 = arith.divf %div3A_763, %add3A_761 : vector<16xf32>
      %add3A_765 = arith.constant 1.000000e+00 : f32
      %add3A_766 = vector.broadcast %add3A_765 : f32 to vector<16xf32>
      %add3A_767 = arith.addf %exp3A_696, %add3A_766 : vector<16xf32>
      %div3A_768 = arith.constant 2.000000e+00 : f32
      %div3A_769 = vector.broadcast %div3A_768 : f32 to vector<16xf32>
      %div3A_770 = arith.divf %div3A_769, %add3A_767 : vector<16xf32>
      %add3A_771 = arith.constant 1.000000e+00 : f32
      %add3A_772 = vector.broadcast %add3A_771 : f32 to vector<16xf32>
      %add3A_773 = arith.addf %exp3A_698, %add3A_772 : vector<16xf32>
      %div3A_774 = arith.constant 2.000000e+00 : f32
      %div3A_775 = vector.broadcast %div3A_774 : f32 to vector<16xf32>
      %div3A_776 = arith.divf %div3A_775, %add3A_773 : vector<16xf32>
      %sub3A_777 = arith.constant 1.000000e+00 : f32
      %sub3A_778 = vector.broadcast %sub3A_777 : f32 to vector<16xf32>
      %sub3A_779 = arith.subf %sub3A_778, %div3A_704 : vector<16xf32>
      %sub3A_780 = arith.constant 1.000000e+00 : f32
      %sub3A_781 = vector.broadcast %sub3A_780 : f32 to vector<16xf32>
      %sub3A_782 = arith.subf %sub3A_781, %div3A_710 : vector<16xf32>
      %sub3A_783 = arith.constant 1.000000e+00 : f32
      %sub3A_784 = vector.broadcast %sub3A_783 : f32 to vector<16xf32>
      %sub3A_785 = arith.subf %sub3A_784, %div3A_716 : vector<16xf32>
      %sub3A_786 = arith.constant 1.000000e+00 : f32
      %sub3A_787 = vector.broadcast %sub3A_786 : f32 to vector<16xf32>
      %sub3A_788 = arith.subf %sub3A_787, %div3A_722 : vector<16xf32>
      %sub3A_789 = arith.constant 1.000000e+00 : f32
      %sub3A_790 = vector.broadcast %sub3A_789 : f32 to vector<16xf32>
      %sub3A_791 = arith.subf %sub3A_790, %div3A_728 : vector<16xf32>
      %sub3A_792 = arith.constant 1.000000e+00 : f32
      %sub3A_793 = vector.broadcast %sub3A_792 : f32 to vector<16xf32>
      %sub3A_794 = arith.subf %sub3A_793, %div3A_734 : vector<16xf32>
      %sub3A_795 = arith.constant 1.000000e+00 : f32
      %sub3A_796 = vector.broadcast %sub3A_795 : f32 to vector<16xf32>
      %sub3A_797 = arith.subf %sub3A_796, %div3A_740 : vector<16xf32>
      %sub3A_798 = arith.constant 1.000000e+00 : f32
      %sub3A_799 = vector.broadcast %sub3A_798 : f32 to vector<16xf32>
      %sub3A_800 = arith.subf %sub3A_799, %div3A_746 : vector<16xf32>
      %sub3A_801 = arith.constant 1.000000e+00 : f32
      %sub3A_802 = vector.broadcast %sub3A_801 : f32 to vector<16xf32>
      %sub3A_803 = arith.subf %sub3A_802, %div3A_752 : vector<16xf32>
      %sub3A_804 = arith.constant 1.000000e+00 : f32
      %sub3A_805 = vector.broadcast %sub3A_804 : f32 to vector<16xf32>
      %sub3A_806 = arith.subf %sub3A_805, %div3A_758 : vector<16xf32>
      %sub3A_807 = arith.constant 1.000000e+00 : f32
      %sub3A_808 = vector.broadcast %sub3A_807 : f32 to vector<16xf32>
      %sub3A_809 = arith.subf %sub3A_808, %div3A_764 : vector<16xf32>
      %sub3A_810 = arith.constant 1.000000e+00 : f32
      %sub3A_811 = vector.broadcast %sub3A_810 : f32 to vector<16xf32>
      %sub3A_812 = arith.subf %sub3A_811, %div3A_770 : vector<16xf32>
      %sub3A_813 = arith.constant 1.000000e+00 : f32
      %sub3A_814 = vector.broadcast %sub3A_813 : f32 to vector<16xf32>
      %sub3A_815 = arith.subf %sub3A_814, %div3A_776 : vector<16xf32>
      %mul3A_816 = arith.constant 8.000000e+00 : f32
      %mul3A_817 = vector.broadcast %mul3A_816 : f32 to vector<16xf32>
      %mul3A_818 = arith.mulf %mul3A_817, %div3A_704 : vector<16xf32>
      %sub3A_819 = arith.constant 1.650000e+01 : f32
      %sub3A_820 = vector.broadcast %sub3A_819 : f32 to vector<16xf32>
      %sub3A_821 = arith.subf %sub3A_820, %mul3A_818 : vector<16xf32>
      %mul3A_822 = arith.constant 8.000000e+00 : f32
      %mul3A_823 = vector.broadcast %mul3A_822 : f32 to vector<16xf32>
      %mul3A_824 = arith.mulf %mul3A_823, %div3A_710 : vector<16xf32>
      %sub3A_825 = arith.constant 1.650000e+01 : f32
      %sub3A_826 = vector.broadcast %sub3A_825 : f32 to vector<16xf32>
      %sub3A_827 = arith.subf %sub3A_826, %mul3A_824 : vector<16xf32>
      %mul3A_828 = arith.constant 8.000000e+00 : f32
      %mul3A_829 = vector.broadcast %mul3A_828 : f32 to vector<16xf32>
      %mul3A_830 = arith.mulf %mul3A_829, %div3A_716 : vector<16xf32>
      %sub3A_831 = arith.constant 1.650000e+01 : f32
      %sub3A_832 = vector.broadcast %sub3A_831 : f32 to vector<16xf32>
      %sub3A_833 = arith.subf %sub3A_832, %mul3A_830 : vector<16xf32>
      %mul3A_834 = arith.constant 8.000000e+00 : f32
      %mul3A_835 = vector.broadcast %mul3A_834 : f32 to vector<16xf32>
      %mul3A_836 = arith.mulf %mul3A_835, %div3A_722 : vector<16xf32>
      %sub3A_837 = arith.constant 1.650000e+01 : f32
      %sub3A_838 = vector.broadcast %sub3A_837 : f32 to vector<16xf32>
      %sub3A_839 = arith.subf %sub3A_838, %mul3A_836 : vector<16xf32>
      %mul3A_840 = arith.constant 8.000000e+00 : f32
      %mul3A_841 = vector.broadcast %mul3A_840 : f32 to vector<16xf32>
      %mul3A_842 = arith.mulf %mul3A_841, %div3A_728 : vector<16xf32>
      %sub3A_843 = arith.constant 1.650000e+01 : f32
      %sub3A_844 = vector.broadcast %sub3A_843 : f32 to vector<16xf32>
      %sub3A_845 = arith.subf %sub3A_844, %mul3A_842 : vector<16xf32>
      %mul3A_846 = arith.constant 8.000000e+00 : f32
      %mul3A_847 = vector.broadcast %mul3A_846 : f32 to vector<16xf32>
      %mul3A_848 = arith.mulf %mul3A_847, %div3A_734 : vector<16xf32>
      %sub3A_849 = arith.constant 1.650000e+01 : f32
      %sub3A_850 = vector.broadcast %sub3A_849 : f32 to vector<16xf32>
      %sub3A_851 = arith.subf %sub3A_850, %mul3A_848 : vector<16xf32>
      %mul3A_852 = arith.constant 8.000000e+00 : f32
      %mul3A_853 = vector.broadcast %mul3A_852 : f32 to vector<16xf32>
      %mul3A_854 = arith.mulf %mul3A_853, %div3A_740 : vector<16xf32>
      %sub3A_855 = arith.constant 1.650000e+01 : f32
      %sub3A_856 = vector.broadcast %sub3A_855 : f32 to vector<16xf32>
      %sub3A_857 = arith.subf %sub3A_856, %mul3A_854 : vector<16xf32>
      %mul3A_858 = arith.constant 8.000000e+00 : f32
      %mul3A_859 = vector.broadcast %mul3A_858 : f32 to vector<16xf32>
      %mul3A_860 = arith.mulf %mul3A_859, %div3A_746 : vector<16xf32>
      %sub3A_861 = arith.constant 1.650000e+01 : f32
      %sub3A_862 = vector.broadcast %sub3A_861 : f32 to vector<16xf32>
      %sub3A_863 = arith.subf %sub3A_862, %mul3A_860 : vector<16xf32>
      %mul3A_864 = arith.constant 8.000000e+00 : f32
      %mul3A_865 = vector.broadcast %mul3A_864 : f32 to vector<16xf32>
      %mul3A_866 = arith.mulf %mul3A_865, %div3A_752 : vector<16xf32>
      %sub3A_867 = arith.constant 1.650000e+01 : f32
      %sub3A_868 = vector.broadcast %sub3A_867 : f32 to vector<16xf32>
      %sub3A_869 = arith.subf %sub3A_868, %mul3A_866 : vector<16xf32>
      %mul3A_870 = arith.constant 8.000000e+00 : f32
      %mul3A_871 = vector.broadcast %mul3A_870 : f32 to vector<16xf32>
      %mul3A_872 = arith.mulf %mul3A_871, %div3A_758 : vector<16xf32>
      %sub3A_873 = arith.constant 1.650000e+01 : f32
      %sub3A_874 = vector.broadcast %sub3A_873 : f32 to vector<16xf32>
      %sub3A_875 = arith.subf %sub3A_874, %mul3A_872 : vector<16xf32>
      %mul3A_876 = arith.constant 8.000000e+00 : f32
      %mul3A_877 = vector.broadcast %mul3A_876 : f32 to vector<16xf32>
      %mul3A_878 = arith.mulf %mul3A_877, %div3A_764 : vector<16xf32>
      %sub3A_879 = arith.constant 1.650000e+01 : f32
      %sub3A_880 = vector.broadcast %sub3A_879 : f32 to vector<16xf32>
      %sub3A_881 = arith.subf %sub3A_880, %mul3A_878 : vector<16xf32>
      %mul3A_882 = arith.constant 8.000000e+00 : f32
      %mul3A_883 = vector.broadcast %mul3A_882 : f32 to vector<16xf32>
      %mul3A_884 = arith.mulf %mul3A_883, %div3A_770 : vector<16xf32>
      %sub3A_885 = arith.constant 1.650000e+01 : f32
      %sub3A_886 = vector.broadcast %sub3A_885 : f32 to vector<16xf32>
      %sub3A_887 = arith.subf %sub3A_886, %mul3A_884 : vector<16xf32>
      %mul3A_888 = arith.constant 8.000000e+00 : f32
      %mul3A_889 = vector.broadcast %mul3A_888 : f32 to vector<16xf32>
      %mul3A_890 = arith.mulf %mul3A_889, %div3A_776 : vector<16xf32>
      %sub3A_891 = arith.constant 1.650000e+01 : f32
      %sub3A_892 = vector.broadcast %sub3A_891 : f32 to vector<16xf32>
      %sub3A_893 = arith.subf %sub3A_892, %mul3A_890 : vector<16xf32>
      %convert_element_type3A_894 = arith.fptosi %sub3A_821 : vector<16xf32> to vector<16xi32>
      %convert_element_type3A_895 = arith.fptosi %sub3A_827 : vector<16xf32> to vector<16xi32>
      %convert_element_type3A_896 = arith.fptosi %sub3A_833 : vector<16xf32> to vector<16xi32>
      %convert_element_type3A_897 = arith.fptosi %sub3A_839 : vector<16xf32> to vector<16xi32>
      %convert_element_type3A_898 = arith.fptosi %sub3A_845 : vector<16xf32> to vector<16xi32>
      %convert_element_type3A_899 = arith.fptosi %sub3A_851 : vector<16xf32> to vector<16xi32>
      %convert_element_type3A_900 = arith.fptosi %sub3A_857 : vector<16xf32> to vector<16xi32>
      %convert_element_type3A_901 = arith.fptosi %sub3A_863 : vector<16xf32> to vector<16xi32>
      %convert_element_type3A_902 = arith.fptosi %sub3A_869 : vector<16xf32> to vector<16xi32>
      %convert_element_type3A_903 = arith.fptosi %sub3A_875 : vector<16xf32> to vector<16xi32>
      %convert_element_type3A_904 = arith.fptosi %sub3A_881 : vector<16xf32> to vector<16xi32>
      %convert_element_type3A_905 = arith.fptosi %sub3A_887 : vector<16xf32> to vector<16xi32>
      %convert_element_type3A_906 = arith.fptosi %sub3A_893 : vector<16xf32> to vector<16xi32>
      %gather3A_907 = tpu.vector_load_idx %arg8[%convert_element_type3A_894] : memref<32xf32, #tpu.memory_space<vmem>>[vector<16xi32>], vector<16xf32>,
      %gather3A_908 = tpu.vector_load_idx %arg8[%convert_element_type3A_895] : memref<32xf32, #tpu.memory_space<vmem>>[vector<16xi32>], vector<16xf32>,
      %gather3A_909 = tpu.vector_load_idx %arg8[%convert_element_type3A_896] : memref<32xf32, #tpu.memory_space<vmem>>[vector<16xi32>], vector<16xf32>,
      %gather3A_910 = tpu.vector_load_idx %arg8[%convert_element_type3A_897] : memref<32xf32, #tpu.memory_space<vmem>>[vector<16xi32>], vector<16xf32>,
      %gather3A_911 = tpu.vector_load_idx %arg8[%convert_element_type3A_898] : memref<32xf32, #tpu.memory_space<vmem>>[vector<16xi32>], vector<16xf32>,
      %gather3A_912 = tpu.vector_load_idx %arg8[%convert_element_type3A_899] : memref<32xf32, #tpu.memory_space<vmem>>[vector<16xi32>], vector<16xf32>,
      %gather3A_913 = tpu.vector_load_idx %arg8[%convert_element_type3A_900] : memref<32xf32, #tpu.memory_space<vmem>>[vector<16xi32>], vector<16xf32>,
      %gather3A_914 = tpu.vector_load_idx %arg8[%convert_element_type3A_901] : memref<32xf32, #tpu.memory_space<vmem>>[vector<16xi32>], vector<16xf32>,
      %gather3A_915 = tpu.vector_load_idx %arg8[%convert_element_type3A_902] : memref<32xf32, #tpu.memory_space<vmem>>[vector<16xi32>], vector<16xf32>,
      %gather3A_916 = tpu.vector_load_idx %arg8[%convert_element_type3A_903] : memref<32xf32, #tpu.memory_space<vmem>>[vector<16xi32>], vector<16xf32>,
      %gather3A_917 = tpu.vector_load_idx %arg8[%convert_element_type3A_904] : memref<32xf32, #tpu.memory_space<vmem>>[vector<16xi32>], vector<16xf32>,
      %gather3A_918 = tpu.vector_load_idx %arg8[%convert_element_type3A_905] : memref<32xf32, #tpu.memory_space<vmem>>[vector<16xi32>], vector<16xf32>,
      %gather3A_919 = tpu.vector_load_idx %arg8[%convert_element_type3A_906] : memref<32xf32, #tpu.memory_space<vmem>>[vector<16xi32>], vector<16xf32>,
      %gather3A_920 = tpu.vector_load_idx %arg9[%convert_element_type3A_894] : memref<32xf32, #tpu.memory_space<vmem>>[vector<16xi32>], vector<16xf32>,
      %gather3A_921 = tpu.vector_load_idx %arg9[%convert_element_type3A_895] : memref<32xf32, #tpu.memory_space<vmem>>[vector<16xi32>], vector<16xf32>,
      %gather3A_922 = tpu.vector_load_idx %arg9[%convert_element_type3A_896] : memref<32xf32, #tpu.memory_space<vmem>>[vector<16xi32>], vector<16xf32>,
      %gather3A_923 = tpu.vector_load_idx %arg9[%convert_element_type3A_897] : memref<32xf32, #tpu.memory_space<vmem>>[vector<16xi32>], vector<16xf32>,
      %gather3A_924 = tpu.vector_load_idx %arg9[%convert_element_type3A_898] : memref<32xf32, #tpu.memory_space<vmem>>[vector<16xi32>], vector<16xf32>,
      %gather3A_925 = tpu.vector_load_idx %arg9[%convert_element_type3A_899] : memref<32xf32, #tpu.memory_space<vmem>>[vector<16xi32>], vector<16xf32>,
      %gather3A_926 = tpu.vector_load_idx %arg9[%convert_element_type3A_900] : memref<32xf32, #tpu.memory_space<vmem>>[vector<16xi32>], vector<16xf32>,
      %gather3A_927 = tpu.vector_load_idx %arg9[%convert_element_type3A_901] : memref<32xf32, #tpu.memory_space<vmem>>[vector<16xi32>], vector<16xf32>,
      %gather3A_928 = tpu.vector_load_idx %arg9[%convert_element_type3A_902] : memref<32xf32, #tpu.memory_space<vmem>>[vector<16xi32>], vector<16xf32>,
      %gather3A_929 = tpu.vector_load_idx %arg9[%convert_element_type3A_903] : memref<32xf32, #tpu.memory_space<vmem>>[vector<16xi32>], vector<16xf32>,
      %gather3A_930 = tpu.vector_load_idx %arg9[%convert_element_type3A_904] : memref<32xf32, #tpu.memory_space<vmem>>[vector<16xi32>], vector<16xf32>,
      %gather3A_931 = tpu.vector_load_idx %arg9[%convert_element_type3A_905] : memref<32xf32, #tpu.memory_space<vmem>>[vector<16xi32>], vector<16xf32>,
      %gather3A_932 = tpu.vector_load_idx %arg9[%convert_element_type3A_906] : memref<32xf32, #tpu.memory_space<vmem>>[vector<16xi32>], vector<16xf32>,
      %mul3A_933 = arith.mulf %sub3A_779, %gather3A_920 : vector<16xf32>
      %add3A_934 = arith.addf %gather3A_907, %mul3A_933 : vector<16xf32>
      %add3A_935 = arith.addf %add3A_636, %add3A_934 : vector<16xf32>
      %mul3A_936 = arith.mulf %sub3A_782, %gather3A_921 : vector<16xf32>
      %add3A_937 = arith.addf %gather3A_908, %mul3A_936 : vector<16xf32>
      %add3A_938 = arith.addf %add3A_639, %add3A_937 : vector<16xf32>
      %mul3A_939 = arith.mulf %sub3A_785, %gather3A_922 : vector<16xf32>
      %add3A_940 = arith.addf %gather3A_909, %mul3A_939 : vector<16xf32>
      %add3A_941 = arith.addf %add3A_642, %add3A_940 : vector<16xf32>
      %mul3A_942 = arith.mulf %sub3A_788, %gather3A_923 : vector<16xf32>
      %add3A_943 = arith.addf %gather3A_910, %mul3A_942 : vector<16xf32>
      %add3A_944 = arith.addf %add3A_645, %add3A_943 : vector<16xf32>
      %mul3A_945 = arith.mulf %sub3A_791, %gather3A_924 : vector<16xf32>
      %add3A_946 = arith.addf %gather3A_911, %mul3A_945 : vector<16xf32>
      %add3A_947 = arith.addf %add3A_648, %add3A_946 : vector<16xf32>
      %mul3A_948 = arith.mulf %sub3A_794, %gather3A_925 : vector<16xf32>
      %add3A_949 = arith.addf %gather3A_912, %mul3A_948 : vector<16xf32>
      %add3A_950 = arith.addf %add3A_651, %add3A_949 : vector<16xf32>
      %mul3A_951 = arith.mulf %sub3A_797, %gather3A_926 : vector<16xf32>
      %add3A_952 = arith.addf %gather3A_913, %mul3A_951 : vector<16xf32>
      %add3A_953 = arith.addf %add3A_654, %add3A_952 : vector<16xf32>
      %mul3A_954 = arith.mulf %sub3A_800, %gather3A_927 : vector<16xf32>
      %add3A_955 = arith.addf %gather3A_914, %mul3A_954 : vector<16xf32>
      %add3A_956 = arith.addf %add3A_657, %add3A_955 : vector<16xf32>
      %mul3A_957 = arith.mulf %sub3A_803, %gather3A_928 : vector<16xf32>
      %add3A_958 = arith.addf %gather3A_915, %mul3A_957 : vector<16xf32>
      %add3A_959 = arith.addf %add3A_660, %add3A_958 : vector<16xf32>
      %mul3A_960 = arith.mulf %sub3A_806, %gather3A_929 : vector<16xf32>
      %add3A_961 = arith.addf %gather3A_916, %mul3A_960 : vector<16xf32>
      %add3A_962 = arith.addf %add3A_663, %add3A_961 : vector<16xf32>
      %mul3A_963 = arith.mulf %sub3A_809, %gather3A_930 : vector<16xf32>
      %add3A_964 = arith.addf %gather3A_917, %mul3A_963 : vector<16xf32>
      %add3A_965 = arith.addf %add3A_666, %add3A_964 : vector<16xf32>
      %mul3A_966 = arith.mulf %sub3A_812, %gather3A_931 : vector<16xf32>
      %add3A_967 = arith.addf %gather3A_918, %mul3A_966 : vector<16xf32>
      %add3A_968 = arith.addf %add3A_669, %add3A_967 : vector<16xf32>
      %mul3A_969 = arith.mulf %sub3A_815, %gather3A_932 : vector<16xf32>
      %add3A_970 = arith.addf %gather3A_919, %mul3A_969 : vector<16xf32>
      %add3A_971 = arith.addf %add3A_672, %add3A_970 : vector<16xf32>
      %add3A_972 = arith.addf %broadcast_in_dim3A_27, %add3A_935 : vector<16xf32>
      %add3A_973 = arith.addf %add3A_972, %add3A_938 : vector<16xf32>
      %add3A_974 = arith.addf %add3A_973, %add3A_941 : vector<16xf32>
      %add3A_975 = arith.addf %add3A_974, %add3A_944 : vector<16xf32>
      %add3A_976 = arith.addf %add3A_975, %add3A_947 : vector<16xf32>
      %add3A_977 = arith.addf %add3A_976, %add3A_950 : vector<16xf32>
      %add3A_978 = arith.addf %add3A_977, %add3A_953 : vector<16xf32>
      %add3A_979 = arith.addf %add3A_978, %add3A_956 : vector<16xf32>
      %add3A_980 = arith.addf %add3A_979, %add3A_959 : vector<16xf32>
      %add3A_981 = arith.addf %add3A_980, %add3A_962 : vector<16xf32>
      %add3A_982 = arith.addf %add3A_981, %add3A_965 : vector<16xf32>
      %add3A_983 = arith.addf %add3A_982, %add3A_968 : vector<16xf32>
      %add3A_984 = arith.addf %add3A_983, %add3A_971 : vector<16xf32>
      %add3A_985 = arith.constant 13 : i32
      %add3A_986 = vector.broadcast %add3A_985 : i32 to vector<16xi32>
      %add3A_987 = arith.addi %add3A_22, %add3A_986 : vector<16xi32>
      %gather3A_988 = tpu.vector_load_idx %arg6[%add3A_987] : memref<13312xf32, #tpu.memory_space<vmem>>[vector<16xi32>], vector<16xf32>,
      %add3A_989 = arith.constant 14 : i32
      %add3A_990 = vector.broadcast %add3A_989 : i32 to vector<16xi32>
      %add3A_991 = arith.addi %add3A_22, %add3A_990 : vector<16xi32>
      %gather3A_992 = tpu.vector_load_idx %arg6[%add3A_991] : memref<13312xf32, #tpu.memory_space<vmem>>[vector<16xi32>], vector<16xf32>,
      %add3A_993 = arith.constant 15 : i32
      %add3A_994 = vector.broadcast %add3A_993 : i32 to vector<16xi32>
      %add3A_995 = arith.addi %add3A_22, %add3A_994 : vector<16xi32>
      %gather3A_996 = tpu.vector_load_idx %arg6[%add3A_995] : memref<13312xf32, #tpu.memory_space<vmem>>[vector<16xi32>], vector<16xf32>,
      %add3A_997 = arith.constant 16 : i32
      %add3A_998 = vector.broadcast %add3A_997 : i32 to vector<16xi32>
      %add3A_999 = arith.addi %add3A_22, %add3A_998 : vector<16xi32>
      %gather3A_1000 = tpu.vector_load_idx %arg6[%add3A_999] : memref<13312xf32, #tpu.memory_space<vmem>>[vector<16xi32>], vector<16xf32>,
      %add3A_1001 = arith.constant 17 : i32
      %add3A_1002 = vector.broadcast %add3A_1001 : i32 to vector<16xi32>
      %add3A_1003 = arith.addi %add3A_22, %add3A_1002 : vector<16xi32>
      %gather3A_1004 = tpu.vector_load_idx %arg6[%add3A_1003] : memref<13312xf32, #tpu.memory_space<vmem>>[vector<16xi32>], vector<16xf32>,
      %add3A_1005 = arith.constant 18 : i32
      %add3A_1006 = vector.broadcast %add3A_1005 : i32 to vector<16xi32>
      %add3A_1007 = arith.addi %add3A_22, %add3A_1006 : vector<16xi32>
      %gather3A_1008 = tpu.vector_load_idx %arg6[%add3A_1007] : memref<13312xf32, #tpu.memory_space<vmem>>[vector<16xi32>], vector<16xf32>,
      %add3A_1009 = arith.constant 19 : i32
      %add3A_1010 = vector.broadcast %add3A_1009 : i32 to vector<16xi32>
      %add3A_1011 = arith.addi %add3A_22, %add3A_1010 : vector<16xi32>
      %gather3A_1012 = tpu.vector_load_idx %arg6[%add3A_1011] : memref<13312xf32, #tpu.memory_space<vmem>>[vector<16xi32>], vector<16xf32>,
      %add3A_1013 = arith.constant 20 : i32
      %add3A_1014 = vector.broadcast %add3A_1013 : i32 to vector<16xi32>
      %add3A_1015 = arith.addi %add3A_22, %add3A_1014 : vector<16xi32>
      %gather3A_1016 = tpu.vector_load_idx %arg6[%add3A_1015] : memref<13312xf32, #tpu.memory_space<vmem>>[vector<16xi32>], vector<16xf32>,
      %add3A_1017 = arith.constant 21 : i32
      %add3A_1018 = vector.broadcast %add3A_1017 : i32 to vector<16xi32>
      %add3A_1019 = arith.addi %add3A_22, %add3A_1018 : vector<16xi32>
      %gather3A_1020 = tpu.vector_load_idx %arg6[%add3A_1019] : memref<13312xf32, #tpu.memory_space<vmem>>[vector<16xi32>], vector<16xf32>,
      %add3A_1021 = arith.constant 22 : i32
      %add3A_1022 = vector.broadcast %add3A_1021 : i32 to vector<16xi32>
      %add3A_1023 = arith.addi %add3A_22, %add3A_1022 : vector<16xi32>
      %gather3A_1024 = tpu.vector_load_idx %arg6[%add3A_1023] : memref<13312xf32, #tpu.memory_space<vmem>>[vector<16xi32>], vector<16xf32>,
      %add3A_1025 = arith.constant 23 : i32
      %add3A_1026 = vector.broadcast %add3A_1025 : i32 to vector<16xi32>
      %add3A_1027 = arith.addi %add3A_22, %add3A_1026 : vector<16xi32>
      %gather3A_1028 = tpu.vector_load_idx %arg6[%add3A_1027] : memref<13312xf32, #tpu.memory_space<vmem>>[vector<16xi32>], vector<16xf32>,
      %add3A_1029 = arith.constant 24 : i32
      %add3A_1030 = vector.broadcast %add3A_1029 : i32 to vector<16xi32>
      %add3A_1031 = arith.addi %add3A_22, %add3A_1030 : vector<16xi32>
      %gather3A_1032 = tpu.vector_load_idx %arg6[%add3A_1031] : memref<13312xf32, #tpu.memory_space<vmem>>[vector<16xi32>], vector<16xf32>,
      %add3A_1033 = arith.constant 25 : i32
      %add3A_1034 = vector.broadcast %add3A_1033 : i32 to vector<16xi32>
      %add3A_1035 = arith.addi %add3A_22, %add3A_1034 : vector<16xi32>
      %gather3A_1036 = tpu.vector_load_idx %arg6[%add3A_1035] : memref<13312xf32, #tpu.memory_space<vmem>>[vector<16xi32>], vector<16xf32>,
      %add3A_1037 = arith.addf %gather3A_988, %gather3A_988 : vector<16xf32>
      %exp3A_1038 = math.exp %add3A_1037 : vector<16xf32>
      %add3A_1039 = arith.addf %gather3A_992, %gather3A_992 : vector<16xf32>
      %exp3A_1040 = math.exp %add3A_1039 : vector<16xf32>
      %add3A_1041 = arith.addf %gather3A_996, %gather3A_996 : vector<16xf32>
      %exp3A_1042 = math.exp %add3A_1041 : vector<16xf32>
      %add3A_1043 = arith.addf %gather3A_1000, %gather3A_1000 : vector<16xf32>
      %exp3A_1044 = math.exp %add3A_1043 : vector<16xf32>
      %add3A_1045 = arith.addf %gather3A_1004, %gather3A_1004 : vector<16xf32>
      %exp3A_1046 = math.exp %add3A_1045 : vector<16xf32>
      %add3A_1047 = arith.addf %gather3A_1008, %gather3A_1008 : vector<16xf32>
      %exp3A_1048 = math.exp %add3A_1047 : vector<16xf32>
      %add3A_1049 = arith.addf %gather3A_1012, %gather3A_1012 : vector<16xf32>
      %exp3A_1050 = math.exp %add3A_1049 : vector<16xf32>
      %add3A_1051 = arith.addf %gather3A_1016, %gather3A_1016 : vector<16xf32>
      %exp3A_1052 = math.exp %add3A_1051 : vector<16xf32>
      %add3A_1053 = arith.addf %gather3A_1020, %gather3A_1020 : vector<16xf32>
      %exp3A_1054 = math.exp %add3A_1053 : vector<16xf32>
      %add3A_1055 = arith.addf %gather3A_1024, %gather3A_1024 : vector<16xf32>
      %exp3A_1056 = math.exp %add3A_1055 : vector<16xf32>
      %add3A_1057 = arith.addf %gather3A_1028, %gather3A_1028 : vector<16xf32>
      %exp3A_1058 = math.exp %add3A_1057 : vector<16xf32>
      %add3A_1059 = arith.addf %gather3A_1032, %gather3A_1032 : vector<16xf32>
      %exp3A_1060 = math.exp %add3A_1059 : vector<16xf32>
      %add3A_1061 = arith.addf %gather3A_1036, %gather3A_1036 : vector<16xf32>
      %exp3A_1062 = math.exp %add3A_1061 : vector<16xf32>
      %add3A_1063 = arith.constant 1.000000e+00 : f32
      %add3A_1064 = vector.broadcast %add3A_1063 : f32 to vector<16xf32>
      %add3A_1065 = arith.addf %exp3A_1038, %add3A_1064 : vector<16xf32>
      %div3A_1066 = arith.constant 2.000000e+00 : f32
      %div3A_1067 = vector.broadcast %div3A_1066 : f32 to vector<16xf32>
      %div3A_1068 = arith.divf %div3A_1067, %add3A_1065 : vector<16xf32>
      %add3A_1069 = arith.constant 1.000000e+00 : f32
      %add3A_1070 = vector.broadcast %add3A_1069 : f32 to vector<16xf32>
      %add3A_1071 = arith.addf %exp3A_1040, %add3A_1070 : vector<16xf32>
      %div3A_1072 = arith.constant 2.000000e+00 : f32
      %div3A_1073 = vector.broadcast %div3A_1072 : f32 to vector<16xf32>
      %div3A_1074 = arith.divf %div3A_1073, %add3A_1071 : vector<16xf32>
      %add3A_1075 = arith.constant 1.000000e+00 : f32
      %add3A_1076 = vector.broadcast %add3A_1075 : f32 to vector<16xf32>
      %add3A_1077 = arith.addf %exp3A_1042, %add3A_1076 : vector<16xf32>
      %div3A_1078 = arith.constant 2.000000e+00 : f32
      %div3A_1079 = vector.broadcast %div3A_1078 : f32 to vector<16xf32>
      %div3A_1080 = arith.divf %div3A_1079, %add3A_1077 : vector<16xf32>
      %add3A_1081 = arith.constant 1.000000e+00 : f32
      %add3A_1082 = vector.broadcast %add3A_1081 : f32 to vector<16xf32>
      %add3A_1083 = arith.addf %exp3A_1044, %add3A_1082 : vector<16xf32>
      %div3A_1084 = arith.constant 2.000000e+00 : f32
      %div3A_1085 = vector.broadcast %div3A_1084 : f32 to vector<16xf32>
      %div3A_1086 = arith.divf %div3A_1085, %add3A_1083 : vector<16xf32>
      %add3A_1087 = arith.constant 1.000000e+00 : f32
      %add3A_1088 = vector.broadcast %add3A_1087 : f32 to vector<16xf32>
      %add3A_1089 = arith.addf %exp3A_1046, %add3A_1088 : vector<16xf32>
      %div3A_1090 = arith.constant 2.000000e+00 : f32
      %div3A_1091 = vector.broadcast %div3A_1090 : f32 to vector<16xf32>
      %div3A_1092 = arith.divf %div3A_1091, %add3A_1089 : vector<16xf32>
      %add3A_1093 = arith.constant 1.000000e+00 : f32
      %add3A_1094 = vector.broadcast %add3A_1093 : f32 to vector<16xf32>
      %add3A_1095 = arith.addf %exp3A_1048, %add3A_1094 : vector<16xf32>
      %div3A_1096 = arith.constant 2.000000e+00 : f32
      %div3A_1097 = vector.broadcast %div3A_1096 : f32 to vector<16xf32>
      %div3A_1098 = arith.divf %div3A_1097, %add3A_1095 : vector<16xf32>
      %add3A_1099 = arith.constant 1.000000e+00 : f32
      %add3A_1100 = vector.broadcast %add3A_1099 : f32 to vector<16xf32>
      %add3A_1101 = arith.addf %exp3A_1050, %add3A_1100 : vector<16xf32>
      %div3A_1102 = arith.constant 2.000000e+00 : f32
      %div3A_1103 = vector.broadcast %div3A_1102 : f32 to vector<16xf32>
      %div3A_1104 = arith.divf %div3A_1103, %add3A_1101 : vector<16xf32>
      %add3A_1105 = arith.constant 1.000000e+00 : f32
      %add3A_1106 = vector.broadcast %add3A_1105 : f32 to vector<16xf32>
      %add3A_1107 = arith.addf %exp3A_1052, %add3A_1106 : vector<16xf32>
      %div3A_1108 = arith.constant 2.000000e+00 : f32
      %div3A_1109 = vector.broadcast %div3A_1108 : f32 to vector<16xf32>
      %div3A_1110 = arith.divf %div3A_1109, %add3A_1107 : vector<16xf32>
      %add3A_1111 = arith.constant 1.000000e+00 : f32
      %add3A_1112 = vector.broadcast %add3A_1111 : f32 to vector<16xf32>
      %add3A_1113 = arith.addf %exp3A_1054, %add3A_1112 : vector<16xf32>
      %div3A_1114 = arith.constant 2.000000e+00 : f32
      %div3A_1115 = vector.broadcast %div3A_1114 : f32 to vector<16xf32>
      %div3A_1116 = arith.divf %div3A_1115, %add3A_1113 : vector<16xf32>
      %add3A_1117 = arith.constant 1.000000e+00 : f32
      %add3A_1118 = vector.broadcast %add3A_1117 : f32 to vector<16xf32>
      %add3A_1119 = arith.addf %exp3A_1056, %add3A_1118 : vector<16xf32>
      %div3A_1120 = arith.constant 2.000000e+00 : f32
      %div3A_1121 = vector.broadcast %div3A_1120 : f32 to vector<16xf32>
      %div3A_1122 = arith.divf %div3A_1121, %add3A_1119 : vector<16xf32>
      %add3A_1123 = arith.constant 1.000000e+00 : f32
      %add3A_1124 = vector.broadcast %add3A_1123 : f32 to vector<16xf32>
      %add3A_1125 = arith.addf %exp3A_1058, %add3A_1124 : vector<16xf32>
      %div3A_1126 = arith.constant 2.000000e+00 : f32
      %div3A_1127 = vector.broadcast %div3A_1126 : f32 to vector<16xf32>
      %div3A_1128 = arith.divf %div3A_1127, %add3A_1125 : vector<16xf32>
      %add3A_1129 = arith.constant 1.000000e+00 : f32
      %add3A_1130 = vector.broadcast %add3A_1129 : f32 to vector<16xf32>
      %add3A_1131 = arith.addf %exp3A_1060, %add3A_1130 : vector<16xf32>
      %div3A_1132 = arith.constant 2.000000e+00 : f32
      %div3A_1133 = vector.broadcast %div3A_1132 : f32 to vector<16xf32>
      %div3A_1134 = arith.divf %div3A_1133, %add3A_1131 : vector<16xf32>
      %add3A_1135 = arith.constant 1.000000e+00 : f32
      %add3A_1136 = vector.broadcast %add3A_1135 : f32 to vector<16xf32>
      %add3A_1137 = arith.addf %exp3A_1062, %add3A_1136 : vector<16xf32>
      %div3A_1138 = arith.constant 2.000000e+00 : f32
      %div3A_1139 = vector.broadcast %div3A_1138 : f32 to vector<16xf32>
      %div3A_1140 = arith.divf %div3A_1139, %add3A_1137 : vector<16xf32>
      %sub3A_1141 = arith.constant 1.000000e+00 : f32
      %sub3A_1142 = vector.broadcast %sub3A_1141 : f32 to vector<16xf32>
      %sub3A_1143 = arith.subf %sub3A_1142, %div3A_1068 : vector<16xf32>
      %sub3A_1144 = arith.constant 1.000000e+00 : f32
      %sub3A_1145 = vector.broadcast %sub3A_1144 : f32 to vector<16xf32>
      %sub3A_1146 = arith.subf %sub3A_1145, %div3A_1074 : vector<16xf32>
      %sub3A_1147 = arith.constant 1.000000e+00 : f32
      %sub3A_1148 = vector.broadcast %sub3A_1147 : f32 to vector<16xf32>
      %sub3A_1149 = arith.subf %sub3A_1148, %div3A_1080 : vector<16xf32>
      %sub3A_1150 = arith.constant 1.000000e+00 : f32
      %sub3A_1151 = vector.broadcast %sub3A_1150 : f32 to vector<16xf32>
      %sub3A_1152 = arith.subf %sub3A_1151, %div3A_1086 : vector<16xf32>
      %sub3A_1153 = arith.constant 1.000000e+00 : f32
      %sub3A_1154 = vector.broadcast %sub3A_1153 : f32 to vector<16xf32>
      %sub3A_1155 = arith.subf %sub3A_1154, %div3A_1092 : vector<16xf32>
      %sub3A_1156 = arith.constant 1.000000e+00 : f32
      %sub3A_1157 = vector.broadcast %sub3A_1156 : f32 to vector<16xf32>
      %sub3A_1158 = arith.subf %sub3A_1157, %div3A_1098 : vector<16xf32>
      %sub3A_1159 = arith.constant 1.000000e+00 : f32
      %sub3A_1160 = vector.broadcast %sub3A_1159 : f32 to vector<16xf32>
      %sub3A_1161 = arith.subf %sub3A_1160, %div3A_1104 : vector<16xf32>
      %sub3A_1162 = arith.constant 1.000000e+00 : f32
      %sub3A_1163 = vector.broadcast %sub3A_1162 : f32 to vector<16xf32>
      %sub3A_1164 = arith.subf %sub3A_1163, %div3A_1110 : vector<16xf32>
      %sub3A_1165 = arith.constant 1.000000e+00 : f32
      %sub3A_1166 = vector.broadcast %sub3A_1165 : f32 to vector<16xf32>
      %sub3A_1167 = arith.subf %sub3A_1166, %div3A_1116 : vector<16xf32>
      %sub3A_1168 = arith.constant 1.000000e+00 : f32
      %sub3A_1169 = vector.broadcast %sub3A_1168 : f32 to vector<16xf32>
      %sub3A_1170 = arith.subf %sub3A_1169, %div3A_1122 : vector<16xf32>
      %sub3A_1171 = arith.constant 1.000000e+00 : f32
      %sub3A_1172 = vector.broadcast %sub3A_1171 : f32 to vector<16xf32>
      %sub3A_1173 = arith.subf %sub3A_1172, %div3A_1128 : vector<16xf32>
      %sub3A_1174 = arith.constant 1.000000e+00 : f32
      %sub3A_1175 = vector.broadcast %sub3A_1174 : f32 to vector<16xf32>
      %sub3A_1176 = arith.subf %sub3A_1175, %div3A_1134 : vector<16xf32>
      %sub3A_1177 = arith.constant 1.000000e+00 : f32
      %sub3A_1178 = vector.broadcast %sub3A_1177 : f32 to vector<16xf32>
      %sub3A_1179 = arith.subf %sub3A_1178, %div3A_1140 : vector<16xf32>
      %mul3A_1180 = arith.constant 8.000000e+00 : f32
      %mul3A_1181 = vector.broadcast %mul3A_1180 : f32 to vector<16xf32>
      %mul3A_1182 = arith.mulf %mul3A_1181, %div3A_1068 : vector<16xf32>
      %sub3A_1183 = arith.constant 1.650000e+01 : f32
      %sub3A_1184 = vector.broadcast %sub3A_1183 : f32 to vector<16xf32>
      %sub3A_1185 = arith.subf %sub3A_1184, %mul3A_1182 : vector<16xf32>
      %mul3A_1186 = arith.constant 8.000000e+00 : f32
      %mul3A_1187 = vector.broadcast %mul3A_1186 : f32 to vector<16xf32>
      %mul3A_1188 = arith.mulf %mul3A_1187, %div3A_1074 : vector<16xf32>
      %sub3A_1189 = arith.constant 1.650000e+01 : f32
      %sub3A_1190 = vector.broadcast %sub3A_1189 : f32 to vector<16xf32>
      %sub3A_1191 = arith.subf %sub3A_1190, %mul3A_1188 : vector<16xf32>
      %mul3A_1192 = arith.constant 8.000000e+00 : f32
      %mul3A_1193 = vector.broadcast %mul3A_1192 : f32 to vector<16xf32>
      %mul3A_1194 = arith.mulf %mul3A_1193, %div3A_1080 : vector<16xf32>
      %sub3A_1195 = arith.constant 1.650000e+01 : f32
      %sub3A_1196 = vector.broadcast %sub3A_1195 : f32 to vector<16xf32>
      %sub3A_1197 = arith.subf %sub3A_1196, %mul3A_1194 : vector<16xf32>
      %mul3A_1198 = arith.constant 8.000000e+00 : f32
      %mul3A_1199 = vector.broadcast %mul3A_1198 : f32 to vector<16xf32>
      %mul3A_1200 = arith.mulf %mul3A_1199, %div3A_1086 : vector<16xf32>
      %sub3A_1201 = arith.constant 1.650000e+01 : f32
      %sub3A_1202 = vector.broadcast %sub3A_1201 : f32 to vector<16xf32>
      %sub3A_1203 = arith.subf %sub3A_1202, %mul3A_1200 : vector<16xf32>
      %mul3A_1204 = arith.constant 8.000000e+00 : f32
      %mul3A_1205 = vector.broadcast %mul3A_1204 : f32 to vector<16xf32>
      %mul3A_1206 = arith.mulf %mul3A_1205, %div3A_1092 : vector<16xf32>
      %sub3A_1207 = arith.constant 1.650000e+01 : f32
      %sub3A_1208 = vector.broadcast %sub3A_1207 : f32 to vector<16xf32>
      %sub3A_1209 = arith.subf %sub3A_1208, %mul3A_1206 : vector<16xf32>
      %mul3A_1210 = arith.constant 8.000000e+00 : f32
      %mul3A_1211 = vector.broadcast %mul3A_1210 : f32 to vector<16xf32>
      %mul3A_1212 = arith.mulf %mul3A_1211, %div3A_1098 : vector<16xf32>
      %sub3A_1213 = arith.constant 1.650000e+01 : f32
      %sub3A_1214 = vector.broadcast %sub3A_1213 : f32 to vector<16xf32>
      %sub3A_1215 = arith.subf %sub3A_1214, %mul3A_1212 : vector<16xf32>
      %mul3A_1216 = arith.constant 8.000000e+00 : f32
      %mul3A_1217 = vector.broadcast %mul3A_1216 : f32 to vector<16xf32>
      %mul3A_1218 = arith.mulf %mul3A_1217, %div3A_1104 : vector<16xf32>
      %sub3A_1219 = arith.constant 1.650000e+01 : f32
      %sub3A_1220 = vector.broadcast %sub3A_1219 : f32 to vector<16xf32>
      %sub3A_1221 = arith.subf %sub3A_1220, %mul3A_1218 : vector<16xf32>
      %mul3A_1222 = arith.constant 8.000000e+00 : f32
      %mul3A_1223 = vector.broadcast %mul3A_1222 : f32 to vector<16xf32>
      %mul3A_1224 = arith.mulf %mul3A_1223, %div3A_1110 : vector<16xf32>
      %sub3A_1225 = arith.constant 1.650000e+01 : f32
      %sub3A_1226 = vector.broadcast %sub3A_1225 : f32 to vector<16xf32>
      %sub3A_1227 = arith.subf %sub3A_1226, %mul3A_1224 : vector<16xf32>
      %mul3A_1228 = arith.constant 8.000000e+00 : f32
      %mul3A_1229 = vector.broadcast %mul3A_1228 : f32 to vector<16xf32>
      %mul3A_1230 = arith.mulf %mul3A_1229, %div3A_1116 : vector<16xf32>
      %sub3A_1231 = arith.constant 1.650000e+01 : f32
      %sub3A_1232 = vector.broadcast %sub3A_1231 : f32 to vector<16xf32>
      %sub3A_1233 = arith.subf %sub3A_1232, %mul3A_1230 : vector<16xf32>
      %mul3A_1234 = arith.constant 8.000000e+00 : f32
      %mul3A_1235 = vector.broadcast %mul3A_1234 : f32 to vector<16xf32>
      %mul3A_1236 = arith.mulf %mul3A_1235, %div3A_1122 : vector<16xf32>
      %sub3A_1237 = arith.constant 1.650000e+01 : f32
      %sub3A_1238 = vector.broadcast %sub3A_1237 : f32 to vector<16xf32>
      %sub3A_1239 = arith.subf %sub3A_1238, %mul3A_1236 : vector<16xf32>
      %mul3A_1240 = arith.constant 8.000000e+00 : f32
      %mul3A_1241 = vector.broadcast %mul3A_1240 : f32 to vector<16xf32>
      %mul3A_1242 = arith.mulf %mul3A_1241, %div3A_1128 : vector<16xf32>
      %sub3A_1243 = arith.constant 1.650000e+01 : f32
      %sub3A_1244 = vector.broadcast %sub3A_1243 : f32 to vector<16xf32>
      %sub3A_1245 = arith.subf %sub3A_1244, %mul3A_1242 : vector<16xf32>
      %mul3A_1246 = arith.constant 8.000000e+00 : f32
      %mul3A_1247 = vector.broadcast %mul3A_1246 : f32 to vector<16xf32>
      %mul3A_1248 = arith.mulf %mul3A_1247, %div3A_1134 : vector<16xf32>
      %sub3A_1249 = arith.constant 1.650000e+01 : f32
      %sub3A_1250 = vector.broadcast %sub3A_1249 : f32 to vector<16xf32>
      %sub3A_1251 = arith.subf %sub3A_1250, %mul3A_1248 : vector<16xf32>
      %mul3A_1252 = arith.constant 8.000000e+00 : f32
      %mul3A_1253 = vector.broadcast %mul3A_1252 : f32 to vector<16xf32>
      %mul3A_1254 = arith.mulf %mul3A_1253, %div3A_1140 : vector<16xf32>
      %sub3A_1255 = arith.constant 1.650000e+01 : f32
      %sub3A_1256 = vector.broadcast %sub3A_1255 : f32 to vector<16xf32>
      %sub3A_1257 = arith.subf %sub3A_1256, %mul3A_1254 : vector<16xf32>
      %convert_element_type3A_1258 = arith.fptosi %sub3A_1185 : vector<16xf32> to vector<16xi32>
      %convert_element_type3A_1259 = arith.fptosi %sub3A_1191 : vector<16xf32> to vector<16xi32>
      %convert_element_type3A_1260 = arith.fptosi %sub3A_1197 : vector<16xf32> to vector<16xi32>
      %convert_element_type3A_1261 = arith.fptosi %sub3A_1203 : vector<16xf32> to vector<16xi32>
      %convert_element_type3A_1262 = arith.fptosi %sub3A_1209 : vector<16xf32> to vector<16xi32>
      %convert_element_type3A_1263 = arith.fptosi %sub3A_1215 : vector<16xf32> to vector<16xi32>
      %convert_element_type3A_1264 = arith.fptosi %sub3A_1221 : vector<16xf32> to vector<16xi32>
      %convert_element_type3A_1265 = arith.fptosi %sub3A_1227 : vector<16xf32> to vector<16xi32>
      %convert_element_type3A_1266 = arith.fptosi %sub3A_1233 : vector<16xf32> to vector<16xi32>
      %convert_element_type3A_1267 = arith.fptosi %sub3A_1239 : vector<16xf32> to vector<16xi32>
      %convert_element_type3A_1268 = arith.fptosi %sub3A_1245 : vector<16xf32> to vector<16xi32>
      %convert_element_type3A_1269 = arith.fptosi %sub3A_1251 : vector<16xf32> to vector<16xi32>
      %convert_element_type3A_1270 = arith.fptosi %sub3A_1257 : vector<16xf32> to vector<16xi32>
      %gather3A_1271 = tpu.vector_load_idx %arg8[%convert_element_type3A_1258] : memref<32xf32, #tpu.memory_space<vmem>>[vector<16xi32>], vector<16xf32>,
      %gather3A_1272 = tpu.vector_load_idx %arg8[%convert_element_type3A_1259] : memref<32xf32, #tpu.memory_space<vmem>>[vector<16xi32>], vector<16xf32>,
      %gather3A_1273 = tpu.vector_load_idx %arg8[%convert_element_type3A_1260] : memref<32xf32, #tpu.memory_space<vmem>>[vector<16xi32>], vector<16xf32>,
      %gather3A_1274 = tpu.vector_load_idx %arg8[%convert_element_type3A_1261] : memref<32xf32, #tpu.memory_space<vmem>>[vector<16xi32>], vector<16xf32>,
      %gather3A_1275 = tpu.vector_load_idx %arg8[%convert_element_type3A_1262] : memref<32xf32, #tpu.memory_space<vmem>>[vector<16xi32>], vector<16xf32>,
      %gather3A_1276 = tpu.vector_load_idx %arg8[%convert_element_type3A_1263] : memref<32xf32, #tpu.memory_space<vmem>>[vector<16xi32>], vector<16xf32>,
      %gather3A_1277 = tpu.vector_load_idx %arg8[%convert_element_type3A_1264] : memref<32xf32, #tpu.memory_space<vmem>>[vector<16xi32>], vector<16xf32>,
      %gather3A_1278 = tpu.vector_load_idx %arg8[%convert_element_type3A_1265] : memref<32xf32, #tpu.memory_space<vmem>>[vector<16xi32>], vector<16xf32>,
      %gather3A_1279 = tpu.vector_load_idx %arg8[%convert_element_type3A_1266] : memref<32xf32, #tpu.memory_space<vmem>>[vector<16xi32>], vector<16xf32>,
      %gather3A_1280 = tpu.vector_load_idx %arg8[%convert_element_type3A_1267] : memref<32xf32, #tpu.memory_space<vmem>>[vector<16xi32>], vector<16xf32>,
      %gather3A_1281 = tpu.vector_load_idx %arg8[%convert_element_type3A_1268] : memref<32xf32, #tpu.memory_space<vmem>>[vector<16xi32>], vector<16xf32>,
      %gather3A_1282 = tpu.vector_load_idx %arg8[%convert_element_type3A_1269] : memref<32xf32, #tpu.memory_space<vmem>>[vector<16xi32>], vector<16xf32>,
      %gather3A_1283 = tpu.vector_load_idx %arg8[%convert_element_type3A_1270] : memref<32xf32, #tpu.memory_space<vmem>>[vector<16xi32>], vector<16xf32>,
      %gather3A_1284 = tpu.vector_load_idx %arg9[%convert_element_type3A_1258] : memref<32xf32, #tpu.memory_space<vmem>>[vector<16xi32>], vector<16xf32>,
      %gather3A_1285 = tpu.vector_load_idx %arg9[%convert_element_type3A_1259] : memref<32xf32, #tpu.memory_space<vmem>>[vector<16xi32>], vector<16xf32>,
      %gather3A_1286 = tpu.vector_load_idx %arg9[%convert_element_type3A_1260] : memref<32xf32, #tpu.memory_space<vmem>>[vector<16xi32>], vector<16xf32>,
      %gather3A_1287 = tpu.vector_load_idx %arg9[%convert_element_type3A_1261] : memref<32xf32, #tpu.memory_space<vmem>>[vector<16xi32>], vector<16xf32>,
      %gather3A_1288 = tpu.vector_load_idx %arg9[%convert_element_type3A_1262] : memref<32xf32, #tpu.memory_space<vmem>>[vector<16xi32>], vector<16xf32>,
      %gather3A_1289 = tpu.vector_load_idx %arg9[%convert_element_type3A_1263] : memref<32xf32, #tpu.memory_space<vmem>>[vector<16xi32>], vector<16xf32>,
      %gather3A_1290 = tpu.vector_load_idx %arg9[%convert_element_type3A_1264] : memref<32xf32, #tpu.memory_space<vmem>>[vector<16xi32>], vector<16xf32>,
      %gather3A_1291 = tpu.vector_load_idx %arg9[%convert_element_type3A_1265] : memref<32xf32, #tpu.memory_space<vmem>>[vector<16xi32>], vector<16xf32>,
      %gather3A_1292 = tpu.vector_load_idx %arg9[%convert_element_type3A_1266] : memref<32xf32, #tpu.memory_space<vmem>>[vector<16xi32>], vector<16xf32>,
      %gather3A_1293 = tpu.vector_load_idx %arg9[%convert_element_type3A_1267] : memref<32xf32, #tpu.memory_space<vmem>>[vector<16xi32>], vector<16xf32>,
      %gather3A_1294 = tpu.vector_load_idx %arg9[%convert_element_type3A_1268] : memref<32xf32, #tpu.memory_space<vmem>>[vector<16xi32>], vector<16xf32>,
      %gather3A_1295 = tpu.vector_load_idx %arg9[%convert_element_type3A_1269] : memref<32xf32, #tpu.memory_space<vmem>>[vector<16xi32>], vector<16xf32>,
      %gather3A_1296 = tpu.vector_load_idx %arg9[%convert_element_type3A_1270] : memref<32xf32, #tpu.memory_space<vmem>>[vector<16xi32>], vector<16xf32>,
      %mul3A_1297 = arith.mulf %sub3A_1143, %gather3A_1284 : vector<16xf32>
      %add3A_1298 = arith.addf %gather3A_1271, %mul3A_1297 : vector<16xf32>
      %add3A_1299 = arith.addf %gather3A_988, %add3A_1298 : vector<16xf32>
      %mul3A_1300 = arith.mulf %sub3A_1146, %gather3A_1285 : vector<16xf32>
      %add3A_1301 = arith.addf %gather3A_1272, %mul3A_1300 : vector<16xf32>
      %add3A_1302 = arith.addf %gather3A_992, %add3A_1301 : vector<16xf32>
      %mul3A_1303 = arith.mulf %sub3A_1149, %gather3A_1286 : vector<16xf32>
      %add3A_1304 = arith.addf %gather3A_1273, %mul3A_1303 : vector<16xf32>
      %add3A_1305 = arith.addf %gather3A_996, %add3A_1304 : vector<16xf32>
      %mul3A_1306 = arith.mulf %sub3A_1152, %gather3A_1287 : vector<16xf32>
      %add3A_1307 = arith.addf %gather3A_1274, %mul3A_1306 : vector<16xf32>
      %add3A_1308 = arith.addf %gather3A_1000, %add3A_1307 : vector<16xf32>
      %mul3A_1309 = arith.mulf %sub3A_1155, %gather3A_1288 : vector<16xf32>
      %add3A_1310 = arith.addf %gather3A_1275, %mul3A_1309 : vector<16xf32>
      %add3A_1311 = arith.addf %gather3A_1004, %add3A_1310 : vector<16xf32>
      %mul3A_1312 = arith.mulf %sub3A_1158, %gather3A_1289 : vector<16xf32>
      %add3A_1313 = arith.addf %gather3A_1276, %mul3A_1312 : vector<16xf32>
      %add3A_1314 = arith.addf %gather3A_1008, %add3A_1313 : vector<16xf32>
      %mul3A_1315 = arith.mulf %sub3A_1161, %gather3A_1290 : vector<16xf32>
      %add3A_1316 = arith.addf %gather3A_1277, %mul3A_1315 : vector<16xf32>
      %add3A_1317 = arith.addf %gather3A_1012, %add3A_1316 : vector<16xf32>
      %mul3A_1318 = arith.mulf %sub3A_1164, %gather3A_1291 : vector<16xf32>
      %add3A_1319 = arith.addf %gather3A_1278, %mul3A_1318 : vector<16xf32>
      %add3A_1320 = arith.addf %gather3A_1016, %add3A_1319 : vector<16xf32>
      %mul3A_1321 = arith.mulf %sub3A_1167, %gather3A_1292 : vector<16xf32>
      %add3A_1322 = arith.addf %gather3A_1279, %mul3A_1321 : vector<16xf32>
      %add3A_1323 = arith.addf %gather3A_1020, %add3A_1322 : vector<16xf32>
      %mul3A_1324 = arith.mulf %sub3A_1170, %gather3A_1293 : vector<16xf32>
      %add3A_1325 = arith.addf %gather3A_1280, %mul3A_1324 : vector<16xf32>
      %add3A_1326 = arith.addf %gather3A_1024, %add3A_1325 : vector<16xf32>
      %mul3A_1327 = arith.mulf %sub3A_1173, %gather3A_1294 : vector<16xf32>
      %add3A_1328 = arith.addf %gather3A_1281, %mul3A_1327 : vector<16xf32>
      %add3A_1329 = arith.addf %gather3A_1028, %add3A_1328 : vector<16xf32>
      %mul3A_1330 = arith.mulf %sub3A_1176, %gather3A_1295 : vector<16xf32>
      %add3A_1331 = arith.addf %gather3A_1282, %mul3A_1330 : vector<16xf32>
      %add3A_1332 = arith.addf %gather3A_1032, %add3A_1331 : vector<16xf32>
      %mul3A_1333 = arith.mulf %sub3A_1179, %gather3A_1296 : vector<16xf32>
      %add3A_1334 = arith.addf %gather3A_1283, %mul3A_1333 : vector<16xf32>
      %add3A_1335 = arith.addf %gather3A_1036, %add3A_1334 : vector<16xf32>
      %add3A_1336 = arith.addf %add3A_1299, %add3A_1299 : vector<16xf32>
      %exp3A_1337 = math.exp %add3A_1336 : vector<16xf32>
      %add3A_1338 = arith.addf %add3A_1302, %add3A_1302 : vector<16xf32>
      %exp3A_1339 = math.exp %add3A_1338 : vector<16xf32>
      %add3A_1340 = arith.addf %add3A_1305, %add3A_1305 : vector<16xf32>
      %exp3A_1341 = math.exp %add3A_1340 : vector<16xf32>
      %add3A_1342 = arith.addf %add3A_1308, %add3A_1308 : vector<16xf32>
      %exp3A_1343 = math.exp %add3A_1342 : vector<16xf32>
      %add3A_1344 = arith.addf %add3A_1311, %add3A_1311 : vector<16xf32>
      %exp3A_1345 = math.exp %add3A_1344 : vector<16xf32>
      %add3A_1346 = arith.addf %add3A_1314, %add3A_1314 : vector<16xf32>
      %exp3A_1347 = math.exp %add3A_1346 : vector<16xf32>
      %add3A_1348 = arith.addf %add3A_1317, %add3A_1317 : vector<16xf32>
      %exp3A_1349 = math.exp %add3A_1348 : vector<16xf32>
      %add3A_1350 = arith.addf %add3A_1320, %add3A_1320 : vector<16xf32>
      %exp3A_1351 = math.exp %add3A_1350 : vector<16xf32>
      %add3A_1352 = arith.addf %add3A_1323, %add3A_1323 : vector<16xf32>
      %exp3A_1353 = math.exp %add3A_1352 : vector<16xf32>
      %add3A_1354 = arith.addf %add3A_1326, %add3A_1326 : vector<16xf32>
      %exp3A_1355 = math.exp %add3A_1354 : vector<16xf32>
      %add3A_1356 = arith.addf %add3A_1329, %add3A_1329 : vector<16xf32>
      %exp3A_1357 = math.exp %add3A_1356 : vector<16xf32>
      %add3A_1358 = arith.addf %add3A_1332, %add3A_1332 : vector<16xf32>
      %exp3A_1359 = math.exp %add3A_1358 : vector<16xf32>
      %add3A_1360 = arith.addf %add3A_1335, %add3A_1335 : vector<16xf32>
      %exp3A_1361 = math.exp %add3A_1360 : vector<16xf32>
      %add3A_1362 = arith.constant 1.000000e+00 : f32
      %add3A_1363 = vector.broadcast %add3A_1362 : f32 to vector<16xf32>
      %add3A_1364 = arith.addf %exp3A_1337, %add3A_1363 : vector<16xf32>
      %div3A_1365 = arith.constant 2.000000e+00 : f32
      %div3A_1366 = vector.broadcast %div3A_1365 : f32 to vector<16xf32>
      %div3A_1367 = arith.divf %div3A_1366, %add3A_1364 : vector<16xf32>
      %add3A_1368 = arith.constant 1.000000e+00 : f32
      %add3A_1369 = vector.broadcast %add3A_1368 : f32 to vector<16xf32>
      %add3A_1370 = arith.addf %exp3A_1339, %add3A_1369 : vector<16xf32>
      %div3A_1371 = arith.constant 2.000000e+00 : f32
      %div3A_1372 = vector.broadcast %div3A_1371 : f32 to vector<16xf32>
      %div3A_1373 = arith.divf %div3A_1372, %add3A_1370 : vector<16xf32>
      %add3A_1374 = arith.constant 1.000000e+00 : f32
      %add3A_1375 = vector.broadcast %add3A_1374 : f32 to vector<16xf32>
      %add3A_1376 = arith.addf %exp3A_1341, %add3A_1375 : vector<16xf32>
      %div3A_1377 = arith.constant 2.000000e+00 : f32
      %div3A_1378 = vector.broadcast %div3A_1377 : f32 to vector<16xf32>
      %div3A_1379 = arith.divf %div3A_1378, %add3A_1376 : vector<16xf32>
      %add3A_1380 = arith.constant 1.000000e+00 : f32
      %add3A_1381 = vector.broadcast %add3A_1380 : f32 to vector<16xf32>
      %add3A_1382 = arith.addf %exp3A_1343, %add3A_1381 : vector<16xf32>
      %div3A_1383 = arith.constant 2.000000e+00 : f32
      %div3A_1384 = vector.broadcast %div3A_1383 : f32 to vector<16xf32>
      %div3A_1385 = arith.divf %div3A_1384, %add3A_1382 : vector<16xf32>
      %add3A_1386 = arith.constant 1.000000e+00 : f32
      %add3A_1387 = vector.broadcast %add3A_1386 : f32 to vector<16xf32>
      %add3A_1388 = arith.addf %exp3A_1345, %add3A_1387 : vector<16xf32>
      %div3A_1389 = arith.constant 2.000000e+00 : f32
      %div3A_1390 = vector.broadcast %div3A_1389 : f32 to vector<16xf32>
      %div3A_1391 = arith.divf %div3A_1390, %add3A_1388 : vector<16xf32>
      %add3A_1392 = arith.constant 1.000000e+00 : f32
      %add3A_1393 = vector.broadcast %add3A_1392 : f32 to vector<16xf32>
      %add3A_1394 = arith.addf %exp3A_1347, %add3A_1393 : vector<16xf32>
      %div3A_1395 = arith.constant 2.000000e+00 : f32
      %div3A_1396 = vector.broadcast %div3A_1395 : f32 to vector<16xf32>
      %div3A_1397 = arith.divf %div3A_1396, %add3A_1394 : vector<16xf32>
      %add3A_1398 = arith.constant 1.000000e+00 : f32
      %add3A_1399 = vector.broadcast %add3A_1398 : f32 to vector<16xf32>
      %add3A_1400 = arith.addf %exp3A_1349, %add3A_1399 : vector<16xf32>
      %div3A_1401 = arith.constant 2.000000e+00 : f32
      %div3A_1402 = vector.broadcast %div3A_1401 : f32 to vector<16xf32>
      %div3A_1403 = arith.divf %div3A_1402, %add3A_1400 : vector<16xf32>
      %add3A_1404 = arith.constant 1.000000e+00 : f32
      %add3A_1405 = vector.broadcast %add3A_1404 : f32 to vector<16xf32>
      %add3A_1406 = arith.addf %exp3A_1351, %add3A_1405 : vector<16xf32>
      %div3A_1407 = arith.constant 2.000000e+00 : f32
      %div3A_1408 = vector.broadcast %div3A_1407 : f32 to vector<16xf32>
      %div3A_1409 = arith.divf %div3A_1408, %add3A_1406 : vector<16xf32>
      %add3A_1410 = arith.constant 1.000000e+00 : f32
      %add3A_1411 = vector.broadcast %add3A_1410 : f32 to vector<16xf32>
      %add3A_1412 = arith.addf %exp3A_1353, %add3A_1411 : vector<16xf32>
      %div3A_1413 = arith.constant 2.000000e+00 : f32
      %div3A_1414 = vector.broadcast %div3A_1413 : f32 to vector<16xf32>
      %div3A_1415 = arith.divf %div3A_1414, %add3A_1412 : vector<16xf32>
      %add3A_1416 = arith.constant 1.000000e+00 : f32
      %add3A_1417 = vector.broadcast %add3A_1416 : f32 to vector<16xf32>
      %add3A_1418 = arith.addf %exp3A_1355, %add3A_1417 : vector<16xf32>
      %div3A_1419 = arith.constant 2.000000e+00 : f32
      %div3A_1420 = vector.broadcast %div3A_1419 : f32 to vector<16xf32>
      %div3A_1421 = arith.divf %div3A_1420, %add3A_1418 : vector<16xf32>
      %add3A_1422 = arith.constant 1.000000e+00 : f32
      %add3A_1423 = vector.broadcast %add3A_1422 : f32 to vector<16xf32>
      %add3A_1424 = arith.addf %exp3A_1357, %add3A_1423 : vector<16xf32>
      %div3A_1425 = arith.constant 2.000000e+00 : f32
      %div3A_1426 = vector.broadcast %div3A_1425 : f32 to vector<16xf32>
      %div3A_1427 = arith.divf %div3A_1426, %add3A_1424 : vector<16xf32>
      %add3A_1428 = arith.constant 1.000000e+00 : f32
      %add3A_1429 = vector.broadcast %add3A_1428 : f32 to vector<16xf32>
      %add3A_1430 = arith.addf %exp3A_1359, %add3A_1429 : vector<16xf32>
      %div3A_1431 = arith.constant 2.000000e+00 : f32
      %div3A_1432 = vector.broadcast %div3A_1431 : f32 to vector<16xf32>
      %div3A_1433 = arith.divf %div3A_1432, %add3A_1430 : vector<16xf32>
      %add3A_1434 = arith.constant 1.000000e+00 : f32
      %add3A_1435 = vector.broadcast %add3A_1434 : f32 to vector<16xf32>
      %add3A_1436 = arith.addf %exp3A_1361, %add3A_1435 : vector<16xf32>
      %div3A_1437 = arith.constant 2.000000e+00 : f32
      %div3A_1438 = vector.broadcast %div3A_1437 : f32 to vector<16xf32>
      %div3A_1439 = arith.divf %div3A_1438, %add3A_1436 : vector<16xf32>
      %sub3A_1440 = arith.constant 1.000000e+00 : f32
      %sub3A_1441 = vector.broadcast %sub3A_1440 : f32 to vector<16xf32>
      %sub3A_1442 = arith.subf %sub3A_1441, %div3A_1367 : vector<16xf32>
      %sub3A_1443 = arith.constant 1.000000e+00 : f32
      %sub3A_1444 = vector.broadcast %sub3A_1443 : f32 to vector<16xf32>
      %sub3A_1445 = arith.subf %sub3A_1444, %div3A_1373 : vector<16xf32>
      %sub3A_1446 = arith.constant 1.000000e+00 : f32
      %sub3A_1447 = vector.broadcast %sub3A_1446 : f32 to vector<16xf32>
      %sub3A_1448 = arith.subf %sub3A_1447, %div3A_1379 : vector<16xf32>
      %sub3A_1449 = arith.constant 1.000000e+00 : f32
      %sub3A_1450 = vector.broadcast %sub3A_1449 : f32 to vector<16xf32>
      %sub3A_1451 = arith.subf %sub3A_1450, %div3A_1385 : vector<16xf32>
      %sub3A_1452 = arith.constant 1.000000e+00 : f32
      %sub3A_1453 = vector.broadcast %sub3A_1452 : f32 to vector<16xf32>
      %sub3A_1454 = arith.subf %sub3A_1453, %div3A_1391 : vector<16xf32>
      %sub3A_1455 = arith.constant 1.000000e+00 : f32
      %sub3A_1456 = vector.broadcast %sub3A_1455 : f32 to vector<16xf32>
      %sub3A_1457 = arith.subf %sub3A_1456, %div3A_1397 : vector<16xf32>
      %sub3A_1458 = arith.constant 1.000000e+00 : f32
      %sub3A_1459 = vector.broadcast %sub3A_1458 : f32 to vector<16xf32>
      %sub3A_1460 = arith.subf %sub3A_1459, %div3A_1403 : vector<16xf32>
      %sub3A_1461 = arith.constant 1.000000e+00 : f32
      %sub3A_1462 = vector.broadcast %sub3A_1461 : f32 to vector<16xf32>
      %sub3A_1463 = arith.subf %sub3A_1462, %div3A_1409 : vector<16xf32>
      %sub3A_1464 = arith.constant 1.000000e+00 : f32
      %sub3A_1465 = vector.broadcast %sub3A_1464 : f32 to vector<16xf32>
      %sub3A_1466 = arith.subf %sub3A_1465, %div3A_1415 : vector<16xf32>
      %sub3A_1467 = arith.constant 1.000000e+00 : f32
      %sub3A_1468 = vector.broadcast %sub3A_1467 : f32 to vector<16xf32>
      %sub3A_1469 = arith.subf %sub3A_1468, %div3A_1421 : vector<16xf32>
      %sub3A_1470 = arith.constant 1.000000e+00 : f32
      %sub3A_1471 = vector.broadcast %sub3A_1470 : f32 to vector<16xf32>
      %sub3A_1472 = arith.subf %sub3A_1471, %div3A_1427 : vector<16xf32>
      %sub3A_1473 = arith.constant 1.000000e+00 : f32
      %sub3A_1474 = vector.broadcast %sub3A_1473 : f32 to vector<16xf32>
      %sub3A_1475 = arith.subf %sub3A_1474, %div3A_1433 : vector<16xf32>
      %sub3A_1476 = arith.constant 1.000000e+00 : f32
      %sub3A_1477 = vector.broadcast %sub3A_1476 : f32 to vector<16xf32>
      %sub3A_1478 = arith.subf %sub3A_1477, %div3A_1439 : vector<16xf32>
      %mul3A_1479 = arith.constant 8.000000e+00 : f32
      %mul3A_1480 = vector.broadcast %mul3A_1479 : f32 to vector<16xf32>
      %mul3A_1481 = arith.mulf %mul3A_1480, %div3A_1367 : vector<16xf32>
      %sub3A_1482 = arith.constant 1.650000e+01 : f32
      %sub3A_1483 = vector.broadcast %sub3A_1482 : f32 to vector<16xf32>
      %sub3A_1484 = arith.subf %sub3A_1483, %mul3A_1481 : vector<16xf32>
      %mul3A_1485 = arith.constant 8.000000e+00 : f32
      %mul3A_1486 = vector.broadcast %mul3A_1485 : f32 to vector<16xf32>
      %mul3A_1487 = arith.mulf %mul3A_1486, %div3A_1373 : vector<16xf32>
      %sub3A_1488 = arith.constant 1.650000e+01 : f32
      %sub3A_1489 = vector.broadcast %sub3A_1488 : f32 to vector<16xf32>
      %sub3A_1490 = arith.subf %sub3A_1489, %mul3A_1487 : vector<16xf32>
      %mul3A_1491 = arith.constant 8.000000e+00 : f32
      %mul3A_1492 = vector.broadcast %mul3A_1491 : f32 to vector<16xf32>
      %mul3A_1493 = arith.mulf %mul3A_1492, %div3A_1379 : vector<16xf32>
      %sub3A_1494 = arith.constant 1.650000e+01 : f32
      %sub3A_1495 = vector.broadcast %sub3A_1494 : f32 to vector<16xf32>
      %sub3A_1496 = arith.subf %sub3A_1495, %mul3A_1493 : vector<16xf32>
      %mul3A_1497 = arith.constant 8.000000e+00 : f32
      %mul3A_1498 = vector.broadcast %mul3A_1497 : f32 to vector<16xf32>
      %mul3A_1499 = arith.mulf %mul3A_1498, %div3A_1385 : vector<16xf32>
      %sub3A_1500 = arith.constant 1.650000e+01 : f32
      %sub3A_1501 = vector.broadcast %sub3A_1500 : f32 to vector<16xf32>
      %sub3A_1502 = arith.subf %sub3A_1501, %mul3A_1499 : vector<16xf32>
      %mul3A_1503 = arith.constant 8.000000e+00 : f32
      %mul3A_1504 = vector.broadcast %mul3A_1503 : f32 to vector<16xf32>
      %mul3A_1505 = arith.mulf %mul3A_1504, %div3A_1391 : vector<16xf32>
      %sub3A_1506 = arith.constant 1.650000e+01 : f32
      %sub3A_1507 = vector.broadcast %sub3A_1506 : f32 to vector<16xf32>
      %sub3A_1508 = arith.subf %sub3A_1507, %mul3A_1505 : vector<16xf32>
      %mul3A_1509 = arith.constant 8.000000e+00 : f32
      %mul3A_1510 = vector.broadcast %mul3A_1509 : f32 to vector<16xf32>
      %mul3A_1511 = arith.mulf %mul3A_1510, %div3A_1397 : vector<16xf32>
      %sub3A_1512 = arith.constant 1.650000e+01 : f32
      %sub3A_1513 = vector.broadcast %sub3A_1512 : f32 to vector<16xf32>
      %sub3A_1514 = arith.subf %sub3A_1513, %mul3A_1511 : vector<16xf32>
      %mul3A_1515 = arith.constant 8.000000e+00 : f32
      %mul3A_1516 = vector.broadcast %mul3A_1515 : f32 to vector<16xf32>
      %mul3A_1517 = arith.mulf %mul3A_1516, %div3A_1403 : vector<16xf32>
      %sub3A_1518 = arith.constant 1.650000e+01 : f32
      %sub3A_1519 = vector.broadcast %sub3A_1518 : f32 to vector<16xf32>
      %sub3A_1520 = arith.subf %sub3A_1519, %mul3A_1517 : vector<16xf32>
      %mul3A_1521 = arith.constant 8.000000e+00 : f32
      %mul3A_1522 = vector.broadcast %mul3A_1521 : f32 to vector<16xf32>
      %mul3A_1523 = arith.mulf %mul3A_1522, %div3A_1409 : vector<16xf32>
      %sub3A_1524 = arith.constant 1.650000e+01 : f32
      %sub3A_1525 = vector.broadcast %sub3A_1524 : f32 to vector<16xf32>
      %sub3A_1526 = arith.subf %sub3A_1525, %mul3A_1523 : vector<16xf32>
      %mul3A_1527 = arith.constant 8.000000e+00 : f32
      %mul3A_1528 = vector.broadcast %mul3A_1527 : f32 to vector<16xf32>
      %mul3A_1529 = arith.mulf %mul3A_1528, %div3A_1415 : vector<16xf32>
      %sub3A_1530 = arith.constant 1.650000e+01 : f32
      %sub3A_1531 = vector.broadcast %sub3A_1530 : f32 to vector<16xf32>
      %sub3A_1532 = arith.subf %sub3A_1531, %mul3A_1529 : vector<16xf32>
      %mul3A_1533 = arith.constant 8.000000e+00 : f32
      %mul3A_1534 = vector.broadcast %mul3A_1533 : f32 to vector<16xf32>
      %mul3A_1535 = arith.mulf %mul3A_1534, %div3A_1421 : vector<16xf32>
      %sub3A_1536 = arith.constant 1.650000e+01 : f32
      %sub3A_1537 = vector.broadcast %sub3A_1536 : f32 to vector<16xf32>
      %sub3A_1538 = arith.subf %sub3A_1537, %mul3A_1535 : vector<16xf32>
      %mul3A_1539 = arith.constant 8.000000e+00 : f32
      %mul3A_1540 = vector.broadcast %mul3A_1539 : f32 to vector<16xf32>
      %mul3A_1541 = arith.mulf %mul3A_1540, %div3A_1427 : vector<16xf32>
      %sub3A_1542 = arith.constant 1.650000e+01 : f32
      %sub3A_1543 = vector.broadcast %sub3A_1542 : f32 to vector<16xf32>
      %sub3A_1544 = arith.subf %sub3A_1543, %mul3A_1541 : vector<16xf32>
      %mul3A_1545 = arith.constant 8.000000e+00 : f32
      %mul3A_1546 = vector.broadcast %mul3A_1545 : f32 to vector<16xf32>
      %mul3A_1547 = arith.mulf %mul3A_1546, %div3A_1433 : vector<16xf32>
      %sub3A_1548 = arith.constant 1.650000e+01 : f32
      %sub3A_1549 = vector.broadcast %sub3A_1548 : f32 to vector<16xf32>
      %sub3A_1550 = arith.subf %sub3A_1549, %mul3A_1547 : vector<16xf32>
      %mul3A_1551 = arith.constant 8.000000e+00 : f32
      %mul3A_1552 = vector.broadcast %mul3A_1551 : f32 to vector<16xf32>
      %mul3A_1553 = arith.mulf %mul3A_1552, %div3A_1439 : vector<16xf32>
      %sub3A_1554 = arith.constant 1.650000e+01 : f32
      %sub3A_1555 = vector.broadcast %sub3A_1554 : f32 to vector<16xf32>
      %sub3A_1556 = arith.subf %sub3A_1555, %mul3A_1553 : vector<16xf32>
      %convert_element_type3A_1557 = arith.fptosi %sub3A_1484 : vector<16xf32> to vector<16xi32>
      %convert_element_type3A_1558 = arith.fptosi %sub3A_1490 : vector<16xf32> to vector<16xi32>
      %convert_element_type3A_1559 = arith.fptosi %sub3A_1496 : vector<16xf32> to vector<16xi32>
      %convert_element_type3A_1560 = arith.fptosi %sub3A_1502 : vector<16xf32> to vector<16xi32>
      %convert_element_type3A_1561 = arith.fptosi %sub3A_1508 : vector<16xf32> to vector<16xi32>
      %convert_element_type3A_1562 = arith.fptosi %sub3A_1514 : vector<16xf32> to vector<16xi32>
      %convert_element_type3A_1563 = arith.fptosi %sub3A_1520 : vector<16xf32> to vector<16xi32>
      %convert_element_type3A_1564 = arith.fptosi %sub3A_1526 : vector<16xf32> to vector<16xi32>
      %convert_element_type3A_1565 = arith.fptosi %sub3A_1532 : vector<16xf32> to vector<16xi32>
      %convert_element_type3A_1566 = arith.fptosi %sub3A_1538 : vector<16xf32> to vector<16xi32>
      %convert_element_type3A_1567 = arith.fptosi %sub3A_1544 : vector<16xf32> to vector<16xi32>
      %convert_element_type3A_1568 = arith.fptosi %sub3A_1550 : vector<16xf32> to vector<16xi32>
      %convert_element_type3A_1569 = arith.fptosi %sub3A_1556 : vector<16xf32> to vector<16xi32>
      %gather3A_1570 = tpu.vector_load_idx %arg8[%convert_element_type3A_1557] : memref<32xf32, #tpu.memory_space<vmem>>[vector<16xi32>], vector<16xf32>,
      %gather3A_1571 = tpu.vector_load_idx %arg8[%convert_element_type3A_1558] : memref<32xf32, #tpu.memory_space<vmem>>[vector<16xi32>], vector<16xf32>,
      %gather3A_1572 = tpu.vector_load_idx %arg8[%convert_element_type3A_1559] : memref<32xf32, #tpu.memory_space<vmem>>[vector<16xi32>], vector<16xf32>,
      %gather3A_1573 = tpu.vector_load_idx %arg8[%convert_element_type3A_1560] : memref<32xf32, #tpu.memory_space<vmem>>[vector<16xi32>], vector<16xf32>,
      %gather3A_1574 = tpu.vector_load_idx %arg8[%convert_element_type3A_1561] : memref<32xf32, #tpu.memory_space<vmem>>[vector<16xi32>], vector<16xf32>,
      %gather3A_1575 = tpu.vector_load_idx %arg8[%convert_element_type3A_1562] : memref<32xf32, #tpu.memory_space<vmem>>[vector<16xi32>], vector<16xf32>,
      %gather3A_1576 = tpu.vector_load_idx %arg8[%convert_element_type3A_1563] : memref<32xf32, #tpu.memory_space<vmem>>[vector<16xi32>], vector<16xf32>,
      %gather3A_1577 = tpu.vector_load_idx %arg8[%convert_element_type3A_1564] : memref<32xf32, #tpu.memory_space<vmem>>[vector<16xi32>], vector<16xf32>,
      %gather3A_1578 = tpu.vector_load_idx %arg8[%convert_element_type3A_1565] : memref<32xf32, #tpu.memory_space<vmem>>[vector<16xi32>], vector<16xf32>,
      %gather3A_1579 = tpu.vector_load_idx %arg8[%convert_element_type3A_1566] : memref<32xf32, #tpu.memory_space<vmem>>[vector<16xi32>], vector<16xf32>,
      %gather3A_1580 = tpu.vector_load_idx %arg8[%convert_element_type3A_1567] : memref<32xf32, #tpu.memory_space<vmem>>[vector<16xi32>], vector<16xf32>,
      %gather3A_1581 = tpu.vector_load_idx %arg8[%convert_element_type3A_1568] : memref<32xf32, #tpu.memory_space<vmem>>[vector<16xi32>], vector<16xf32>,
      %gather3A_1582 = tpu.vector_load_idx %arg8[%convert_element_type3A_1569] : memref<32xf32, #tpu.memory_space<vmem>>[vector<16xi32>], vector<16xf32>,
      %gather3A_1583 = tpu.vector_load_idx %arg9[%convert_element_type3A_1557] : memref<32xf32, #tpu.memory_space<vmem>>[vector<16xi32>], vector<16xf32>,
      %gather3A_1584 = tpu.vector_load_idx %arg9[%convert_element_type3A_1558] : memref<32xf32, #tpu.memory_space<vmem>>[vector<16xi32>], vector<16xf32>,
      %gather3A_1585 = tpu.vector_load_idx %arg9[%convert_element_type3A_1559] : memref<32xf32, #tpu.memory_space<vmem>>[vector<16xi32>], vector<16xf32>,
      %gather3A_1586 = tpu.vector_load_idx %arg9[%convert_element_type3A_1560] : memref<32xf32, #tpu.memory_space<vmem>>[vector<16xi32>], vector<16xf32>,
      %gather3A_1587 = tpu.vector_load_idx %arg9[%convert_element_type3A_1561] : memref<32xf32, #tpu.memory_space<vmem>>[vector<16xi32>], vector<16xf32>,
      %gather3A_1588 = tpu.vector_load_idx %arg9[%convert_element_type3A_1562] : memref<32xf32, #tpu.memory_space<vmem>>[vector<16xi32>], vector<16xf32>,
      %gather3A_1589 = tpu.vector_load_idx %arg9[%convert_element_type3A_1563] : memref<32xf32, #tpu.memory_space<vmem>>[vector<16xi32>], vector<16xf32>,
      %gather3A_1590 = tpu.vector_load_idx %arg9[%convert_element_type3A_1564] : memref<32xf32, #tpu.memory_space<vmem>>[vector<16xi32>], vector<16xf32>,
      %gather3A_1591 = tpu.vector_load_idx %arg9[%convert_element_type3A_1565] : memref<32xf32, #tpu.memory_space<vmem>>[vector<16xi32>], vector<16xf32>,
      %gather3A_1592 = tpu.vector_load_idx %arg9[%convert_element_type3A_1566] : memref<32xf32, #tpu.memory_space<vmem>>[vector<16xi32>], vector<16xf32>,
      %gather3A_1593 = tpu.vector_load_idx %arg9[%convert_element_type3A_1567] : memref<32xf32, #tpu.memory_space<vmem>>[vector<16xi32>], vector<16xf32>,
      %gather3A_1594 = tpu.vector_load_idx %arg9[%convert_element_type3A_1568] : memref<32xf32, #tpu.memory_space<vmem>>[vector<16xi32>], vector<16xf32>,
      %gather3A_1595 = tpu.vector_load_idx %arg9[%convert_element_type3A_1569] : memref<32xf32, #tpu.memory_space<vmem>>[vector<16xi32>], vector<16xf32>,
      %mul3A_1596 = arith.mulf %sub3A_1442, %gather3A_1583 : vector<16xf32>
      %add3A_1597 = arith.addf %gather3A_1570, %mul3A_1596 : vector<16xf32>
      %add3A_1598 = arith.addf %add3A_1299, %add3A_1597 : vector<16xf32>
      %mul3A_1599 = arith.mulf %sub3A_1445, %gather3A_1584 : vector<16xf32>
      %add3A_1600 = arith.addf %gather3A_1571, %mul3A_1599 : vector<16xf32>
      %add3A_1601 = arith.addf %add3A_1302, %add3A_1600 : vector<16xf32>
      %mul3A_1602 = arith.mulf %sub3A_1448, %gather3A_1585 : vector<16xf32>
      %add3A_1603 = arith.addf %gather3A_1572, %mul3A_1602 : vector<16xf32>
      %add3A_1604 = arith.addf %add3A_1305, %add3A_1603 : vector<16xf32>
      %mul3A_1605 = arith.mulf %sub3A_1451, %gather3A_1586 : vector<16xf32>
      %add3A_1606 = arith.addf %gather3A_1573, %mul3A_1605 : vector<16xf32>
      %add3A_1607 = arith.addf %add3A_1308, %add3A_1606 : vector<16xf32>
      %mul3A_1608 = arith.mulf %sub3A_1454, %gather3A_1587 : vector<16xf32>
      %add3A_1609 = arith.addf %gather3A_1574, %mul3A_1608 : vector<16xf32>
      %add3A_1610 = arith.addf %add3A_1311, %add3A_1609 : vector<16xf32>
      %mul3A_1611 = arith.mulf %sub3A_1457, %gather3A_1588 : vector<16xf32>
      %add3A_1612 = arith.addf %gather3A_1575, %mul3A_1611 : vector<16xf32>
      %add3A_1613 = arith.addf %add3A_1314, %add3A_1612 : vector<16xf32>
      %mul3A_1614 = arith.mulf %sub3A_1460, %gather3A_1589 : vector<16xf32>
      %add3A_1615 = arith.addf %gather3A_1576, %mul3A_1614 : vector<16xf32>
      %add3A_1616 = arith.addf %add3A_1317, %add3A_1615 : vector<16xf32>
      %mul3A_1617 = arith.mulf %sub3A_1463, %gather3A_1590 : vector<16xf32>
      %add3A_1618 = arith.addf %gather3A_1577, %mul3A_1617 : vector<16xf32>
      %add3A_1619 = arith.addf %add3A_1320, %add3A_1618 : vector<16xf32>
      %mul3A_1620 = arith.mulf %sub3A_1466, %gather3A_1591 : vector<16xf32>
      %add3A_1621 = arith.addf %gather3A_1578, %mul3A_1620 : vector<16xf32>
      %add3A_1622 = arith.addf %add3A_1323, %add3A_1621 : vector<16xf32>
      %mul3A_1623 = arith.mulf %sub3A_1469, %gather3A_1592 : vector<16xf32>
      %add3A_1624 = arith.addf %gather3A_1579, %mul3A_1623 : vector<16xf32>
      %add3A_1625 = arith.addf %add3A_1326, %add3A_1624 : vector<16xf32>
      %mul3A_1626 = arith.mulf %sub3A_1472, %gather3A_1593 : vector<16xf32>
      %add3A_1627 = arith.addf %gather3A_1580, %mul3A_1626 : vector<16xf32>
      %add3A_1628 = arith.addf %add3A_1329, %add3A_1627 : vector<16xf32>
      %mul3A_1629 = arith.mulf %sub3A_1475, %gather3A_1594 : vector<16xf32>
      %add3A_1630 = arith.addf %gather3A_1581, %mul3A_1629 : vector<16xf32>
      %add3A_1631 = arith.addf %add3A_1332, %add3A_1630 : vector<16xf32>
      %mul3A_1632 = arith.mulf %sub3A_1478, %gather3A_1595 : vector<16xf32>
      %add3A_1633 = arith.addf %gather3A_1582, %mul3A_1632 : vector<16xf32>
      %add3A_1634 = arith.addf %add3A_1335, %add3A_1633 : vector<16xf32>
      %add3A_1635 = arith.addf %add3A_1598, %add3A_1598 : vector<16xf32>
      %exp3A_1636 = math.exp %add3A_1635 : vector<16xf32>
      %add3A_1637 = arith.addf %add3A_1601, %add3A_1601 : vector<16xf32>
      %exp3A_1638 = math.exp %add3A_1637 : vector<16xf32>
      %add3A_1639 = arith.addf %add3A_1604, %add3A_1604 : vector<16xf32>
      %exp3A_1640 = math.exp %add3A_1639 : vector<16xf32>
      %add3A_1641 = arith.addf %add3A_1607, %add3A_1607 : vector<16xf32>
      %exp3A_1642 = math.exp %add3A_1641 : vector<16xf32>
      %add3A_1643 = arith.addf %add3A_1610, %add3A_1610 : vector<16xf32>
      %exp3A_1644 = math.exp %add3A_1643 : vector<16xf32>
      %add3A_1645 = arith.addf %add3A_1613, %add3A_1613 : vector<16xf32>
      %exp3A_1646 = math.exp %add3A_1645 : vector<16xf32>
      %add3A_1647 = arith.addf %add3A_1616, %add3A_1616 : vector<16xf32>
      %exp3A_1648 = math.exp %add3A_1647 : vector<16xf32>
      %add3A_1649 = arith.addf %add3A_1619, %add3A_1619 : vector<16xf32>
      %exp3A_1650 = math.exp %add3A_1649 : vector<16xf32>
      %add3A_1651 = arith.addf %add3A_1622, %add3A_1622 : vector<16xf32>
      %exp3A_1652 = math.exp %add3A_1651 : vector<16xf32>
      %add3A_1653 = arith.addf %add3A_1625, %add3A_1625 : vector<16xf32>
      %exp3A_1654 = math.exp %add3A_1653 : vector<16xf32>
      %add3A_1655 = arith.addf %add3A_1628, %add3A_1628 : vector<16xf32>
      %exp3A_1656 = math.exp %add3A_1655 : vector<16xf32>
      %add3A_1657 = arith.addf %add3A_1631, %add3A_1631 : vector<16xf32>
      %exp3A_1658 = math.exp %add3A_1657 : vector<16xf32>
      %add3A_1659 = arith.addf %add3A_1634, %add3A_1634 : vector<16xf32>
      %exp3A_1660 = math.exp %add3A_1659 : vector<16xf32>
      %add3A_1661 = arith.constant 1.000000e+00 : f32
      %add3A_1662 = vector.broadcast %add3A_1661 : f32 to vector<16xf32>
      %add3A_1663 = arith.addf %exp3A_1636, %add3A_1662 : vector<16xf32>
      %div3A_1664 = arith.constant 2.000000e+00 : f32
      %div3A_1665 = vector.broadcast %div3A_1664 : f32 to vector<16xf32>
      %div3A_1666 = arith.divf %div3A_1665, %add3A_1663 : vector<16xf32>
      %add3A_1667 = arith.constant 1.000000e+00 : f32
      %add3A_1668 = vector.broadcast %add3A_1667 : f32 to vector<16xf32>
      %add3A_1669 = arith.addf %exp3A_1638, %add3A_1668 : vector<16xf32>
      %div3A_1670 = arith.constant 2.000000e+00 : f32
      %div3A_1671 = vector.broadcast %div3A_1670 : f32 to vector<16xf32>
      %div3A_1672 = arith.divf %div3A_1671, %add3A_1669 : vector<16xf32>
      %add3A_1673 = arith.constant 1.000000e+00 : f32
      %add3A_1674 = vector.broadcast %add3A_1673 : f32 to vector<16xf32>
      %add3A_1675 = arith.addf %exp3A_1640, %add3A_1674 : vector<16xf32>
      %div3A_1676 = arith.constant 2.000000e+00 : f32
      %div3A_1677 = vector.broadcast %div3A_1676 : f32 to vector<16xf32>
      %div3A_1678 = arith.divf %div3A_1677, %add3A_1675 : vector<16xf32>
      %add3A_1679 = arith.constant 1.000000e+00 : f32
      %add3A_1680 = vector.broadcast %add3A_1679 : f32 to vector<16xf32>
      %add3A_1681 = arith.addf %exp3A_1642, %add3A_1680 : vector<16xf32>
      %div3A_1682 = arith.constant 2.000000e+00 : f32
      %div3A_1683 = vector.broadcast %div3A_1682 : f32 to vector<16xf32>
      %div3A_1684 = arith.divf %div3A_1683, %add3A_1681 : vector<16xf32>
      %add3A_1685 = arith.constant 1.000000e+00 : f32
      %add3A_1686 = vector.broadcast %add3A_1685 : f32 to vector<16xf32>
      %add3A_1687 = arith.addf %exp3A_1644, %add3A_1686 : vector<16xf32>
      %div3A_1688 = arith.constant 2.000000e+00 : f32
      %div3A_1689 = vector.broadcast %div3A_1688 : f32 to vector<16xf32>
      %div3A_1690 = arith.divf %div3A_1689, %add3A_1687 : vector<16xf32>
      %add3A_1691 = arith.constant 1.000000e+00 : f32
      %add3A_1692 = vector.broadcast %add3A_1691 : f32 to vector<16xf32>
      %add3A_1693 = arith.addf %exp3A_1646, %add3A_1692 : vector<16xf32>
      %div3A_1694 = arith.constant 2.000000e+00 : f32
      %div3A_1695 = vector.broadcast %div3A_1694 : f32 to vector<16xf32>
      %div3A_1696 = arith.divf %div3A_1695, %add3A_1693 : vector<16xf32>
      %add3A_1697 = arith.constant 1.000000e+00 : f32
      %add3A_1698 = vector.broadcast %add3A_1697 : f32 to vector<16xf32>
      %add3A_1699 = arith.addf %exp3A_1648, %add3A_1698 : vector<16xf32>
      %div3A_1700 = arith.constant 2.000000e+00 : f32
      %div3A_1701 = vector.broadcast %div3A_1700 : f32 to vector<16xf32>
      %div3A_1702 = arith.divf %div3A_1701, %add3A_1699 : vector<16xf32>
      %add3A_1703 = arith.constant 1.000000e+00 : f32
      %add3A_1704 = vector.broadcast %add3A_1703 : f32 to vector<16xf32>
      %add3A_1705 = arith.addf %exp3A_1650, %add3A_1704 : vector<16xf32>
      %div3A_1706 = arith.constant 2.000000e+00 : f32
      %div3A_1707 = vector.broadcast %div3A_1706 : f32 to vector<16xf32>
      %div3A_1708 = arith.divf %div3A_1707, %add3A_1705 : vector<16xf32>
      %add3A_1709 = arith.constant 1.000000e+00 : f32
      %add3A_1710 = vector.broadcast %add3A_1709 : f32 to vector<16xf32>
      %add3A_1711 = arith.addf %exp3A_1652, %add3A_1710 : vector<16xf32>
      %div3A_1712 = arith.constant 2.000000e+00 : f32
      %div3A_1713 = vector.broadcast %div3A_1712 : f32 to vector<16xf32>
      %div3A_1714 = arith.divf %div3A_1713, %add3A_1711 : vector<16xf32>
      %add3A_1715 = arith.constant 1.000000e+00 : f32
      %add3A_1716 = vector.broadcast %add3A_1715 : f32 to vector<16xf32>
      %add3A_1717 = arith.addf %exp3A_1654, %add3A_1716 : vector<16xf32>
      %div3A_1718 = arith.constant 2.000000e+00 : f32
      %div3A_1719 = vector.broadcast %div3A_1718 : f32 to vector<16xf32>
      %div3A_1720 = arith.divf %div3A_1719, %add3A_1717 : vector<16xf32>
      %add3A_1721 = arith.constant 1.000000e+00 : f32
      %add3A_1722 = vector.broadcast %add3A_1721 : f32 to vector<16xf32>
      %add3A_1723 = arith.addf %exp3A_1656, %add3A_1722 : vector<16xf32>
      %div3A_1724 = arith.constant 2.000000e+00 : f32
      %div3A_1725 = vector.broadcast %div3A_1724 : f32 to vector<16xf32>
      %div3A_1726 = arith.divf %div3A_1725, %add3A_1723 : vector<16xf32>
      %add3A_1727 = arith.constant 1.000000e+00 : f32
      %add3A_1728 = vector.broadcast %add3A_1727 : f32 to vector<16xf32>
      %add3A_1729 = arith.addf %exp3A_1658, %add3A_1728 : vector<16xf32>
      %div3A_1730 = arith.constant 2.000000e+00 : f32
      %div3A_1731 = vector.broadcast %div3A_1730 : f32 to vector<16xf32>
      %div3A_1732 = arith.divf %div3A_1731, %add3A_1729 : vector<16xf32>
      %add3A_1733 = arith.constant 1.000000e+00 : f32
      %add3A_1734 = vector.broadcast %add3A_1733 : f32 to vector<16xf32>
      %add3A_1735 = arith.addf %exp3A_1660, %add3A_1734 : vector<16xf32>
      %div3A_1736 = arith.constant 2.000000e+00 : f32
      %div3A_1737 = vector.broadcast %div3A_1736 : f32 to vector<16xf32>
      %div3A_1738 = arith.divf %div3A_1737, %add3A_1735 : vector<16xf32>
      %sub3A_1739 = arith.constant 1.000000e+00 : f32
      %sub3A_1740 = vector.broadcast %sub3A_1739 : f32 to vector<16xf32>
      %sub3A_1741 = arith.subf %sub3A_1740, %div3A_1666 : vector<16xf32>
      %sub3A_1742 = arith.constant 1.000000e+00 : f32
      %sub3A_1743 = vector.broadcast %sub3A_1742 : f32 to vector<16xf32>
      %sub3A_1744 = arith.subf %sub3A_1743, %div3A_1672 : vector<16xf32>
      %sub3A_1745 = arith.constant 1.000000e+00 : f32
      %sub3A_1746 = vector.broadcast %sub3A_1745 : f32 to vector<16xf32>
      %sub3A_1747 = arith.subf %sub3A_1746, %div3A_1678 : vector<16xf32>
      %sub3A_1748 = arith.constant 1.000000e+00 : f32
      %sub3A_1749 = vector.broadcast %sub3A_1748 : f32 to vector<16xf32>
      %sub3A_1750 = arith.subf %sub3A_1749, %div3A_1684 : vector<16xf32>
      %sub3A_1751 = arith.constant 1.000000e+00 : f32
      %sub3A_1752 = vector.broadcast %sub3A_1751 : f32 to vector<16xf32>
      %sub3A_1753 = arith.subf %sub3A_1752, %div3A_1690 : vector<16xf32>
      %sub3A_1754 = arith.constant 1.000000e+00 : f32
      %sub3A_1755 = vector.broadcast %sub3A_1754 : f32 to vector<16xf32>
      %sub3A_1756 = arith.subf %sub3A_1755, %div3A_1696 : vector<16xf32>
      %sub3A_1757 = arith.constant 1.000000e+00 : f32
      %sub3A_1758 = vector.broadcast %sub3A_1757 : f32 to vector<16xf32>
      %sub3A_1759 = arith.subf %sub3A_1758, %div3A_1702 : vector<16xf32>
      %sub3A_1760 = arith.constant 1.000000e+00 : f32
      %sub3A_1761 = vector.broadcast %sub3A_1760 : f32 to vector<16xf32>
      %sub3A_1762 = arith.subf %sub3A_1761, %div3A_1708 : vector<16xf32>
      %sub3A_1763 = arith.constant 1.000000e+00 : f32
      %sub3A_1764 = vector.broadcast %sub3A_1763 : f32 to vector<16xf32>
      %sub3A_1765 = arith.subf %sub3A_1764, %div3A_1714 : vector<16xf32>
      %sub3A_1766 = arith.constant 1.000000e+00 : f32
      %sub3A_1767 = vector.broadcast %sub3A_1766 : f32 to vector<16xf32>
      %sub3A_1768 = arith.subf %sub3A_1767, %div3A_1720 : vector<16xf32>
      %sub3A_1769 = arith.constant 1.000000e+00 : f32
      %sub3A_1770 = vector.broadcast %sub3A_1769 : f32 to vector<16xf32>
      %sub3A_1771 = arith.subf %sub3A_1770, %div3A_1726 : vector<16xf32>
      %sub3A_1772 = arith.constant 1.000000e+00 : f32
      %sub3A_1773 = vector.broadcast %sub3A_1772 : f32 to vector<16xf32>
      %sub3A_1774 = arith.subf %sub3A_1773, %div3A_1732 : vector<16xf32>
      %sub3A_1775 = arith.constant 1.000000e+00 : f32
      %sub3A_1776 = vector.broadcast %sub3A_1775 : f32 to vector<16xf32>
      %sub3A_1777 = arith.subf %sub3A_1776, %div3A_1738 : vector<16xf32>
      %mul3A_1778 = arith.constant 8.000000e+00 : f32
      %mul3A_1779 = vector.broadcast %mul3A_1778 : f32 to vector<16xf32>
      %mul3A_1780 = arith.mulf %mul3A_1779, %div3A_1666 : vector<16xf32>
      %sub3A_1781 = arith.constant 1.650000e+01 : f32
      %sub3A_1782 = vector.broadcast %sub3A_1781 : f32 to vector<16xf32>
      %sub3A_1783 = arith.subf %sub3A_1782, %mul3A_1780 : vector<16xf32>
      %mul3A_1784 = arith.constant 8.000000e+00 : f32
      %mul3A_1785 = vector.broadcast %mul3A_1784 : f32 to vector<16xf32>
      %mul3A_1786 = arith.mulf %mul3A_1785, %div3A_1672 : vector<16xf32>
      %sub3A_1787 = arith.constant 1.650000e+01 : f32
      %sub3A_1788 = vector.broadcast %sub3A_1787 : f32 to vector<16xf32>
      %sub3A_1789 = arith.subf %sub3A_1788, %mul3A_1786 : vector<16xf32>
      %mul3A_1790 = arith.constant 8.000000e+00 : f32
      %mul3A_1791 = vector.broadcast %mul3A_1790 : f32 to vector<16xf32>
      %mul3A_1792 = arith.mulf %mul3A_1791, %div3A_1678 : vector<16xf32>
      %sub3A_1793 = arith.constant 1.650000e+01 : f32
      %sub3A_1794 = vector.broadcast %sub3A_1793 : f32 to vector<16xf32>
      %sub3A_1795 = arith.subf %sub3A_1794, %mul3A_1792 : vector<16xf32>
      %mul3A_1796 = arith.constant 8.000000e+00 : f32
      %mul3A_1797 = vector.broadcast %mul3A_1796 : f32 to vector<16xf32>
      %mul3A_1798 = arith.mulf %mul3A_1797, %div3A_1684 : vector<16xf32>
      %sub3A_1799 = arith.constant 1.650000e+01 : f32
      %sub3A_1800 = vector.broadcast %sub3A_1799 : f32 to vector<16xf32>
      %sub3A_1801 = arith.subf %sub3A_1800, %mul3A_1798 : vector<16xf32>
      %mul3A_1802 = arith.constant 8.000000e+00 : f32
      %mul3A_1803 = vector.broadcast %mul3A_1802 : f32 to vector<16xf32>
      %mul3A_1804 = arith.mulf %mul3A_1803, %div3A_1690 : vector<16xf32>
      %sub3A_1805 = arith.constant 1.650000e+01 : f32
      %sub3A_1806 = vector.broadcast %sub3A_1805 : f32 to vector<16xf32>
      %sub3A_1807 = arith.subf %sub3A_1806, %mul3A_1804 : vector<16xf32>
      %mul3A_1808 = arith.constant 8.000000e+00 : f32
      %mul3A_1809 = vector.broadcast %mul3A_1808 : f32 to vector<16xf32>
      %mul3A_1810 = arith.mulf %mul3A_1809, %div3A_1696 : vector<16xf32>
      %sub3A_1811 = arith.constant 1.650000e+01 : f32
      %sub3A_1812 = vector.broadcast %sub3A_1811 : f32 to vector<16xf32>
      %sub3A_1813 = arith.subf %sub3A_1812, %mul3A_1810 : vector<16xf32>
      %mul3A_1814 = arith.constant 8.000000e+00 : f32
      %mul3A_1815 = vector.broadcast %mul3A_1814 : f32 to vector<16xf32>
      %mul3A_1816 = arith.mulf %mul3A_1815, %div3A_1702 : vector<16xf32>
      %sub3A_1817 = arith.constant 1.650000e+01 : f32
      %sub3A_1818 = vector.broadcast %sub3A_1817 : f32 to vector<16xf32>
      %sub3A_1819 = arith.subf %sub3A_1818, %mul3A_1816 : vector<16xf32>
      %mul3A_1820 = arith.constant 8.000000e+00 : f32
      %mul3A_1821 = vector.broadcast %mul3A_1820 : f32 to vector<16xf32>
      %mul3A_1822 = arith.mulf %mul3A_1821, %div3A_1708 : vector<16xf32>
      %sub3A_1823 = arith.constant 1.650000e+01 : f32
      %sub3A_1824 = vector.broadcast %sub3A_1823 : f32 to vector<16xf32>
      %sub3A_1825 = arith.subf %sub3A_1824, %mul3A_1822 : vector<16xf32>
      %mul3A_1826 = arith.constant 8.000000e+00 : f32
      %mul3A_1827 = vector.broadcast %mul3A_1826 : f32 to vector<16xf32>
      %mul3A_1828 = arith.mulf %mul3A_1827, %div3A_1714 : vector<16xf32>
      %sub3A_1829 = arith.constant 1.650000e+01 : f32
      %sub3A_1830 = vector.broadcast %sub3A_1829 : f32 to vector<16xf32>
      %sub3A_1831 = arith.subf %sub3A_1830, %mul3A_1828 : vector<16xf32>
      %mul3A_1832 = arith.constant 8.000000e+00 : f32
      %mul3A_1833 = vector.broadcast %mul3A_1832 : f32 to vector<16xf32>
      %mul3A_1834 = arith.mulf %mul3A_1833, %div3A_1720 : vector<16xf32>
      %sub3A_1835 = arith.constant 1.650000e+01 : f32
      %sub3A_1836 = vector.broadcast %sub3A_1835 : f32 to vector<16xf32>
      %sub3A_1837 = arith.subf %sub3A_1836, %mul3A_1834 : vector<16xf32>
      %mul3A_1838 = arith.constant 8.000000e+00 : f32
      %mul3A_1839 = vector.broadcast %mul3A_1838 : f32 to vector<16xf32>
      %mul3A_1840 = arith.mulf %mul3A_1839, %div3A_1726 : vector<16xf32>
      %sub3A_1841 = arith.constant 1.650000e+01 : f32
      %sub3A_1842 = vector.broadcast %sub3A_1841 : f32 to vector<16xf32>
      %sub3A_1843 = arith.subf %sub3A_1842, %mul3A_1840 : vector<16xf32>
      %mul3A_1844 = arith.constant 8.000000e+00 : f32
      %mul3A_1845 = vector.broadcast %mul3A_1844 : f32 to vector<16xf32>
      %mul3A_1846 = arith.mulf %mul3A_1845, %div3A_1732 : vector<16xf32>
      %sub3A_1847 = arith.constant 1.650000e+01 : f32
      %sub3A_1848 = vector.broadcast %sub3A_1847 : f32 to vector<16xf32>
      %sub3A_1849 = arith.subf %sub3A_1848, %mul3A_1846 : vector<16xf32>
      %mul3A_1850 = arith.constant 8.000000e+00 : f32
      %mul3A_1851 = vector.broadcast %mul3A_1850 : f32 to vector<16xf32>
      %mul3A_1852 = arith.mulf %mul3A_1851, %div3A_1738 : vector<16xf32>
      %sub3A_1853 = arith.constant 1.650000e+01 : f32
      %sub3A_1854 = vector.broadcast %sub3A_1853 : f32 to vector<16xf32>
      %sub3A_1855 = arith.subf %sub3A_1854, %mul3A_1852 : vector<16xf32>
      %convert_element_type3A_1856 = arith.fptosi %sub3A_1783 : vector<16xf32> to vector<16xi32>
      %convert_element_type3A_1857 = arith.fptosi %sub3A_1789 : vector<16xf32> to vector<16xi32>
      %convert_element_type3A_1858 = arith.fptosi %sub3A_1795 : vector<16xf32> to vector<16xi32>
      %convert_element_type3A_1859 = arith.fptosi %sub3A_1801 : vector<16xf32> to vector<16xi32>
      %convert_element_type3A_1860 = arith.fptosi %sub3A_1807 : vector<16xf32> to vector<16xi32>
      %convert_element_type3A_1861 = arith.fptosi %sub3A_1813 : vector<16xf32> to vector<16xi32>
      %convert_element_type3A_1862 = arith.fptosi %sub3A_1819 : vector<16xf32> to vector<16xi32>
      %convert_element_type3A_1863 = arith.fptosi %sub3A_1825 : vector<16xf32> to vector<16xi32>
      %convert_element_type3A_1864 = arith.fptosi %sub3A_1831 : vector<16xf32> to vector<16xi32>
      %convert_element_type3A_1865 = arith.fptosi %sub3A_1837 : vector<16xf32> to vector<16xi32>
      %convert_element_type3A_1866 = arith.fptosi %sub3A_1843 : vector<16xf32> to vector<16xi32>
      %convert_element_type3A_1867 = arith.fptosi %sub3A_1849 : vector<16xf32> to vector<16xi32>
      %convert_element_type3A_1868 = arith.fptosi %sub3A_1855 : vector<16xf32> to vector<16xi32>
      %gather3A_1869 = tpu.vector_load_idx %arg8[%convert_element_type3A_1856] : memref<32xf32, #tpu.memory_space<vmem>>[vector<16xi32>], vector<16xf32>,
      %gather3A_1870 = tpu.vector_load_idx %arg8[%convert_element_type3A_1857] : memref<32xf32, #tpu.memory_space<vmem>>[vector<16xi32>], vector<16xf32>,
      %gather3A_1871 = tpu.vector_load_idx %arg8[%convert_element_type3A_1858] : memref<32xf32, #tpu.memory_space<vmem>>[vector<16xi32>], vector<16xf32>,
      %gather3A_1872 = tpu.vector_load_idx %arg8[%convert_element_type3A_1859] : memref<32xf32, #tpu.memory_space<vmem>>[vector<16xi32>], vector<16xf32>,
      %gather3A_1873 = tpu.vector_load_idx %arg8[%convert_element_type3A_1860] : memref<32xf32, #tpu.memory_space<vmem>>[vector<16xi32>], vector<16xf32>,
      %gather3A_1874 = tpu.vector_load_idx %arg8[%convert_element_type3A_1861] : memref<32xf32, #tpu.memory_space<vmem>>[vector<16xi32>], vector<16xf32>,
      %gather3A_1875 = tpu.vector_load_idx %arg8[%convert_element_type3A_1862] : memref<32xf32, #tpu.memory_space<vmem>>[vector<16xi32>], vector<16xf32>,
      %gather3A_1876 = tpu.vector_load_idx %arg8[%convert_element_type3A_1863] : memref<32xf32, #tpu.memory_space<vmem>>[vector<16xi32>], vector<16xf32>,
      %gather3A_1877 = tpu.vector_load_idx %arg8[%convert_element_type3A_1864] : memref<32xf32, #tpu.memory_space<vmem>>[vector<16xi32>], vector<16xf32>,
      %gather3A_1878 = tpu.vector_load_idx %arg8[%convert_element_type3A_1865] : memref<32xf32, #tpu.memory_space<vmem>>[vector<16xi32>], vector<16xf32>,
      %gather3A_1879 = tpu.vector_load_idx %arg8[%convert_element_type3A_1866] : memref<32xf32, #tpu.memory_space<vmem>>[vector<16xi32>], vector<16xf32>,
      %gather3A_1880 = tpu.vector_load_idx %arg8[%convert_element_type3A_1867] : memref<32xf32, #tpu.memory_space<vmem>>[vector<16xi32>], vector<16xf32>,
      %gather3A_1881 = tpu.vector_load_idx %arg8[%convert_element_type3A_1868] : memref<32xf32, #tpu.memory_space<vmem>>[vector<16xi32>], vector<16xf32>,
      %gather3A_1882 = tpu.vector_load_idx %arg9[%convert_element_type3A_1856] : memref<32xf32, #tpu.memory_space<vmem>>[vector<16xi32>], vector<16xf32>,
      %gather3A_1883 = tpu.vector_load_idx %arg9[%convert_element_type3A_1857] : memref<32xf32, #tpu.memory_space<vmem>>[vector<16xi32>], vector<16xf32>,
      %gather3A_1884 = tpu.vector_load_idx %arg9[%convert_element_type3A_1858] : memref<32xf32, #tpu.memory_space<vmem>>[vector<16xi32>], vector<16xf32>,
      %gather3A_1885 = tpu.vector_load_idx %arg9[%convert_element_type3A_1859] : memref<32xf32, #tpu.memory_space<vmem>>[vector<16xi32>], vector<16xf32>,
      %gather3A_1886 = tpu.vector_load_idx %arg9[%convert_element_type3A_1860] : memref<32xf32, #tpu.memory_space<vmem>>[vector<16xi32>], vector<16xf32>,
      %gather3A_1887 = tpu.vector_load_idx %arg9[%convert_element_type3A_1861] : memref<32xf32, #tpu.memory_space<vmem>>[vector<16xi32>], vector<16xf32>,
      %gather3A_1888 = tpu.vector_load_idx %arg9[%convert_element_type3A_1862] : memref<32xf32, #tpu.memory_space<vmem>>[vector<16xi32>], vector<16xf32>,
      %gather3A_1889 = tpu.vector_load_idx %arg9[%convert_element_type3A_1863] : memref<32xf32, #tpu.memory_space<vmem>>[vector<16xi32>], vector<16xf32>,
      %gather3A_1890 = tpu.vector_load_idx %arg9[%convert_element_type3A_1864] : memref<32xf32, #tpu.memory_space<vmem>>[vector<16xi32>], vector<16xf32>,
      %gather3A_1891 = tpu.vector_load_idx %arg9[%convert_element_type3A_1865] : memref<32xf32, #tpu.memory_space<vmem>>[vector<16xi32>], vector<16xf32>,
      %gather3A_1892 = tpu.vector_load_idx %arg9[%convert_element_type3A_1866] : memref<32xf32, #tpu.memory_space<vmem>>[vector<16xi32>], vector<16xf32>,
      %gather3A_1893 = tpu.vector_load_idx %arg9[%convert_element_type3A_1867] : memref<32xf32, #tpu.memory_space<vmem>>[vector<16xi32>], vector<16xf32>,
      %gather3A_1894 = tpu.vector_load_idx %arg9[%convert_element_type3A_1868] : memref<32xf32, #tpu.memory_space<vmem>>[vector<16xi32>], vector<16xf32>,
      %mul3A_1895 = arith.mulf %sub3A_1741, %gather3A_1882 : vector<16xf32>
      %add3A_1896 = arith.addf %gather3A_1869, %mul3A_1895 : vector<16xf32>
      %add3A_1897 = arith.addf %add3A_1598, %add3A_1896 : vector<16xf32>
      %mul3A_1898 = arith.mulf %sub3A_1744, %gather3A_1883 : vector<16xf32>
      %add3A_1899 = arith.addf %gather3A_1870, %mul3A_1898 : vector<16xf32>
      %add3A_1900 = arith.addf %add3A_1601, %add3A_1899 : vector<16xf32>
      %mul3A_1901 = arith.mulf %sub3A_1747, %gather3A_1884 : vector<16xf32>
      %add3A_1902 = arith.addf %gather3A_1871, %mul3A_1901 : vector<16xf32>
      %add3A_1903 = arith.addf %add3A_1604, %add3A_1902 : vector<16xf32>
      %mul3A_1904 = arith.mulf %sub3A_1750, %gather3A_1885 : vector<16xf32>
      %add3A_1905 = arith.addf %gather3A_1872, %mul3A_1904 : vector<16xf32>
      %add3A_1906 = arith.addf %add3A_1607, %add3A_1905 : vector<16xf32>
      %mul3A_1907 = arith.mulf %sub3A_1753, %gather3A_1886 : vector<16xf32>
      %add3A_1908 = arith.addf %gather3A_1873, %mul3A_1907 : vector<16xf32>
      %add3A_1909 = arith.addf %add3A_1610, %add3A_1908 : vector<16xf32>
      %mul3A_1910 = arith.mulf %sub3A_1756, %gather3A_1887 : vector<16xf32>
      %add3A_1911 = arith.addf %gather3A_1874, %mul3A_1910 : vector<16xf32>
      %add3A_1912 = arith.addf %add3A_1613, %add3A_1911 : vector<16xf32>
      %mul3A_1913 = arith.mulf %sub3A_1759, %gather3A_1888 : vector<16xf32>
      %add3A_1914 = arith.addf %gather3A_1875, %mul3A_1913 : vector<16xf32>
      %add3A_1915 = arith.addf %add3A_1616, %add3A_1914 : vector<16xf32>
      %mul3A_1916 = arith.mulf %sub3A_1762, %gather3A_1889 : vector<16xf32>
      %add3A_1917 = arith.addf %gather3A_1876, %mul3A_1916 : vector<16xf32>
      %add3A_1918 = arith.addf %add3A_1619, %add3A_1917 : vector<16xf32>
      %mul3A_1919 = arith.mulf %sub3A_1765, %gather3A_1890 : vector<16xf32>
      %add3A_1920 = arith.addf %gather3A_1877, %mul3A_1919 : vector<16xf32>
      %add3A_1921 = arith.addf %add3A_1622, %add3A_1920 : vector<16xf32>
      %mul3A_1922 = arith.mulf %sub3A_1768, %gather3A_1891 : vector<16xf32>
      %add3A_1923 = arith.addf %gather3A_1878, %mul3A_1922 : vector<16xf32>
      %add3A_1924 = arith.addf %add3A_1625, %add3A_1923 : vector<16xf32>
      %mul3A_1925 = arith.mulf %sub3A_1771, %gather3A_1892 : vector<16xf32>
      %add3A_1926 = arith.addf %gather3A_1879, %mul3A_1925 : vector<16xf32>
      %add3A_1927 = arith.addf %add3A_1628, %add3A_1926 : vector<16xf32>
      %mul3A_1928 = arith.mulf %sub3A_1774, %gather3A_1893 : vector<16xf32>
      %add3A_1929 = arith.addf %gather3A_1880, %mul3A_1928 : vector<16xf32>
      %add3A_1930 = arith.addf %add3A_1631, %add3A_1929 : vector<16xf32>
      %mul3A_1931 = arith.mulf %sub3A_1777, %gather3A_1894 : vector<16xf32>
      %add3A_1932 = arith.addf %gather3A_1881, %mul3A_1931 : vector<16xf32>
      %add3A_1933 = arith.addf %add3A_1634, %add3A_1932 : vector<16xf32>
      %add3A_1934 = arith.addf %add3A_984, %add3A_1897 : vector<16xf32>
      %add3A_1935 = arith.addf %add3A_1934, %add3A_1900 : vector<16xf32>
      %add3A_1936 = arith.addf %add3A_1935, %add3A_1903 : vector<16xf32>
      %add3A_1937 = arith.addf %add3A_1936, %add3A_1906 : vector<16xf32>
      %add3A_1938 = arith.addf %add3A_1937, %add3A_1909 : vector<16xf32>
      %add3A_1939 = arith.addf %add3A_1938, %add3A_1912 : vector<16xf32>
      %add3A_1940 = arith.addf %add3A_1939, %add3A_1915 : vector<16xf32>
      %add3A_1941 = arith.addf %add3A_1940, %add3A_1918 : vector<16xf32>
      %add3A_1942 = arith.addf %add3A_1941, %add3A_1921 : vector<16xf32>
      %add3A_1943 = arith.addf %add3A_1942, %add3A_1924 : vector<16xf32>
      %add3A_1944 = arith.addf %add3A_1943, %add3A_1927 : vector<16xf32>
      %add3A_1945 = arith.addf %add3A_1944, %add3A_1930 : vector<16xf32>
      %add3A_1946 = arith.addf %add3A_1945, %add3A_1933 : vector<16xf32>
      %add3A_1947 = arith.constant 0 : i32
      %add3A_1948 = vector.broadcast %add3A_1947 : i32 to vector<16xi32>
      %add3A_1949 = arith.addi %add3A_26, %add3A_1948 : vector<16xi32>
      tpu.vector_store_idx %arg7[%add3A_1949], %add3A_1946 : memref<32768xf32, #tpu.memory_space<vmem>>[vector<16xi32>], vector<16xf32>,
      %add3A_1950 = arith.constant 1 : i32
      %add3A_1951 = vector.broadcast %add3A_1950 : i32 to vector<16xi32>
      %add3A_1952 = arith.addi %add3A_26, %add3A_1951 : vector<16xi32>
      tpu.vector_store_idx %arg7[%add3A_1952], %add3A_1946 : memref<32768xf32, #tpu.memory_space<vmem>>[vector<16xi32>], vector<16xf32>,
      %add3A_1953 = arith.constant 2 : i32
      %add3A_1954 = vector.broadcast %add3A_1953 : i32 to vector<16xi32>
      %add3A_1955 = arith.addi %add3A_26, %add3A_1954 : vector<16xi32>
      tpu.vector_store_idx %arg7[%add3A_1955], %add3A_1946 : memref<32768xf32, #tpu.memory_space<vmem>>[vector<16xi32>], vector<16xf32>,
      %add3A_1956 = arith.constant 3 : i32
      %add3A_1957 = vector.broadcast %add3A_1956 : i32 to vector<16xi32>
      %add3A_1958 = arith.addi %add3A_26, %add3A_1957 : vector<16xi32>
      tpu.vector_store_idx %arg7[%add3A_1958], %add3A_1946 : memref<32768xf32, #tpu.memory_space<vmem>>[vector<16xi32>], vector<16xf32>,
      %add3A_1959 = arith.constant 4 : i32
      %add3A_1960 = vector.broadcast %add3A_1959 : i32 to vector<16xi32>
      %add3A_1961 = arith.addi %add3A_26, %add3A_1960 : vector<16xi32>
      tpu.vector_store_idx %arg7[%add3A_1961], %add3A_1946 : memref<32768xf32, #tpu.memory_space<vmem>>[vector<16xi32>], vector<16xf32>,
      %add3A_1962 = arith.constant 5 : i32
      %add3A_1963 = vector.broadcast %add3A_1962 : i32 to vector<16xi32>
      %add3A_1964 = arith.addi %add3A_26, %add3A_1963 : vector<16xi32>
      tpu.vector_store_idx %arg7[%add3A_1964], %add3A_1946 : memref<32768xf32, #tpu.memory_space<vmem>>[vector<16xi32>], vector<16xf32>,
      %add3A_1965 = arith.constant 6 : i32
      %add3A_1966 = vector.broadcast %add3A_1965 : i32 to vector<16xi32>
      %add3A_1967 = arith.addi %add3A_26, %add3A_1966 : vector<16xi32>
      tpu.vector_store_idx %arg7[%add3A_1967], %add3A_1946 : memref<32768xf32, #tpu.memory_space<vmem>>[vector<16xi32>], vector<16xf32>,
      %add3A_1968 = arith.constant 7 : i32
      %add3A_1969 = vector.broadcast %add3A_1968 : i32 to vector<16xi32>
      %add3A_1970 = arith.addi %add3A_26, %add3A_1969 : vector<16xi32>
      tpu.vector_store_idx %arg7[%add3A_1970], %add3A_1946 : memref<32768xf32, #tpu.memory_space<vmem>>[vector<16xi32>], vector<16xf32>,
      %add3A_1971 = arith.constant 8 : i32
      %add3A_1972 = vector.broadcast %add3A_1971 : i32 to vector<16xi32>
      %add3A_1973 = arith.addi %add3A_26, %add3A_1972 : vector<16xi32>
      tpu.vector_store_idx %arg7[%add3A_1973], %add3A_1946 : memref<32768xf32, #tpu.memory_space<vmem>>[vector<16xi32>], vector<16xf32>,
      %add3A_1974 = arith.constant 9 : i32
      %add3A_1975 = vector.broadcast %add3A_1974 : i32 to vector<16xi32>
      %add3A_1976 = arith.addi %add3A_26, %add3A_1975 : vector<16xi32>
      tpu.vector_store_idx %arg7[%add3A_1976], %add3A_1946 : memref<32768xf32, #tpu.memory_space<vmem>>[vector<16xi32>], vector<16xf32>,
      %add3A_1977 = arith.constant 10 : i32
      %add3A_1978 = vector.broadcast %add3A_1977 : i32 to vector<16xi32>
      %add3A_1979 = arith.addi %add3A_26, %add3A_1978 : vector<16xi32>
      tpu.vector_store_idx %arg7[%add3A_1979], %add3A_1946 : memref<32768xf32, #tpu.memory_space<vmem>>[vector<16xi32>], vector<16xf32>,
      %add3A_1980 = arith.constant 11 : i32
      %add3A_1981 = vector.broadcast %add3A_1980 : i32 to vector<16xi32>
      %add3A_1982 = arith.addi %add3A_26, %add3A_1981 : vector<16xi32>
      tpu.vector_store_idx %arg7[%add3A_1982], %add3A_1946 : memref<32768xf32, #tpu.memory_space<vmem>>[vector<16xi32>], vector<16xf32>,
      %add3A_1983 = arith.constant 12 : i32
      %add3A_1984 = vector.broadcast %add3A_1983 : i32 to vector<16xi32>
      %add3A_1985 = arith.addi %add3A_26, %add3A_1984 : vector<16xi32>
      tpu.vector_store_idx %arg7[%add3A_1985], %add3A_1946 : memref<32768xf32, #tpu.memory_space<vmem>>[vector<16xi32>], vector<16xf32>,
      %add3A_1986 = arith.constant 13 : i32
      %add3A_1987 = vector.broadcast %add3A_1986 : i32 to vector<16xi32>
      %add3A_1988 = arith.addi %add3A_26, %add3A_1987 : vector<16xi32>
      tpu.vector_store_idx %arg7[%add3A_1988], %add3A_1946 : memref<32768xf32, #tpu.memory_space<vmem>>[vector<16xi32>], vector<16xf32>,
      %add3A_1989 = arith.constant 14 : i32
      %add3A_1990 = vector.broadcast %add3A_1989 : i32 to vector<16xi32>
      %add3A_1991 = arith.addi %add3A_26, %add3A_1990 : vector<16xi32>
      tpu.vector_store_idx %arg7[%add3A_1991], %add3A_1946 : memref<32768xf32, #tpu.memory_space<vmem>>[vector<16xi32>], vector<16xf32>,
      %add3A_1992 = arith.constant 15 : i32
      %add3A_1993 = vector.broadcast %add3A_1992 : i32 to vector<16xi32>
      %add3A_1994 = arith.addi %add3A_26, %add3A_1993 : vector<16xi32>
      tpu.vector_store_idx %arg7[%add3A_1994], %add3A_1946 : memref<32768xf32, #tpu.memory_space<vmem>>[vector<16xi32>], vector<16xf32>,
      %add3A_1995 = arith.constant 16 : i32
      %add3A_1996 = vector.broadcast %add3A_1995 : i32 to vector<16xi32>
      %add3A_1997 = arith.addi %add3A_26, %add3A_1996 : vector<16xi32>
      tpu.vector_store_idx %arg7[%add3A_1997], %add3A_1946 : memref<32768xf32, #tpu.memory_space<vmem>>[vector<16xi32>], vector<16xf32>,
      %add3A_1998 = arith.constant 17 : i32
      %add3A_1999 = vector.broadcast %add3A_1998 : i32 to vector<16xi32>
      %add3A_2000 = arith.addi %add3A_26, %add3A_1999 : vector<16xi32>
      tpu.vector_store_idx %arg7[%add3A_2000], %add3A_1946 : memref<32768xf32, #tpu.memory_space<vmem>>[vector<16xi32>], vector<16xf32>,
      %add3A_2001 = arith.constant 18 : i32
      %add3A_2002 = vector.broadcast %add3A_2001 : i32 to vector<16xi32>
      %add3A_2003 = arith.addi %add3A_26, %add3A_2002 : vector<16xi32>
      tpu.vector_store_idx %arg7[%add3A_2003], %add3A_1946 : memref<32768xf32, #tpu.memory_space<vmem>>[vector<16xi32>], vector<16xf32>,
      %add3A_2004 = arith.constant 19 : i32
      %add3A_2005 = vector.broadcast %add3A_2004 : i32 to vector<16xi32>
      %add3A_2006 = arith.addi %add3A_26, %add3A_2005 : vector<16xi32>
      tpu.vector_store_idx %arg7[%add3A_2006], %add3A_1946 : memref<32768xf32, #tpu.memory_space<vmem>>[vector<16xi32>], vector<16xf32>,
      %add3A_2007 = arith.constant 20 : i32
      %add3A_2008 = vector.broadcast %add3A_2007 : i32 to vector<16xi32>
      %add3A_2009 = arith.addi %add3A_26, %add3A_2008 : vector<16xi32>
      tpu.vector_store_idx %arg7[%add3A_2009], %add3A_1946 : memref<32768xf32, #tpu.memory_space<vmem>>[vector<16xi32>], vector<16xf32>,
      %add3A_2010 = arith.constant 21 : i32
      %add3A_2011 = vector.broadcast %add3A_2010 : i32 to vector<16xi32>
      %add3A_2012 = arith.addi %add3A_26, %add3A_2011 : vector<16xi32>
      tpu.vector_store_idx %arg7[%add3A_2012], %add3A_1946 : memref<32768xf32, #tpu.memory_space<vmem>>[vector<16xi32>], vector<16xf32>,
      %add3A_2013 = arith.constant 22 : i32
      %add3A_2014 = vector.broadcast %add3A_2013 : i32 to vector<16xi32>
      %add3A_2015 = arith.addi %add3A_26, %add3A_2014 : vector<16xi32>
      tpu.vector_store_idx %arg7[%add3A_2015], %add3A_1946 : memref<32768xf32, #tpu.memory_space<vmem>>[vector<16xi32>], vector<16xf32>,
      %add3A_2016 = arith.constant 23 : i32
      %add3A_2017 = vector.broadcast %add3A_2016 : i32 to vector<16xi32>
      %add3A_2018 = arith.addi %add3A_26, %add3A_2017 : vector<16xi32>
      tpu.vector_store_idx %arg7[%add3A_2018], %add3A_1946 : memref<32768xf32, #tpu.memory_space<vmem>>[vector<16xi32>], vector<16xf32>,
      %add3A_2019 = arith.constant 24 : i32
      %add3A_2020 = vector.broadcast %add3A_2019 : i32 to vector<16xi32>
      %add3A_2021 = arith.addi %add3A_26, %add3A_2020 : vector<16xi32>
      tpu.vector_store_idx %arg7[%add3A_2021], %add3A_1946 : memref<32768xf32, #tpu.memory_space<vmem>>[vector<16xi32>], vector<16xf32>,
      %add3A_2022 = arith.constant 25 : i32
      %add3A_2023 = vector.broadcast %add3A_2022 : i32 to vector<16xi32>
      %add3A_2024 = arith.addi %add3A_26, %add3A_2023 : vector<16xi32>
      tpu.vector_store_idx %arg7[%add3A_2024], %add3A_1946 : memref<32768xf32, #tpu.memory_space<vmem>>[vector<16xi32>], vector<16xf32>,
      %add3A_2025 = arith.constant 26 : i32
      %add3A_2026 = vector.broadcast %add3A_2025 : i32 to vector<16xi32>
      %add3A_2027 = arith.addi %add3A_26, %add3A_2026 : vector<16xi32>
      tpu.vector_store_idx %arg7[%add3A_2027], %add3A_1946 : memref<32768xf32, #tpu.memory_space<vmem>>[vector<16xi32>], vector<16xf32>,
      %add3A_2028 = arith.constant 27 : i32
      %add3A_2029 = vector.broadcast %add3A_2028 : i32 to vector<16xi32>
      %add3A_2030 = arith.addi %add3A_26, %add3A_2029 : vector<16xi32>
      tpu.vector_store_idx %arg7[%add3A_2030], %add3A_1946 : memref<32768xf32, #tpu.memory_space<vmem>>[vector<16xi32>], vector<16xf32>,
      %add3A_2031 = arith.constant 28 : i32
      %add3A_2032 = vector.broadcast %add3A_2031 : i32 to vector<16xi32>
      %add3A_2033 = arith.addi %add3A_26, %add3A_2032 : vector<16xi32>
      tpu.vector_store_idx %arg7[%add3A_2033], %add3A_1946 : memref<32768xf32, #tpu.memory_space<vmem>>[vector<16xi32>], vector<16xf32>,
      %add3A_2034 = arith.constant 29 : i32
      %add3A_2035 = vector.broadcast %add3A_2034 : i32 to vector<16xi32>
      %add3A_2036 = arith.addi %add3A_26, %add3A_2035 : vector<16xi32>
      tpu.vector_store_idx %arg7[%add3A_2036], %add3A_1946 : memref<32768xf32, #tpu.memory_space<vmem>>[vector<16xi32>], vector<16xf32>,
      %add3A_2037 = arith.constant 30 : i32
      %add3A_2038 = vector.broadcast %add3A_2037 : i32 to vector<16xi32>
      %add3A_2039 = arith.addi %add3A_26, %add3A_2038 : vector<16xi32>
      tpu.vector_store_idx %arg7[%add3A_2039], %add3A_1946 : memref<32768xf32, #tpu.memory_space<vmem>>[vector<16xi32>], vector<16xf32>,
      %add3A_2040 = arith.constant 31 : i32
      %add3A_2041 = vector.broadcast %add3A_2040 : i32 to vector<16xi32>
      %add3A_2042 = arith.addi %add3A_26, %add3A_2041 : vector<16xi32>
      tpu.vector_store_idx %arg7[%add3A_2042], %add3A_1946 : memref<32768xf32, #tpu.memory_space<vmem>>[vector<16xi32>], vector<16xf32>,
      %add3A_2043 = arith.constant 32 : i32
      %add3A_2044 = vector.broadcast %add3A_2043 : i32 to vector<16xi32>
      %add3A_2045 = arith.addi %add3A_26, %add3A_2044 : vector<16xi32>
      tpu.vector_store_idx %arg7[%add3A_2045], %add3A_1946 : memref<32768xf32, #tpu.memory_space<vmem>>[vector<16xi32>], vector<16xf32>,
      %add3A_2046 = arith.constant 33 : i32
      %add3A_2047 = vector.broadcast %add3A_2046 : i32 to vector<16xi32>
      %add3A_2048 = arith.addi %add3A_26, %add3A_2047 : vector<16xi32>
      tpu.vector_store_idx %arg7[%add3A_2048], %add3A_1946 : memref<32768xf32, #tpu.memory_space<vmem>>[vector<16xi32>], vector<16xf32>,
      %add3A_2049 = arith.constant 34 : i32
      %add3A_2050 = vector.broadcast %add3A_2049 : i32 to vector<16xi32>
      %add3A_2051 = arith.addi %add3A_26, %add3A_2050 : vector<16xi32>
      tpu.vector_store_idx %arg7[%add3A_2051], %add3A_1946 : memref<32768xf32, #tpu.memory_space<vmem>>[vector<16xi32>], vector<16xf32>,
      %add3A_2052 = arith.constant 35 : i32
      %add3A_2053 = vector.broadcast %add3A_2052 : i32 to vector<16xi32>
      %add3A_2054 = arith.addi %add3A_26, %add3A_2053 : vector<16xi32>
      tpu.vector_store_idx %arg7[%add3A_2054], %add3A_1946 : memref<32768xf32, #tpu.memory_space<vmem>>[vector<16xi32>], vector<16xf32>,
      %add3A_2055 = arith.constant 36 : i32
      %add3A_2056 = vector.broadcast %add3A_2055 : i32 to vector<16xi32>
      %add3A_2057 = arith.addi %add3A_26, %add3A_2056 : vector<16xi32>
      tpu.vector_store_idx %arg7[%add3A_2057], %add3A_1946 : memref<32768xf32, #tpu.memory_space<vmem>>[vector<16xi32>], vector<16xf32>,
      %add3A_2058 = arith.constant 37 : i32
      %add3A_2059 = vector.broadcast %add3A_2058 : i32 to vector<16xi32>
      %add3A_2060 = arith.addi %add3A_26, %add3A_2059 : vector<16xi32>
      tpu.vector_store_idx %arg7[%add3A_2060], %add3A_1946 : memref<32768xf32, #tpu.memory_space<vmem>>[vector<16xi32>], vector<16xf32>,
      %add3A_2061 = arith.constant 38 : i32
      %add3A_2062 = vector.broadcast %add3A_2061 : i32 to vector<16xi32>
      %add3A_2063 = arith.addi %add3A_26, %add3A_2062 : vector<16xi32>
      tpu.vector_store_idx %arg7[%add3A_2063], %add3A_1946 : memref<32768xf32, #tpu.memory_space<vmem>>[vector<16xi32>], vector<16xf32>,
      %add3A_2064 = arith.constant 39 : i32
      %add3A_2065 = vector.broadcast %add3A_2064 : i32 to vector<16xi32>
      %add3A_2066 = arith.addi %add3A_26, %add3A_2065 : vector<16xi32>
      tpu.vector_store_idx %arg7[%add3A_2066], %add3A_1946 : memref<32768xf32, #tpu.memory_space<vmem>>[vector<16xi32>], vector<16xf32>,
      %add3A_2067 = arith.constant 40 : i32
      %add3A_2068 = vector.broadcast %add3A_2067 : i32 to vector<16xi32>
      %add3A_2069 = arith.addi %add3A_26, %add3A_2068 : vector<16xi32>
      tpu.vector_store_idx %arg7[%add3A_2069], %add3A_1946 : memref<32768xf32, #tpu.memory_space<vmem>>[vector<16xi32>], vector<16xf32>,
      %add3A_2070 = arith.constant 41 : i32
      %add3A_2071 = vector.broadcast %add3A_2070 : i32 to vector<16xi32>
      %add3A_2072 = arith.addi %add3A_26, %add3A_2071 : vector<16xi32>
      tpu.vector_store_idx %arg7[%add3A_2072], %add3A_1946 : memref<32768xf32, #tpu.memory_space<vmem>>[vector<16xi32>], vector<16xf32>,
      %add3A_2073 = arith.constant 42 : i32
      %add3A_2074 = vector.broadcast %add3A_2073 : i32 to vector<16xi32>
      %add3A_2075 = arith.addi %add3A_26, %add3A_2074 : vector<16xi32>
      tpu.vector_store_idx %arg7[%add3A_2075], %add3A_1946 : memref<32768xf32, #tpu.memory_space<vmem>>[vector<16xi32>], vector<16xf32>,
      %add3A_2076 = arith.constant 43 : i32
      %add3A_2077 = vector.broadcast %add3A_2076 : i32 to vector<16xi32>
      %add3A_2078 = arith.addi %add3A_26, %add3A_2077 : vector<16xi32>
      tpu.vector_store_idx %arg7[%add3A_2078], %add3A_1946 : memref<32768xf32, #tpu.memory_space<vmem>>[vector<16xi32>], vector<16xf32>,
      %add3A_2079 = arith.constant 44 : i32
      %add3A_2080 = vector.broadcast %add3A_2079 : i32 to vector<16xi32>
      %add3A_2081 = arith.addi %add3A_26, %add3A_2080 : vector<16xi32>
      tpu.vector_store_idx %arg7[%add3A_2081], %add3A_1946 : memref<32768xf32, #tpu.memory_space<vmem>>[vector<16xi32>], vector<16xf32>,
      %add3A_2082 = arith.constant 45 : i32
      %add3A_2083 = vector.broadcast %add3A_2082 : i32 to vector<16xi32>
      %add3A_2084 = arith.addi %add3A_26, %add3A_2083 : vector<16xi32>
      tpu.vector_store_idx %arg7[%add3A_2084], %add3A_1946 : memref<32768xf32, #tpu.memory_space<vmem>>[vector<16xi32>], vector<16xf32>,
      %add3A_2085 = arith.constant 46 : i32
      %add3A_2086 = vector.broadcast %add3A_2085 : i32 to vector<16xi32>
      %add3A_2087 = arith.addi %add3A_26, %add3A_2086 : vector<16xi32>
      tpu.vector_store_idx %arg7[%add3A_2087], %add3A_1946 : memref<32768xf32, #tpu.memory_space<vmem>>[vector<16xi32>], vector<16xf32>,
      %add3A_2088 = arith.constant 47 : i32
      %add3A_2089 = vector.broadcast %add3A_2088 : i32 to vector<16xi32>
      %add3A_2090 = arith.addi %add3A_26, %add3A_2089 : vector<16xi32>
      tpu.vector_store_idx %arg7[%add3A_2090], %add3A_1946 : memref<32768xf32, #tpu.memory_space<vmem>>[vector<16xi32>], vector<16xf32>,
      %add3A_2091 = arith.constant 48 : i32
      %add3A_2092 = vector.broadcast %add3A_2091 : i32 to vector<16xi32>
      %add3A_2093 = arith.addi %add3A_26, %add3A_2092 : vector<16xi32>
      tpu.vector_store_idx %arg7[%add3A_2093], %add3A_1946 : memref<32768xf32, #tpu.memory_space<vmem>>[vector<16xi32>], vector<16xf32>,
      %add3A_2094 = arith.constant 49 : i32
      %add3A_2095 = vector.broadcast %add3A_2094 : i32 to vector<16xi32>
      %add3A_2096 = arith.addi %add3A_26, %add3A_2095 : vector<16xi32>
      tpu.vector_store_idx %arg7[%add3A_2096], %add3A_1946 : memref<32768xf32, #tpu.memory_space<vmem>>[vector<16xi32>], vector<16xf32>,
      %add3A_2097 = arith.constant 50 : i32
      %add3A_2098 = vector.broadcast %add3A_2097 : i32 to vector<16xi32>
      %add3A_2099 = arith.addi %add3A_26, %add3A_2098 : vector<16xi32>
      tpu.vector_store_idx %arg7[%add3A_2099], %add3A_1946 : memref<32768xf32, #tpu.memory_space<vmem>>[vector<16xi32>], vector<16xf32>,
      %add3A_2100 = arith.constant 51 : i32
      %add3A_2101 = vector.broadcast %add3A_2100 : i32 to vector<16xi32>
      %add3A_2102 = arith.addi %add3A_26, %add3A_2101 : vector<16xi32>
      tpu.vector_store_idx %arg7[%add3A_2102], %add3A_1946 : memref<32768xf32, #tpu.memory_space<vmem>>[vector<16xi32>], vector<16xf32>,
      %add3A_2103 = arith.constant 52 : i32
      %add3A_2104 = vector.broadcast %add3A_2103 : i32 to vector<16xi32>
      %add3A_2105 = arith.addi %add3A_26, %add3A_2104 : vector<16xi32>
      tpu.vector_store_idx %arg7[%add3A_2105], %add3A_1946 : memref<32768xf32, #tpu.memory_space<vmem>>[vector<16xi32>], vector<16xf32>,
      %add3A_2106 = arith.constant 53 : i32
      %add3A_2107 = vector.broadcast %add3A_2106 : i32 to vector<16xi32>
      %add3A_2108 = arith.addi %add3A_26, %add3A_2107 : vector<16xi32>
      tpu.vector_store_idx %arg7[%add3A_2108], %add3A_1946 : memref<32768xf32, #tpu.memory_space<vmem>>[vector<16xi32>], vector<16xf32>,
      %add3A_2109 = arith.constant 54 : i32
      %add3A_2110 = vector.broadcast %add3A_2109 : i32 to vector<16xi32>
      %add3A_2111 = arith.addi %add3A_26, %add3A_2110 : vector<16xi32>
      tpu.vector_store_idx %arg7[%add3A_2111], %add3A_1946 : memref<32768xf32, #tpu.memory_space<vmem>>[vector<16xi32>], vector<16xf32>,
      %add3A_2112 = arith.constant 55 : i32
      %add3A_2113 = vector.broadcast %add3A_2112 : i32 to vector<16xi32>
      %add3A_2114 = arith.addi %add3A_26, %add3A_2113 : vector<16xi32>
      tpu.vector_store_idx %arg7[%add3A_2114], %add3A_1946 : memref<32768xf32, #tpu.memory_space<vmem>>[vector<16xi32>], vector<16xf32>,
      %add3A_2115 = arith.constant 56 : i32
      %add3A_2116 = vector.broadcast %add3A_2115 : i32 to vector<16xi32>
      %add3A_2117 = arith.addi %add3A_26, %add3A_2116 : vector<16xi32>
      tpu.vector_store_idx %arg7[%add3A_2117], %add3A_1946 : memref<32768xf32, #tpu.memory_space<vmem>>[vector<16xi32>], vector<16xf32>,
      %add3A_2118 = arith.constant 57 : i32
      %add3A_2119 = vector.broadcast %add3A_2118 : i32 to vector<16xi32>
      %add3A_2120 = arith.addi %add3A_26, %add3A_2119 : vector<16xi32>
      tpu.vector_store_idx %arg7[%add3A_2120], %add3A_1946 : memref<32768xf32, #tpu.memory_space<vmem>>[vector<16xi32>], vector<16xf32>,
      %add3A_2121 = arith.constant 58 : i32
      %add3A_2122 = vector.broadcast %add3A_2121 : i32 to vector<16xi32>
      %add3A_2123 = arith.addi %add3A_26, %add3A_2122 : vector<16xi32>
      tpu.vector_store_idx %arg7[%add3A_2123], %add3A_1946 : memref<32768xf32, #tpu.memory_space<vmem>>[vector<16xi32>], vector<16xf32>,
      %add3A_2124 = arith.constant 59 : i32
      %add3A_2125 = vector.broadcast %add3A_2124 : i32 to vector<16xi32>
      %add3A_2126 = arith.addi %add3A_26, %add3A_2125 : vector<16xi32>
      tpu.vector_store_idx %arg7[%add3A_2126], %add3A_1946 : memref<32768xf32, #tpu.memory_space<vmem>>[vector<16xi32>], vector<16xf32>,
      %add3A_2127 = arith.constant 60 : i32
      %add3A_2128 = vector.broadcast %add3A_2127 : i32 to vector<16xi32>
      %add3A_2129 = arith.addi %add3A_26, %add3A_2128 : vector<16xi32>
      tpu.vector_store_idx %arg7[%add3A_2129], %add3A_1946 : memref<32768xf32, #tpu.memory_space<vmem>>[vector<16xi32>], vector<16xf32>,
      %add3A_2130 = arith.constant 61 : i32
      %add3A_2131 = vector.broadcast %add3A_2130 : i32 to vector<16xi32>
      %add3A_2132 = arith.addi %add3A_26, %add3A_2131 : vector<16xi32>
      tpu.vector_store_idx %arg7[%add3A_2132], %add3A_1946 : memref<32768xf32, #tpu.memory_space<vmem>>[vector<16xi32>], vector<16xf32>,
      %add3A_2133 = arith.constant 62 : i32
      %add3A_2134 = vector.broadcast %add3A_2133 : i32 to vector<16xi32>
      %add3A_2135 = arith.addi %add3A_26, %add3A_2134 : vector<16xi32>
      tpu.vector_store_idx %arg7[%add3A_2135], %add3A_1946 : memref<32768xf32, #tpu.memory_space<vmem>>[vector<16xi32>], vector<16xf32>,
      %add3A_2136 = arith.constant 63 : i32
      %add3A_2137 = vector.broadcast %add3A_2136 : i32 to vector<16xi32>
      %add3A_2138 = arith.addi %add3A_26, %add3A_2137 : vector<16xi32>
      tpu.vector_store_idx %arg7[%add3A_2138], %add3A_1946 : memref<32768xf32, #tpu.memory_space<vmem>>[vector<16xi32>], vector<16xf32>,
    }
    %scan3A_13 = arith.constant 32 : i32
    %mul3A_14 = arith.constant 32768 : i32
    %mul3A_15 = arith.muli %add3A, %mul3A_14 : i32
    "tpu.region"() ({
      %run_scoped3A = tpu.sem_alloc : memref<!tpu.dma_semaphore, #tpu.memory_space<semaphore_mem>>
      %dma_start3A = tpu.memref_slice %arg5[%mul3A_15] : memref<1048576xf32, #tpu.memory_space<hbm>> -> memref<32768xf32, #tpu.memory_space<hbm>>
      %dma_start3A_16 = tpu.memref_slice %arg5[%mul3A_15] : memref<1048576xf32, #tpu.memory_space<hbm>> -> memref<32768xf32, #tpu.memory_space<hbm>>
      tpu.enqueue_dma source(%arg7 : memref<32768xf32, #tpu.memory_space<vmem>>) target(%dma_start3A_16 : memref<32768xf32, #tpu.memory_space<hbm>>) target_semaphore(%run_scoped3A : memref<!tpu.dma_semaphore, #tpu.memory_space<semaphore_mem>>)
      %dma_wait3A = tpu.memref_slice %arg5[%mul3A_15] : memref<1048576xf32, #tpu.memory_space<hbm>> -> memref<32768xf32, #tpu.memory_space<hbm>>
      %dma_wait3A_17 = tpu.memref_slice %arg5[%mul3A_15] : memref<1048576xf32, #tpu.memory_space<hbm>> -> memref<32768xf32, #tpu.memory_space<hbm>>
      tpu.wait_dma2 semaphore(%run_scoped3A : memref<!tpu.dma_semaphore, #tpu.memory_space<semaphore_mem>>) src(%arg7 : memref<32768xf32, #tpu.memory_space<vmem>>) dst(%dma_wait3A_17 : memref<32768xf32, #tpu.memory_space<hbm>>)
      tpu.yield
    }) : () -> ()
    return
  }
}

module attributes {stable_mosaic.version = 14 : i64} {
  func.func @_tables_body(%arg0: memref<32xf32, #tpu.memory_space<vmem>>, %arg1: memref<32xf32, #tpu.memory_space<vmem>>, %arg2: memref<32xf32, #tpu.memory_space<vmem>>, %arg3: memref<32xf32, #tpu.memory_space<vmem>>) attributes {dimension_semantics = [], scalar_prefetch = 0 : i64, scratch_operands = 0 : i64, tpu.core_type = #tpu.core_type<tc>} {
    %get3A = arith.constant 0 : index
    %get3A_0 = vector.load %arg0[%get3A] : memref<32xf32, #tpu.memory_space<vmem>>, vector<32xf32>
    %get3A_1 = arith.constant 0 : index
    %get3A_2 = vector.load %arg1[%get3A_1] : memref<32xf32, #tpu.memory_space<vmem>>, vector<32xf32>
    %cos3A = math.cos %get3A_0 : vector<32xf32>
    %mul3A = arith.mulf %get3A_2, %cos3A : vector<32xf32>
    %mul3A_3 = arith.constant 0.333333343 : f32
    %mul3A_4 = vector.broadcast %mul3A_3 : f32 to vector<32xf32>
    %mul3A_5 = arith.mulf %mul3A, %mul3A_4 : vector<32xf32>
    %swap3A = arith.constant 0 : index
    %swap3A_6 = vector.load %arg2[%swap3A] : memref<32xf32, #tpu.memory_space<vmem>>, vector<32xf32>
    tpu.vector_store %arg2[%swap3A], %mul3A_5 {strides = array<i32>} : memref<32xf32, #tpu.memory_space<vmem>>, vector<32xf32>,
    %sin3A = math.sin %get3A_0 : vector<32xf32>
    %mul3A_7 = arith.mulf %get3A_2, %sin3A : vector<32xf32>
    %mul3A_8 = arith.constant 0.333333343 : f32
    %mul3A_9 = vector.broadcast %mul3A_8 : f32 to vector<32xf32>
    %mul3A_10 = arith.mulf %mul3A_7, %mul3A_9 : vector<32xf32>
    %swap3A_11 = arith.constant 0 : index
    %swap3A_12 = vector.load %arg3[%swap3A_11] : memref<32xf32, #tpu.memory_space<vmem>>, vector<32xf32>
    tpu.vector_store %arg3[%swap3A_11], %mul3A_10 {strides = array<i32>} : memref<32xf32, #tpu.memory_space<vmem>>, vector<32xf32>,
    return
  }
}

</mosaic_0001>

<sc_bundles>
// kernel: kernel.4.cloned.1.call-start
scs
__scs_entry_jumppad:
0x0: {  	(pc) =	sbr.rel $0x88, $3  }
0x1: {  	(tag) =	ssettag $0x0;
	lr =	simm.s32 $0x1  }
0x2: {  	[smem:$0x3F9E] =	sst lr;
	_ =	strace $0xD0000000  }
0x3: {  	_ = 	snop  }
0x4: {  	_ = 	snop  }
0x5: {  	_ = 	snop  }
0x6: {  	_ = 	snop  }
0x7: {  	_ = 	snop  }
__scs_overlays_trampoline_lowered:
0x8: {  	[smem:$0x3FAD] =	sst s0  }
0x9: {  	[smem:$0x3FAE] =	sst s1  }
0xa: {  	[smem:$0x3FAF] =	sst s2  }
0xb: {  	[smem:$0x3FB0] =	sst s3  }
0xc: {  	[smem:$0x3FB1] =	sst s4  }
0xd: {  	[smem:$0x3FB2] =	sst s5  }
0xe: {  	[smem:$0x3FB3] =	sst s6  }
0xf: {  	[smem:$0x3FB4] =	sst s7  }
0x10: {  	[smem:$0x3FB5] =	sst s8  }
0x11: {  	[smem:$0x3FB6] =	sst s9;
	s0 =	simm.s32 @!p0 $0x0  }
0x12: {  	s1 =	sld [smem:$0x3F9C];
	s0 =	simm.s32 @p0 $0x1  }
0x13: {  	[smem:$0x3FB7] =	sst s0;
	s0 =	simm.s32 @!p1 $0x0  }
0x14: {  	s2 =	sld [smem:$0x3F9B];
	s0 =	simm.s32 @p1 $0x1  }
0x15: {  	[smem:$0x3FB8] =	sst s0;
	s0 =	simm.s32 @!p2 $0x0  }
0x16: {  	s3 =	sld [smem:$0x3FDB];
	s0 =	simm.s32 @p2 $0x1  }
0x17: {  	s4 =	simm.s32 $0x1BF5;
	[smem:$0x3FBA] =	sst s0  }
0x18: {  	s0 =	sld [smem:$0x3F9D];
	_ =	swait.ge [sflag:s4], $0x0  }
0x19: {  	s7 =	sld [smem:$0x3F9E]  }
0x1a: {  	s8 =	sadd.s32 $0xFFFFE003, lr  }
0x1b: {  	s9 =	sadd.s32 $0xFFFFFEF7, lr;
	s5 =	simm.s32 $0xFFFFFFFF;
	p2 =	slt.u32 s8, $0xFFFFF086  }
0x1c: {  	p1 =	slt.u32 s9, $0xF7A;
	s5 =	simm.s32 @!p2 $0x0  }
0x1d: {  	s5 =	simm.s32 @p1 $0x1;
	p0 =	seq.s32 s7, s2  }
0x1e: {  	s7 =	smul.u32 @!p0 $0xF7A, s2;
	p2 =	seq.s32 @!p0 s5, $0x0  }
0x1f: {  	s9 =	smul.u32 $0xF7A, s1;
	s8 =	simm.s32 @!p0 $0x1BF5;
	p2 =	por !p2, p0  }
0x20: {  	[sflag:s8] =	ssyncset.s32 @!p0 $0xFFFFF086;
	s6 =	sadd.s32 @!p0 s3, s7;
	s7 =	simm.s32 @!p0 $0x108  }
0x21: {  	s3 =	sadd.s32 s3, s9;
	s6 =	sadd.s32 @!p0 $0x88, s6;
	s7 =	simm.s32 @p2 $0x1082  }
0x22: {  	[simem:s7], [sflag:s8] =	dma.local @!p0 [hbm:s6], $0xF7A  }
0x23: {  	s9 =	sor.u32 $0xD0000000, s2;
	s6 =	simm.s32 $0x108;
	_ =	swait.ge @!p0 [sflag:s8], $0x0  }
0x24: {  	s3 =	sadd.s32 $0x88, s3;
	s6 =	simm.s32 @!p1 $0x1082;
	[sflag:s4] =	ssyncset.s32 $0xFFFFF086  }
0x25: {  	[simem:s6], [sflag:s4] =	dma.local [hbm:s3], $0xF7A  }
0x26: {  	[smem:$0x3F9E] =	sst s1;
	(tag) =	ssettag s2;
	_ =	strace s9  }
0x27: {  	s1 =	sld [smem:$0x3FAE]  }
0x28: {  	s2 =	sld [smem:$0x3FAF]  }
0x29: {  	s4 =	sld [smem:$0x3FB1]  }
0x2a: {  	p0 =	seq.s32 s5, $0x0;
	s5 =	sld [smem:$0x3FB2]  }
0x2b: {  	s6 =	sld [smem:$0x3FB3]  }
0x2c: {  	s7 =	sld [smem:$0x3FB4]  }
0x2d: {  	s3 =	simm.s32 $0x108;
	s8 =	sld [smem:$0x3FB5]  }
0x2e: {  	s3 =	simm.s32 @!p0 $0x1082;
	s9 =	sld [smem:$0x3FB6]  }
0x2f: {  	lr =	sadd.s32 s0, s3;
	s0 =	sld [smem:$0x3FAD]  }
0x30: {  	s3 =	sld [smem:$0x3FB0]  }
0x31: {  	[smem:$0x3FB9] =	sst s10  }
0x32: {  	s10 =	sld [smem:$0x3FB7];
	_ =	sdelay $0x3  }
0x33: {  	p0 =	seq.s32 s10, $0x1;
	s10 =	sld [smem:$0x3FB9];
	_ =	sdelay $0x3  }
0x34: {  	[smem:$0x3FB9] =	sst s10  }
0x35: {  	s10 =	sld [smem:$0x3FB8];
	_ =	sdelay $0x3  }
0x36: {  	p1 =	seq.s32 s10, $0x1;
	s10 =	sld [smem:$0x3FB9];
	_ =	sdelay $0x3  }
0x37: {  	[smem:$0x3FB9] =	sst s10  }
0x38: {  	s10 =	sld [smem:$0x3FBA]  }
0x39: {  	_ = 	snop;
	(pc) =	sbr.ind lr, $3  }
0x3a: {  	_ = 	snop  }
0x3b: {  	_ = 	snop  }
0x3c: {  	p2 =	seq.s32 s10, $0x1;
	s10 =	sld [smem:$0x3FB9]  }
0x3d: {  	_ =	shalt  }
0x3e: {  	_ =	shalt  }
0x3f: {  	_ =	shalt  }
0x40: {  	_ =	shalt  }
0x41: {  	_ =	shalt  }
0x42: {  	_ =	shalt  }
0x43: {  	_ =	shalt  }
0x44: {  	_ =	shalt  }
0x45: {  	_ =	shalt  }
0x46: {  	_ =	shalt  }
0x47: {  	_ =	shalt  }
0x48: {  	_ =	shalt  }
0x49: {  	_ =	shalt  }
0x4a: {  	_ =	shalt  }
0x4b: {  	_ =	shalt  }
0x4c: {  	_ =	shalt  }
0x4d: {  	_ =	shalt  }
0x4e: {  	_ =	shalt  }
0x4f: {  	_ =	shalt  }
0x50: {  	_ =	shalt  }
0x51: {  	_ =	shalt  }
0x52: {  	_ =	shalt  }
0x53: {  	_ =	shalt  }
0x54: {  	_ =	shalt  }
0x55: {  	_ =	shalt  }
0x56: {  	_ =	shalt  }
0x57: {  	_ =	shalt  }
0x58: {  	_ =	shalt  }
0x59: {  	_ =	shalt  }
0x5a: {  	_ =	shalt  }
0x5b: {  	_ =	shalt  }
0x5c: {  	_ =	shalt  }
0x5d: {  	_ =	shalt  }
0x5e: {  	_ =	shalt  }
0x5f: {  	_ =	shalt  }
0x60: {  	_ =	shalt  }
0x61: {  	_ =	shalt  }
0x62: {  	_ =	shalt  }
0x63: {  	_ =	shalt  }
0x64: {  	_ =	shalt  }
0x65: {  	_ =	shalt  }
0x66: {  	_ =	shalt  }
0x67: {  	_ =	shalt  }
0x68: {  	_ =	shalt  }
0x69: {  	_ =	shalt  }
0x6a: {  	_ =	shalt  }
0x6b: {  	_ =	shalt  }
0x6c: {  	_ =	shalt  }
0x6d: {  	_ =	shalt  }
0x6e: {  	_ =	shalt  }
0x6f: {  	_ =	shalt  }
0x70: {  	_ =	shalt  }
0x71: {  	_ =	shalt  }
0x72: {  	_ =	shalt  }
0x73: {  	_ =	shalt  }
0x74: {  	_ =	shalt  }
0x75: {  	_ =	shalt  }
0x76: {  	_ =	shalt  }
0x77: {  	_ =	shalt  }
0x78: {  	_ =	shalt  }
0x79: {  	_ =	shalt  }
0x7a: {  	_ =	shalt  }
0x7b: {  	_ =	shalt  }
0x7c: {  	_ =	shalt  }
0x7d: {  	_ =	shalt  }
0x7e: {  	_ =	shalt  }
0x7f: {  	_ =	shalt  }
0x80: {  	_ =	shalt  }
0x81: {  	_ =	shalt  }
0x82: {  	_ =	shalt  }
0x83: {  	_ =	shalt  }
0x84: {  	_ =	shalt  }
0x85: {  	_ =	shalt  }
0x86: {  	_ =	shalt  }
0x87: {  	_ =	shalt  }
.Lfunc_end0:
.L_simem_size_0:
called_computation_lowered:
.L_overlay_start_0:
0x88: {  	s2 =	sld [smem:$0x3FD9]  }
0x89: {  	s3 =	sld [smem:$0x3FFE];
	_ =	sdelay $0x1  }
0x8a: {  	s1 =	srdreg.scid  }
0x8b: {  	s0 =	sand.u32 $0x1, s1  }
0x8c: {  	s17 =	sshll.u32 s0, $0xA;
	s2 =	sadd.s32 s3, s2  }
0x8d: {  	s2 =	sadd.s32 s2, s17  }
0x8e: {  	[smem:$0x3FC5] =	sst s2  }
0x8f: {  	_ = 	snop  }
0x90: {  	s2 =	sld [smem:$0x3FD0];
	(tm) =	ssettm $0x1  }
0x91: {  	s18 =	sld [smem:$0x3FFB];
	_ =	sdelay $0x3  }
0x92: {  	_ =	strace s18  }
0x93: {  	s3 =	sld [smem:$0x3FFC];
	_ =	sdelay $0x3  }
0x94: {  	_ =	strace s3  }
0x95: {  	s3 =	sld [smem:$0x3FFD];
	_ =	sdelay $0x3  }
0x96: {  	_ =	strace s3  }
0x97: {  	_ =	strace $0x8FFFFFFF  }
0x98: {  	s19 =	sld [smem:$0x3FDB];
	_ =	sdelay $0x1  }
0x99: {  	s4 =	simm.s32 $_scs_section_size  }
0x9a: {  	s5 =	simm.s32 $_size__tile_overlayer_lowered;
	s6 =	simm.s32 $_tile_overlayer_lowered  }
0x9b: {  	s22 =	simm.s32 $0x1BFF;
	s21 =	sshll.u32 s6, $0x1;
	s3 =	sadd.s32 s4, s19  }
0x9c: {  	s7 =	simm.s32 $0x0;
	s20 =	sshll.u32 s5, $0x1;
	s5 =	sadd.s32 s21, s3  }
0x9d: {  	[timem:s7], [sflag:s22] =	dma.local [hbm:s5], s20  }
0x9e: {  	_ =	swait.ge [sflag:s22], s20  }
0x9f: {  	s4 =	ssub.s32 $0x0, s20;
	[sflag:s22] =	ssyncset.done $0x0  }
0xa0: {  	[sflag:s22] =	ssyncadd.s32 s4;
	_ =	sdelay $0x1  }
0xa1: {  	s23 =	simm.s32 $0x1B8B  }
0xa2: {  	_ =	swait.ge [sflag:s23], $0x1  }
0xa3: {  	[sflag:s23] =	ssyncset.done $0x0  }
0xa4: {  	s25 =	simm.s32 $0x1B8E;
	s24 =	sld [smem:$0x3FFE];
	[sflag:s23] =	ssyncadd.s32 $0xFFFFFFFF  }
0xa5: {  	s26 =	simm.s32 $execute0_lowered;
	[smem:$0x3FD2] =	sst s25  }
0xa6: {  	s5 =	sshll.u32 s26, $0x1;
	_ =	strace $0x80000046;
	[dreg:$0x1] =	wrdreg $0xFFFFFFFF  }
0xa7: {  	s28 =	simm.s32 $_size_execute0_lowered;
	s3 =	sadd.s32 s3, s5;
	[dreg:$0x0] =	wrdreg $0x0  }
0xa8: {  	s5 =	sshll.u32 s28, $0x1;
	[dreg:$0x2] =	wrdreg s3  }
0xa9: {  	[dreg:$0x3] =	wrdreg s5  }
0xaa: {  	[dreg:$0x4] =	wrdreg $0xC0  }
0xab: {  	_ =	task [dreg:s7], $0x5FFFF  }
0xac: {  	[dreg:$0x1] =	wrdreg $0xFFFFFFFF  }
0xad: {  	[dreg:$0x0] =	wrdreg $0x60  }
0xae: {  	[dreg:$0x2] =	wrdreg s24  }
0xaf: {  	[dreg:$0x3] =	wrdreg s2  }
0xb0: {  	[dreg:$0x4] =	wrdreg $0x9  }
0xb1: {  	_ =	task.clear_ibuf [dreg:s7], $0x5FFFF;
	_ =	strace $0x90000046  }
0xb2: {  	s29 =	simm.s32 $0x9;
	_ =	strace $0x80000048  }
0xb3: {  	_ =	swait.ge [sflag:s29], $0x1  }
0xb4: {  	[sflag:s29] =	ssyncadd.s32 $0xFFFFFFFF  }
0xb5: {  	_ =	strace $0x90000048  }
0xb6: {  	_ =	sfence  }
0xb7: {  	s30 =	sld [smem:$0x0];
	_ =	sdelay $0x2  }
0xb8: {  	s31 =	sshll.u32 s1, $0xD;
	s1 =	sshrl.u32 s1, $0x2  }
0xb9: {  	s3 =	sand.u32 $0x4000, s31;
	s1 =	sadd.s32 s1, s30  }
0xba: {  	s0 =	sor.u32 s3, s0;
	s1 =	sshll.u32 s1, $0x11  }
0xbb: {  	s0 =	sor.u32 s1, s0  }
0xbc: {  	s0 =	sadd.s32 $0x8F2B, s0  }
0xbd: {  	[sflag:s0] =	ssyncadd.remote.s32 $0x1  }
0xbe: {  	_ =	sfence.sel $0xFFFF  }
0xbf: {  	[dreg:$0x0] =	wrdreg $0xFFFFFFFF;
	(pc) =	sbr.abs _section_cstart, $3  }
0xc0: {  	[dreg:$0x1] =	wrdreg $0xFFFFFFFF  }
0xc1: {  	_ =	task.clear_ibuf [dreg:s7], $0x2FFFF;
	_ =	strace $0x9FFFFFFF  }
0xc2: {  	(tm) =	ssettm $0x7FFFFFFF  }
0xc3: {  	_ =	shalt  }
tec
execute0_lowered:
.L_overlay_start_1:
0x0: {  	(tag) =	ssettag $0x1  }
0x1: {  	v0 =	vlaneseq.u32;
	s4 =	rddreg [dreg:$0x0]  }
0x2: {  	s6 =	rddreg [dreg:$0x1];
	s2 =	simm.s32 $0x0;
	v6 =	vmul.u32 $0x1A, v0  }
0x3: {  	s1 =	srdreg.scid;
	[smem:$0x7FF] =	sst s2  }
0x4: {  	s5 =	sand.u32 $0x1, s1;
	s1 =	rddreg [dreg:$0x2];
	_ =	strace $0x80000047;
	v2 =	vadd.s32 $0x3, v6;
	[tilespmem:$0x1FD20] =	vst v6  }
0x5: {  	v3 =	vadd.s32 $0x4, v6;
	[tilespmem:$0x1FD00] =	vst v2  }
0x6: {  	v8 =	vor.u32 $0x1, v6;
	[tilespmem:$0x1FD10] =	vst v3  }
0x7: {  	v9 =	vadd.s32 $0x7, v6;
	[tilespmem:$0x1FD30] =	vst v8  }
0x8: {  	v10 =	vadd.s32 $0x8, v6;
	[tilespmem:$0x1FD40] =	vst v9  }
0x9: {  	v12 =	vadd.s32 $0x2, v6;
	[tilespmem:$0x1FD50] =	vst v10  }
0xa: {  	v13 =	vadd.s32 $0xA, v6;
	[tilespmem:$0x1FD60] =	vst v12  }
0xb: {  	v14 =	vadd.s32 $0xB, v6;
	[tilespmem:$0x1FD70] =	vst v13  }
0xc: {  	v15 =	vadd.s32 $0x5, v6;
	[tilespmem:$0x1FD80] =	vst v14  }
0xd: {  	v7 =	vadd.s32 $0x6, v6;
	[tilespmem:$0x1FD90] =	vst v15  }
0xe: {  	v11 =	vadd.s32 $0x9, v6;
	[tilespmem:$0x1FDA0] =	vst v7  }
0xf: {  	v17 =	vadd.s32 $0xC, v6;
	[tilespmem:$0x1FDB0] =	vst v11  }
0x10: {  	v60 =	vmul.u32 $0x40, v0;
	v1 =	vadd.s32 $0xE, v6;
	[tilespmem:$0x1FDC0] =	vst v17  }
0x11: {  	v49 =	vadd.s32 $0x18, v6;
	[tilespmem:$0x1FDD0] =	vst v1  }
0x12: {  	v18 =	vor.u32 $0x1, v60;
	[tilespmem:$0x1FDE0] =	vst v49  }
0x13: {  	v19 =	vor.u32 $0x2, v60;
	[tilespmem:$0x1FE00] =	vst v18  }
0x14: {  	v20 =	vor.u32 $0x3, v60;
	[tilespmem:$0x1FE10] =	vst v19  }
0x15: {  	v21 =	vor.u32 $0x4, v60;
	[tilespmem:$0x1FE20] =	vst v20  }
0x16: {  	v22 =	vor.u32 $0x5, v60;
	[tilespmem:$0x1FE30] =	vst v21  }
0x17: {  	v23 =	vor.u32 $0x6, v60;
	[tilespmem:$0x1FE40] =	vst v22  }
0x18: {  	v24 =	vor.u32 $0x7, v60;
	[tilespmem:$0x1FE50] =	vst v23  }
0x19: {  	v25 =	vor.u32 $0x8, v60;
	[tilespmem:$0x1FE60] =	vst v24  }
0x1a: {  	v26 =	vor.u32 $0x9, v60;
	[tilespmem:$0x1FE70] =	vst v25  }
0x1b: {  	v27 =	vor.u32 $0xA, v60;
	[tilespmem:$0x1FE80] =	vst v26  }
0x1c: {  	v28 =	vor.u32 $0xB, v60;
	[tilespmem:$0x1FE90] =	vst v27  }
0x1d: {  	v29 =	vor.u32 $0xC, v60;
	[tilespmem:$0x1FEA0] =	vst v28  }
0x1e: {  	v30 =	vor.u32 $0xD, v60;
	[tilespmem:$0x1FEB0] =	vst v29  }
0x1f: {  	v31 =	vor.u32 $0xE, v60;
	[tilespmem:$0x1FEC0] =	vst v30  }
0x20: {  	v32 =	vor.u32 $0xF, v60;
	[tilespmem:$0x1FED0] =	vst v31  }
0x21: {  	v33 =	vor.u32 $0x10, v60;
	[tilespmem:$0x1FEE0] =	vst v32  }
0x22: {  	v34 =	vor.u32 $0x11, v60;
	[tilespmem:$0x1FEF0] =	vst v33  }
0x23: {  	v35 =	vor.u32 $0x12, v60;
	[tilespmem:$0x1FF00] =	vst v34  }
0x24: {  	v36 =	vor.u32 $0x13, v60;
	[tilespmem:$0x1FF10] =	vst v35  }
0x25: {  	v37 =	vor.u32 $0x14, v60;
	[tilespmem:$0x1FF20] =	vst v36  }
0x26: {  	v38 =	vor.u32 $0x15, v60;
	[tilespmem:$0x1FF30] =	vst v37  }
0x27: {  	v39 =	vor.u32 $0x16, v60;
	[tilespmem:$0x1FF40] =	vst v38  }
0x28: {  	v40 =	vor.u32 $0x17, v60;
	[tilespmem:$0x1FF50] =	vst v39  }
0x29: {  	v41 =	vor.u32 $0x18, v60;
	[tilespmem:$0x1FF60] =	vst v40  }
0x2a: {  	v42 =	vor.u32 $0x19, v60;
	[tilespmem:$0x1FF70] =	vst v41  }
0x2b: {  	v43 =	vor.u32 $0x1A, v60;
	[tilespmem:$0x1FF80] =	vst v42  }
0x2c: {  	v44 =	vor.u32 $0x1B, v60;
	[tilespmem:$0x1FF90] =	vst v43  }
0x2d: {  	v45 =	vor.u32 $0x1C, v60;
	[tilespmem:$0x1FFA0] =	vst v44  }
0x2e: {  	s0 =	stileid.u32;
	v46 =	vor.u32 $0x1D, v60;
	[tilespmem:$0x1FFB0] =	vst v45  }
0x2f: {  	v0 =	vand.u32 $0x1, v0;
	s3 =	sshll.u32 s0, $0x1;
	v47 =	vor.u32 $0x1E, v60;
	[tilespmem:$0x1FFC0] =	vst v46  }
0x30: {  	s10 =	simm.s32 $0xB480;
	v0 =	vmul.u32 $0x40, v0;
	s7 =	sor.u32 s5, s3;
	v48 =	vadd.s32 $0xD, v6;
	v61 =	vor.u32 $0x1F, v60;
	[tilespmem:$0x1FFD0] =	vst v47  }
0x31: {  	s11 =	simm.s32 $0x3400;
	s5 =	ssub.s32 $0x2, s5;
	v50 =	vadd.s32 $0xF, v6;
	v51 =	vadd.s32 $0x10, v6;
	s3 =	smul.u32 $0x680, s7;
	v63 =	vor.u32 $0x21, v60;
	[tilespmem:$0x1FFE0] =	vst v61  }
0x32: {  	s12 =	simm.s32 $0x0;
	v52 =	vadd.s32 $0x11, v6;
	s9 =	sshrl.u32 s5, $0x1;
	s7 =	sshll.u32 s7, $0xC;
	v16 =	vor.u32 $0xFFFFFF80, v0;
	v0 =	vor.u32 $0x22, v60;
	[tilespmem:$0x1FFF0] =	vst v63  }
0x33: {  	v53 =	vadd.s32 $0x12, v6;
	v54 =	vadd.s32 $0x13, v6;
	v55 =	vadd.s32 $0x14, v6;
	s9 =	ssub.s32 s5, s9;
	s6 =	sadd.s32 s6, s7;
	s8 =	sadd.s32 s3, s4;
	[tilespmem:$0x1FCE0] =	vst v0  }
0x34: {  	v56 =	vadd.s32 $0x15, v6;
	v57 =	vadd.s32 $0x16, v6;
	s3 =	sadd.s32 $0xDA00, s4;
	s4 =	sadd.s32 $0xDC00, s4;
	s7 =	smax.u32 s9, $0x1;
	v0 =	vor.u32 $0x23, v60;
	[tilespmem:$0x1FDF0] =	vst v16  }
0x35: {  	v58 =	vadd.s32 $0x17, v6;
	v59 =	vadd.s32 $0x19, v6;
	v62 =	vor.u32 $0x20, v60;
	s9 =	simm.s32 $0xB400;
	s5 =	sadd.s32 $0xA00, s8;
	s8 =	simm.s32 $0x1;
	[tilespmem:$0x1FCF0] =	vst v0  }
.LBB2_1:
0x36: {  	[tilespmem:s2], [sflag:$0x1] =	stream.linear.gather [hbm4b:s5+s2], $0x3400, $0x38;
	[tilespmem:$0xB500] =	vst v63  }
0x37: {  	_ =	swait.ge [sflag:s8], $0x3400  }
0x38: {  	[sflag:s8] =	ssyncset.done $0x0  }
0x39: {  	[sflag:s8] =	ssyncadd.s32 $0xFFFFCC00  }
0x3a: {  	[tilespmem:s9], [sflag:$0x1] =	stream.linear.gather [hbm4b:s3+s2], $0x80, $0x38;
	[tilespmem:$0xB500] =	vst v63  }
0x3b: {  	_ =	swait.ge [sflag:s8], $0x80  }
0x3c: {  	[sflag:s8] =	ssyncset.done $0x0  }
0x3d: {  	[sflag:s8] =	ssyncadd.s32 $0xFFFFFF80  }
0x3e: {  	[tilespmem:s10], [sflag:$0x1] =	stream.linear.gather [hbm4b:s4+s2], $0x80, $0x38;
	[tilespmem:$0xB500] =	vst v63  }
0x3f: {  	_ =	swait.ge [sflag:s8], $0x80  }
0x40: {  	[sflag:s8] =	ssyncset.done $0x0  }
0x41: {  	s13 =	simm.s32 $0x0;
	s14 =	simm.s32 $0x0;
	[sflag:s8] =	ssyncadd.s32 $0xFFFFFF80  }
.LBB2_2:
0x42: {  	v2 =	vld [tilespmem:$0x1FD30]  }
0x43: {  	v3 =	vld [tilespmem:$0x1FD60]  }
0x44: {  	v4 =	vld [tilespmem:$0x1FD00]  }
0x45: {  	v5 =	vld [tilespmem:$0x1FD10]  }
0x46: {  	v0 =	vadd.s32 s14, v6;
	v6 =	vld [tilespmem:$0x1FD90]  }
0x47: {  	v7 =	vld [tilespmem:$0x1FDA0];
	v2 =	vadd.s32 s14, v2  }
0x48: {  	v3 =	vadd.s32 s14, v3  }
0x49: {  	v15 =	vld [tilespmem:$0x1FDC0];
	v4 =	vadd.s32 s14, v4  }
0x4a: {  	v8 =	vadd.s32 s14, v9;
	v9 =	vadd.s32 s14, v10;
	v10 =	vld [tilespmem:$0x1FDB0];
	v5 =	vadd.s32 s14, v5  }
0x4b: {  	v0 =	vld.idx.msk [tilespmem:v0+s2+$0x0], $0xffff;
	v6 =	vadd.s32 s14, v6  }
0x4c: {  	v7 =	vadd.s32 s14, v7;
	v2 =	vld.idx.msk [tilespmem:v2+s2+$0x0], $0xffff  }
0x4d: {  	v3 =	vld.idx.msk [tilespmem:v3+s2+$0x0], $0xffff  }
0x4e: {  	v4 =	vld.idx.msk [tilespmem:v4+s2+$0x0], $0xffff  }
0x4f: {  	v11 =	vadd.s32 s14, v10;
	v5 =	vld.idx.msk [tilespmem:v5+s2+$0x0], $0xffff  }
0x50: {  	v12 =	vadd.s32 s14, v13;
	v6 =	vld.idx.msk [tilespmem:v6+s2+$0x0], $0xffff;
	v10 =	vadd.f32 v0, v0  }
0x51: {  	v13 =	vadd.s32 s14, v14;
	v7 =	vld.idx.msk [tilespmem:v7+s2+$0x0], $0xffff;
	v14 =	vadd.f32 v2, v2  }
0x52: {  	v15 =	vadd.s32 s14, v15;
	v8 =	vld.idx.msk [tilespmem:v8+s2+$0x0], $0xffff;
	v17 =	vadd.f32 v3, v3;
	v16 =	vmul.f32 $1.442695020e+00, v10  }
0x53: {  	v10 =	vld.idx.msk [tilespmem:v9+s2+$0x0], $0xffff;
	v9 =	vmul.f32 $1.442695020e+00, v14;
	v14 =	vadd.f32 v4, v4  }
0x54: {  	v11 =	vld.idx.msk [tilespmem:v11+s2+$0x0], $0xffff;
	v21 =	vadd.f32 v5, v5;
	v63 =	vmul.f32 $1.442695020e+00, v17;
	(erf) = vpow2.f32 v16  }
0x55: {  	v12 =	vld.idx.msk [tilespmem:v12+s2+$0x0], $0xffff;
	(erf) = vpow2.f32 v9;
	v9 =	vmul.f32 $1.442695020e+00, v14;
	v18 =	vadd.f32 v6, v6  }
0x56: {  	v13 =	vld.idx.msk [tilespmem:v13+s2+$0x0], $0xffff;
	v23 =	vadd.f32 v7, v7;
	v22 =	vmul.f32 $1.442695020e+00, v21;
	(erf) = vpow2.f32 v63  }
0x57: {  	v14 =	vld.idx.msk [tilespmem:v15+s2+$0x0], $0xffff;
	v15 =	vadd.f32 v8, v8;
	(erf) = vpow2.f32 v9;
	v9 =	vmul.f32 $1.442695020e+00, v18  }
0x58: {  	v24 =	vmul.f32 $1.442695020e+00, v23;
	v25 =	vadd.f32 v10, v10;
	(erf) = vpow2.f32 v22  }
0x59: {  	(erf) = vpow2.f32 v9;
	v9 =	vmul.f32 $1.442695020e+00, v15;
	v15 =	vadd.f32 v11, v11  }
0x5a: {  	v27 =	vadd.f32 v12, v12;
	v26 =	vmul.f32 $1.442695020e+00, v25;
	(erf) = vpow2.f32 v24  }
0x5b: {  	(erf) = vpow2.f32 v9;
	v9 =	vmul.f32 $1.442695020e+00, v15;
	v15 =	vadd.f32 v13, v13;
	_ =	sdelay $0x1  }
0x5c: {  	v28 =	vmul.f32 $1.442695020e+00, v27;
	v29 =	vadd.f32 v14, v14;
	(erf) = vpow2.f32 v26  }
0x5d: {  	v30 =	vpop (erf);
	(erf) = vpow2.f32 v9;
	v9 =	vmul.f32 $1.442695020e+00, v15  }
0x5e: {  	v31 =	vmul.f32 $1.442695020e+00, v29;
	(erf) = vpow2.f32 v28;
	v15 =	vpop (erf)  }
0x5f: {  	(erf) = vpow2.f32 v9;
	v9 =	vadd.f32 $1.000000000e+00, v30;
	v32 =	vpop (erf)  }
0x60: {  	(erf) = vpow2.f32 v31;
	v15 =	vadd.f32 $1.000000000e+00, v15;
	v33 =	vpop (erf)  }
0x61: {  	(erf) = vrcp.f32 v9;
	v9 =	vadd.f32 $1.000000000e+00, v32;
	v34 =	vpop (erf)  }
0x62: {  	v35 =	vpop (erf);
	(erf) = vrcp.f32 v15;
	v15 =	vadd.f32 $1.000000000e+00, v33  }
0x63: {  	v36 =	vpop (erf);
	(erf) = vrcp.f32 v9;
	v9 =	vadd.f32 $1.000000000e+00, v34  }
0x64: {  	v37 =	vpop (erf);
	(erf) = vrcp.f32 v15;
	v15 =	vadd.f32 $1.000000000e+00, v35  }
0x65: {  	v38 =	vpop (erf);
	(erf) = vrcp.f32 v9;
	v9 =	vadd.f32 $1.000000000e+00, v36  }
0x66: {  	v39 =	vpop (erf);
	(erf) = vrcp.f32 v15;
	v15 =	vadd.f32 $1.000000000e+00, v37  }
0x67: {  	v40 =	vpop (erf);
	(erf) = vrcp.f32 v9;
	v9 =	vadd.f32 $1.000000000e+00, v38  }
0x68: {  	v41 =	vpop (erf);
	(erf) = vrcp.f32 v15;
	v15 =	vadd.f32 $1.000000000e+00, v39;
	_ =	sdelay $0x1  }
0x69: {  	v42 =	vpop (erf)  }
0x6a: {  	(erf) = vrcp.f32 v9;
	v9 =	vpop (erf)  }
0x6b: {  	(erf) = vrcp.f32 v15;
	v15 =	vpop (erf)  }
0x6c: {  	v16 =	vadd.f32 $1.000000000e+00, v40;
	v9 =	vadd.f32 v9, v9;
	v19 =	vpop (erf)  }
0x6d: {  	v17 =	vadd.f32 $1.000000000e+00, v41;
	v20 =	vpop (erf)  }
0x6e: {  	(erf) = vrcp.f32 v16;
	v15 =	vadd.f32 v15, v15;
	v45 =	vmul.f32 $8.000000000e+00, v9;
	v21 =	vpop (erf)  }
0x6f: {  	v43 =	vadd.f32 $1.000000000e+00, v42;
	(erf) = vrcp.f32 v17;
	v18 =	vadd.f32 v20, v20;
	v22 =	vpop (erf)  }
0x70: {  	v46 =	vmul.f32 $8.000000000e+00, v15;
	v17 =	vadd.f32 v22, v22;
	v22 =	vsub.f32 $1.650000000e+01, v45  }
0x71: {  	v19 =	vadd.f32 v19, v19;
	v44 =	vadd.f32 v21, v21;
	v23 =	vpop (erf);
	v27 =	vmul.f32 $8.000000000e+00, v18  }
0x72: {  	v21 =	vadd.f32 v23, v23;
	v23 =	vsub.f32 $1.650000000e+01, v46;
	v22 =	vtrunc.f32 v22  }
0x73: {  	(erf) = vrcp.f32 v43;
	v9 =	vsub.f32 $1.000000000e+00, v9;
	v22 =	vcvt.f32.s32 v22  }
0x74: {  	v47 =	vmul.f32 $8.000000000e+00, v19;
	v24 =	vpop (erf);
	v27 =	vsub.f32 $1.650000000e+01, v27;
	v23 =	vtrunc.f32 v23  }
0x75: {  	v28 =	vmul.f32 $8.000000000e+00, v44;
	v25 =	vpop (erf);
	v16 =	vadd.f32 v24, v24;
	v23 =	vcvt.f32.s32 v23  }
0x76: {  	v24 =	vadd.f32 v25, v25;
	v25 =	vsub.f32 $1.650000000e+01, v47;
	v27 =	vtrunc.f32 v27  }
0x77: {  	v15 =	vsub.f32 $1.000000000e+00, v15;
	v28 =	vsub.f32 $1.650000000e+01, v28;
	v27 =	vcvt.f32.s32 v27  }
0x78: {  	v19 =	vsub.f32 $1.000000000e+00, v19;
	v29 =	vmul.f32 $8.000000000e+00, v17;
	v25 =	vtrunc.f32 v25  }
0x79: {  	v18 =	vsub.f32 $1.000000000e+00, v18;
	v28 =	vtrunc.f32 v28;
	v25 =	vcvt.f32.s32 v25;
	v33 =	vld.idx.msk [tilespmem:v22+s9+$0x0], $0xffff  }
0x7a: {  	v30 =	vmul.f32 $8.000000000e+00, v21;
	v29 =	vsub.f32 $1.650000000e+01, v29;
	v28 =	vcvt.f32.s32 v28;
	v22 =	vld.idx.msk [tilespmem:v22+s10+$0x0], $0xffff  }
0x7b: {  	v20 =	vsub.f32 $1.000000000e+00, v44;
	v17 =	vsub.f32 $1.000000000e+00, v17;
	v34 =	vld.idx.msk [tilespmem:v23+s9+$0x0], $0xffff  }
0x7c: {  	v26 =	vpop (erf);
	v31 =	vmul.f32 $8.000000000e+00, v16;
	v30 =	vsub.f32 $1.650000000e+01, v30;
	v29 =	vtrunc.f32 v29;
	v23 =	vld.idx.msk [tilespmem:v23+s10+$0x0], $0xffff  }
0x7d: {  	v21 =	vsub.f32 $1.000000000e+00, v21;
	v26 =	vadd.f32 v26, v26;
	v29 =	vcvt.f32.s32 v29;
	v38 =	vld.idx.msk [tilespmem:v27+s9+$0x0], $0xffff  }
0x7e: {  	v35 =	vpop (erf);
	v32 =	vmul.f32 $8.000000000e+00, v24;
	v31 =	vsub.f32 $1.650000000e+01, v31;
	v30 =	vtrunc.f32 v30;
	v27 =	vld.idx.msk [tilespmem:v27+s10+$0x0], $0xffff  }
0x7f: {  	v16 =	vsub.f32 $1.000000000e+00, v16;
	v35 =	vadd.f32 v35, v35;
	v30 =	vcvt.f32.s32 v30;
	v36 =	vld.idx.msk [tilespmem:v25+s9+$0x0], $0xffff  }
0x80: {  	v37 =	vpop (erf);
	v42 =	vmul.f32 $8.000000000e+00, v26;
	v32 =	vsub.f32 $1.650000000e+01, v32;
	v31 =	vtrunc.f32 v31;
	v40 =	vld.idx.msk [tilespmem:v28+s9+$0x0], $0xffff  }
0x81: {  	v37 =	vadd.f32 v37, v37;
	v39 =	vpop (erf);
	v44 =	vmul.f32 $8.000000000e+00, v35;
	v31 =	vcvt.f32.s32 v31;
	v25 =	vld.idx.msk [tilespmem:v25+s10+$0x0], $0xffff  }
0x82: {  	v39 =	vadd.f32 v39, v39;
	v42 =	vsub.f32 $1.650000000e+01, v42;
	v32 =	vtrunc.f32 v32;
	v28 =	vld.idx.msk [tilespmem:v28+s10+$0x0], $0xffff  }
0x83: {  	v46 =	vmul.f32 $8.000000000e+00, v37;
	v44 =	vsub.f32 $1.650000000e+01, v44;
	v32 =	vcvt.f32.s32 v32;
	v63 =	vld.idx.msk [tilespmem:v29+s9+$0x0], $0xffff  }
0x84: {  	v24 =	vsub.f32 $1.000000000e+00, v24;
	v47 =	vmul.f32 $8.000000000e+00, v39;
	v42 =	vtrunc.f32 v42;
	v29 =	vld.idx.msk [tilespmem:v29+s10+$0x0], $0xffff  }
0x85: {  	v46 =	vsub.f32 $1.650000000e+01, v46;
	v42 =	vcvt.f32.s32 v42;
	v44 =	vtrunc.f32 v44;
	v41 =	vld.idx.msk [tilespmem:v30+s9+$0x0], $0xffff  }
0x86: {  	v26 =	vsub.f32 $1.000000000e+00, v26;
	v47 =	vsub.f32 $1.650000000e+01, v47;
	v44 =	vcvt.f32.s32 v44;
	v30 =	vld.idx.msk [tilespmem:v30+s10+$0x0], $0xffff  }
0x87: {  	v35 =	vsub.f32 $1.000000000e+00, v35;
	v46 =	vtrunc.f32 v46;
	v9 =	vmul.f32 v22, v9;
	v43 =	vld.idx.msk [tilespmem:v31+s9+$0x0], $0xffff  }
0x88: {  	v61 =	vtrunc.f32 v47;
	v22 =	vsub.f32 $1.000000000e+00, v39;
	v15 =	vmul.f32 v23, v15;
	v31 =	vld.idx.msk [tilespmem:v31+s10+$0x0], $0xffff  }
0x89: {  	v39 =	vcvt.f32.s32 v46;
	v45 =	vld.idx.msk [tilespmem:v32+s9+$0x0], $0xffff;
	v9 =	vadd.f32 v9, v33;
	v19 =	vmul.f32 v25, v19  }
0x8a: {  	v23 =	vcvt.f32.s32 v61;
	v18 =	vmul.f32 v27, v18;
	v25 =	vld.idx.msk [tilespmem:v32+s10+$0x0], $0xffff;
	v15 =	vadd.f32 v15, v34  }
0x8b: {  	v46 =	vld.idx.msk [tilespmem:v42+s10+$0x0], $0xffff;
	v47 =	vmul.f32 v28, v20;
	v0 =	vadd.f32 v9, v0;
	v9 =	vadd.f32 v19, v36  }
0x8c: {  	v61 =	vld.idx.msk [tilespmem:v44+s10+$0x0], $0xffff;
	v17 =	vmul.f32 v29, v17;
	v2 =	vadd.f32 v15, v2;
	v15 =	vadd.f32 v18, v38  }
0x8d: {  	v28 =	vld.idx.msk [tilespmem:v42+s9+$0x0], $0xffff;
	v3 =	vadd.f32 v9, v3;
	v9 =	vadd.f32 v47, v40  }
0x8e: {  	v29 =	vmul.f32 v30, v21;
	v30 =	vld.idx.msk [tilespmem:v44+s9+$0x0], $0xffff;
	v4 =	vadd.f32 v15, v4;
	v15 =	vadd.f32 v17, v63  }
0x8f: {  	v37 =	vsub.f32 $1.000000000e+00, v37;
	v32 =	vld.idx.msk [tilespmem:v39+s10+$0x0], $0xffff;
	v5 =	vadd.f32 v9, v5  }
0x90: {  	v33 =	vld.idx.msk [tilespmem:v23+s10+$0x0], $0xffff;
	v9 =	vadd.f32 v29, v41;
	v6 =	vadd.f32 v15, v6;
	v15 =	vmul.f32 v31, v16  }
0x91: {  	v36 =	vld.idx.msk [tilespmem:v39+s9+$0x0], $0xffff;
	v38 =	vadd.f32 v0, v0;
	v34 =	vmul.f32 v25, v24;
	v20 =	vmul.f32 v61, v35  }
0x92: {  	v23 =	vld.idx.msk [tilespmem:v23+s9+$0x0], $0xffff;
	v7 =	vadd.f32 v9, v7;
	v9 =	vmul.f32 v46, v26;
	v15 =	vadd.f32 v15, v43  }
0x93: {  	v16 =	vadd.f32 v34, v45;
	v20 =	vadd.f32 v20, v30  }
0x94: {  	v18 =	vadd.f32 v9, v28;
	v9 =	vadd.f32 v15, v8;
	v8 =	vmul.f32 v32, v37  }
0x95: {  	v39 =	vadd.f32 v2, v2;
	v10 =	vadd.f32 v16, v10;
	v15 =	vmul.f32 v33, v22  }
0x96: {  	v12 =	vadd.f32 v20, v12;
	v8 =	vadd.f32 v8, v36  }
0x97: {  	v11 =	vadd.f32 v18, v11;
	v15 =	vadd.f32 v15, v23  }
0x98: {  	v18 =	vadd.f32 v8, v13;
	v8 =	vmul.f32 $1.442695020e+00, v38;
	v13 =	vadd.f32 v3, v3  }
0x99: {  	v19 =	vadd.f32 v15, v14;
	v14 =	vmul.f32 $1.442695020e+00, v39;
	v15 =	vadd.f32 v4, v4  }
0x9a: {  	(erf) = vpow2.f32 v8;
	v8 =	vmul.f32 $1.442695020e+00, v13;
	v13 =	vadd.f32 v5, v5  }
0x9b: {  	(erf) = vpow2.f32 v14;
	v14 =	vmul.f32 $1.442695020e+00, v15;
	v15 =	vadd.f32 v6, v6  }
0x9c: {  	(erf) = vpow2.f32 v8;
	v8 =	vmul.f32 $1.442695020e+00, v13;
	v13 =	vadd.f32 v7, v7  }
0x9d: {  	(erf) = vpow2.f32 v14;
	v14 =	vmul.f32 $1.442695020e+00, v15;
	v15 =	vadd.f32 v9, v9  }
0x9e: {  	(erf) = vpow2.f32 v8;
	v8 =	vmul.f32 $1.442695020e+00, v13;
	v13 =	vadd.f32 v10, v10  }
0x9f: {  	(erf) = vpow2.f32 v14;
	v14 =	vmul.f32 $1.442695020e+00, v15;
	v15 =	vadd.f32 v11, v11  }
0xa0: {  	(erf) = vpow2.f32 v8;
	v8 =	vmul.f32 $1.442695020e+00, v13;
	v13 =	vadd.f32 v12, v12  }
0xa1: {  	(erf) = vpow2.f32 v14;
	v14 =	vmul.f32 $1.442695020e+00, v15;
	v15 =	vadd.f32 v18, v18  }
0xa2: {  	(erf) = vpow2.f32 v8;
	v8 =	vmul.f32 $1.442695020e+00, v13;
	v13 =	vadd.f32 v19, v19  }
0xa3: {  	(erf) = vpow2.f32 v14;
	v14 =	vmul.f32 $1.442695020e+00, v15  }
0xa4: {  	v40 =	vpop (erf);
	(erf) = vpow2.f32 v8  }
0xa5: {  	v8 =	vmul.f32 $1.442695020e+00, v13;
	v15 =	vpop (erf);
	(erf) = vpow2.f32 v14;
	v14 =	vadd.f32 $1.000000000e+00, v40  }
0xa6: {  	v13 =	vpop (erf)  }
0xa7: {  	(erf) = vpow2.f32 v8;
	v8 =	vadd.f32 $1.000000000e+00, v15;
	v41 =	vpop (erf)  }
0xa8: {  	v13 =	vadd.f32 $1.000000000e+00, v13;
	v15 =	vpop (erf);
	(erf) = vrcp.f32 v14  }
0xa9: {  	v14 =	vpop (erf);
	(erf) = vrcp.f32 v8;
	v8 =	vadd.f32 $1.000000000e+00, v41  }
0xaa: {  	v42 =	vpop (erf);
	(erf) = vrcp.f32 v13;
	v13 =	vadd.f32 $1.000000000e+00, v15  }
0xab: {  	v15 =	vpop (erf);
	(erf) = vrcp.f32 v8  }
0xac: {  	v8 =	vadd.f32 $1.000000000e+00, v14;
	v14 =	vpop (erf);
	(erf) = vrcp.f32 v13  }
0xad: {  	v13 =	vadd.f32 $1.000000000e+00, v42;
	v43 =	vpop (erf)  }
0xae: {  	(erf) = vrcp.f32 v8;
	v8 =	vadd.f32 $1.000000000e+00, v15  }
0xaf: {  	v15 =	vpop (erf);
	(erf) = vrcp.f32 v13;
	v13 =	vadd.f32 $1.000000000e+00, v14;
	_ =	sdelay $0x1  }
0xb0: {  	v14 =	vpop (erf)  }
0xb1: {  	(erf) = vrcp.f32 v8;
	v8 =	vpop (erf)  }
0xb2: {  	(erf) = vrcp.f32 v13;
	v13 =	vpop (erf)  }
0xb3: {  	v16 =	vadd.f32 $1.000000000e+00, v43;
	v13 =	vadd.f32 v13, v13  }
0xb4: {  	v15 =	vadd.f32 $1.000000000e+00, v15;
	v44 =	vpop (erf)  }
0xb5: {  	(erf) = vrcp.f32 v16;
	v17 =	vadd.f32 v44, v44;
	v36 =	vmul.f32 $8.000000000e+00, v13  }
0xb6: {  	v14 =	vadd.f32 $1.000000000e+00, v14;
	(erf) = vrcp.f32 v15;
	v8 =	vadd.f32 $1.000000000e+00, v8;
	v45 =	vpop (erf)  }
0xb7: {  	v46 =	vpop (erf);
	v16 =	vadd.f32 v45, v45;
	v37 =	vmul.f32 $8.000000000e+00, v17;
	v23 =	vsub.f32 $1.650000000e+01, v36  }
0xb8: {  	(erf) = vrcp.f32 v14;
	v13 =	vsub.f32 $1.000000000e+00, v13;
	v15 =	vadd.f32 v46, v46  }
0xb9: {  	v47 =	vpop (erf);
	v38 =	vmul.f32 $8.000000000e+00, v16;
	v24 =	vsub.f32 $1.650000000e+01, v37;
	v23 =	vtrunc.f32 v23  }
0xba: {  	v17 =	vsub.f32 $1.000000000e+00, v17;
	v63 =	vadd.f32 v47, v47;
	v23 =	vcvt.f32.s32 v23  }
0xbb: {  	v61 =	vpop (erf);
	v39 =	vmul.f32 $8.000000000e+00, v15;
	v25 =	vsub.f32 $1.650000000e+01, v38;
	v24 =	vtrunc.f32 v24  }
0xbc: {  	(erf) = vrcp.f32 v8;
	v14 =	vadd.f32 v61, v61;
	v24 =	vcvt.f32.s32 v24  }
0xbd: {  	v33 =	vpop (erf);
	v40 =	vmul.f32 $8.000000000e+00, v63;
	v26 =	vsub.f32 $1.650000000e+01, v39;
	v25 =	vtrunc.f32 v25  }
0xbe: {  	v16 =	vsub.f32 $1.000000000e+00, v16;
	v20 =	vadd.f32 v33, v33;
	v25 =	vcvt.f32.s32 v25  }
0xbf: {  	v34 =	vpop (erf);
	v41 =	vmul.f32 $8.000000000e+00, v14;
	v27 =	vsub.f32 $1.650000000e+01, v40;
	v26 =	vtrunc.f32 v26  }
0xc0: {  	v15 =	vsub.f32 $1.000000000e+00, v15;
	v8 =	vadd.f32 v34, v34;
	v26 =	vcvt.f32.s32 v26;
	v32 =	vld.idx.msk [tilespmem:v23+s9+$0x0], $0xffff  }
0xc1: {  	v35 =	vpop (erf);
	v42 =	vmul.f32 $8.000000000e+00, v20;
	v28 =	vsub.f32 $1.650000000e+01, v41;
	v27 =	vtrunc.f32 v27;
	v23 =	vld.idx.msk [tilespmem:v23+s10+$0x0], $0xffff  }
0xc2: {  	v21 =	vsub.f32 $1.000000000e+00, v63;
	v22 =	vadd.f32 v35, v35;
	v27 =	vcvt.f32.s32 v27;
	v34 =	vld.idx.msk [tilespmem:v24+s9+$0x0], $0xffff  }
0xc3: {  	v45 =	vpop (erf);
	v43 =	vmul.f32 $8.000000000e+00, v8;
	v29 =	vsub.f32 $1.650000000e+01, v42;
	v28 =	vtrunc.f32 v28;
	v24 =	vld.idx.msk [tilespmem:v24+s10+$0x0], $0xffff  }
0xc4: {  	v46 =	vpop (erf);
	v33 =	vadd.f32 v45, v45;
	v44 =	vmul.f32 $8.000000000e+00, v22;
	v28 =	vcvt.f32.s32 v28;
	v36 =	vld.idx.msk [tilespmem:v25+s9+$0x0], $0xffff  }
0xc5: {  	v47 =	vpop (erf);
	v35 =	vadd.f32 v46, v46;
	v30 =	vsub.f32 $1.650000000e+01, v43;
	v29 =	vtrunc.f32 v29;
	v25 =	vld.idx.msk [tilespmem:v25+s10+$0x0], $0xffff  }
0xc6: {  	v37 =	vadd.f32 v47, v47;
	v63 =	vmul.f32 $8.000000000e+00, v33;
	v29 =	vcvt.f32.s32 v29;
	v38 =	vld.idx.msk [tilespmem:v26+s9+$0x0], $0xffff  }
0xc7: {  	v47 =	vsub.f32 $1.000000000e+00, v8;
	v31 =	vsub.f32 $1.650000000e+01, v44;
	v30 =	vtrunc.f32 v30;
	v26 =	vld.idx.msk [tilespmem:v26+s10+$0x0], $0xffff  }
0xc8: {  	v61 =	vpop (erf);
	v8 =	vsub.f32 $1.650000000e+01, v63;
	v45 =	vmul.f32 $8.000000000e+00, v37;
	v30 =	vcvt.f32.s32 v30;
	v40 =	vld.idx.msk [tilespmem:v27+s9+$0x0], $0xffff  }
0xc9: {  	v31 =	vtrunc.f32 v31;
	v39 =	vadd.f32 v61, v61;
	v61 =	vmul.f32 $8.000000000e+00, v35;
	v27 =	vld.idx.msk [tilespmem:v27+s10+$0x0], $0xffff  }
0xca: {  	v14 =	vsub.f32 $1.000000000e+00, v14;
	v20 =	vsub.f32 $1.000000000e+00, v20;
	v31 =	vcvt.f32.s32 v31;
	v41 =	vld.idx.msk [tilespmem:v28+s9+$0x0], $0xffff  }
0xcb: {  	v8 =	vtrunc.f32 v8;
	v45 =	vsub.f32 $1.650000000e+01, v45;
	v43 =	vsub.f32 $1.650000000e+01, v61;
	v28 =	vld.idx.msk [tilespmem:v28+s10+$0x0], $0xffff  }
0xcc: {  	v22 =	vsub.f32 $1.000000000e+00, v22;
	v63 =	vmul.f32 $8.000000000e+00, v39;
	v8 =	vcvt.f32.s32 v8;
	v42 =	vld.idx.msk [tilespmem:v29+s9+$0x0], $0xffff  }
0xcd: {  	v33 =	vsub.f32 $1.000000000e+00, v33;
	v45 =	vtrunc.f32 v45;
	v43 =	vtrunc.f32 v43;
	v29 =	vld.idx.msk [tilespmem:v29+s10+$0x0], $0xffff  }
0xce: {  	v63 =	vsub.f32 $1.650000000e+01, v63;
	v13 =	vmul.f32 v23, v13;
	v43 =	vcvt.f32.s32 v43;
	v44 =	vld.idx.msk [tilespmem:v30+s9+$0x0], $0xffff  }
0xcf: {  	v23 =	vsub.f32 $1.000000000e+00, v39;
	v39 =	vcvt.f32.s32 v45;
	v17 =	vmul.f32 v24, v17;
	v30 =	vld.idx.msk [tilespmem:v30+s10+$0x0], $0xffff  }
0xd0: {  	v63 =	vtrunc.f32 v63;
	v13 =	vadd.f32 v13, v32;
	v16 =	vmul.f32 v25, v16;
	v46 =	vld.idx.msk [tilespmem:v31+s9+$0x0], $0xffff  }
0xd1: {  	v24 =	vcvt.f32.s32 v63;
	v25 =	vld.idx.msk [tilespmem:v31+s10+$0x0], $0xffff;
	v34 =	vadd.f32 v17, v34;
	v15 =	vmul.f32 v26, v15  }
0xd2: {  	v26 =	vld.idx.msk [tilespmem:v8+s10+$0x0], $0xffff;
	v17 =	vadd.f32 v13, v0;
	v0 =	vadd.f32 v16, v36;
	v13 =	vmul.f32 v27, v21  }
0xd3: {  	v32 =	vld.idx.msk [tilespmem:v8+s9+$0x0], $0xffff;
	v16 =	vadd.f32 v34, v2;
	v2 =	vadd.f32 v15, v38;
	v14 =	vmul.f32 v28, v14  }
0xd4: {  	v15 =	vadd.f32 v0, v3;
	v0 =	vadd.f32 v13, v40;
	v3 =	vmul.f32 v29, v20;
	v45 =	vld.idx.msk [tilespmem:v43+s10+$0x0], $0xffff  }
0xd5: {  	v34 =	vld.idx.msk [tilespmem:v43+s9+$0x0], $0xffff;
	v13 =	vadd.f32 v2, v4;
	v2 =	vadd.f32 v14, v41  }
0xd6: {  	v4 =	vld.idx.msk [tilespmem:v39+s10+$0x0], $0xffff;
	v14 =	vadd.f32 v0, v5;
	v0 =	vadd.f32 v3, v42;
	v3 =	vmul.f32 v25, v22  }
0xd7: {  	v35 =	vsub.f32 $1.000000000e+00, v35;
	v36 =	vld.idx.msk [tilespmem:v24+s10+$0x0], $0xffff;
	v63 =	vadd.f32 v2, v6;
	v2 =	vmul.f32 v30, v47  }
0xd8: {  	v38 =	vld.idx.msk [tilespmem:v39+s9+$0x0], $0xffff;
	v7 =	vadd.f32 v0, v7;
	v0 =	vmul.f32 v26, v33;
	v3 =	vadd.f32 v3, v46  }
0xd9: {  	v37 =	vsub.f32 $1.000000000e+00, v37;
	v39 =	vld.idx.msk [tilespmem:v24+s9+$0x0], $0xffff;
	v2 =	vadd.f32 v2, v44  }
0xda: {  	v5 =	vmul.f32 v45, v35;
	v0 =	vadd.f32 v0, v32;
	v6 =	vadd.f32 v3, v10  }
0xdb: {  	v10 =	vadd.f32 v16, v16;
	v8 =	vadd.f32 v2, v9;
	v2 =	vmul.f32 v4, v37  }
0xdc: {  	v20 =	vadd.f32 v5, v34;
	v5 =	vadd.f32 v0, v11;
	v0 =	vmul.f32 v36, v23  }
0xdd: {  	v9 =	vadd.f32 v17, v17;
	v2 =	vadd.f32 v2, v38  }
0xde: {  	v11 =	vadd.f32 v15, v15;
	v0 =	vadd.f32 v0, v39  }
0xdf: {  	v9 =	vmul.f32 $1.442695020e+00, v9;
	v4 =	vadd.f32 v20, v12;
	v2 =	vadd.f32 v2, v18  }
0xe0: {  	v3 =	vadd.f32 v0, v19;
	v0 =	vmul.f32 $1.442695020e+00, v10;
	v10 =	vadd.f32 v13, v13  }
0xe1: {  	(erf) = vpow2.f32 v9;
	v9 =	vmul.f32 $1.442695020e+00, v11;
	v11 =	vadd.f32 v14, v14  }
0xe2: {  	(erf) = vpow2.f32 v0;
	v0 =	vmul.f32 $1.442695020e+00, v10;
	v10 =	vadd.f32 v63, v63  }
0xe3: {  	(erf) = vpow2.f32 v9;
	v9 =	vmul.f32 $1.442695020e+00, v11;
	v11 =	vadd.f32 v7, v7  }
0xe4: {  	(erf) = vpow2.f32 v0;
	v0 =	vmul.f32 $1.442695020e+00, v10;
	v10 =	vadd.f32 v8, v8  }
0xe5: {  	(erf) = vpow2.f32 v9;
	v9 =	vmul.f32 $1.442695020e+00, v11;
	v11 =	vadd.f32 v6, v6  }
0xe6: {  	(erf) = vpow2.f32 v0;
	v0 =	vmul.f32 $1.442695020e+00, v10;
	v10 =	vadd.f32 v5, v5  }
0xe7: {  	(erf) = vpow2.f32 v9;
	v9 =	vmul.f32 $1.442695020e+00, v11;
	v11 =	vadd.f32 v4, v4  }
0xe8: {  	(erf) = vpow2.f32 v0;
	v0 =	vmul.f32 $1.442695020e+00, v10;
	v10 =	vadd.f32 v2, v2  }
0xe9: {  	(erf) = vpow2.f32 v9;
	v9 =	vmul.f32 $1.442695020e+00, v11;
	v11 =	vadd.f32 v3, v3;
	_ =	sdelay $0x1  }
0xea: {  	(erf) = vpow2.f32 v0;
	v0 =	vmul.f32 $1.442695020e+00, v10  }
0xeb: {  	v10 =	vpop (erf);
	(erf) = vpow2.f32 v9;
	v9 =	vmul.f32 $1.442695020e+00, v11  }
0xec: {  	v11 =	vpop (erf);
	(erf) = vpow2.f32 v0;
	v0 =	vadd.f32 $1.000000000e+00, v10  }
0xed: {  	v10 =	vpop (erf);
	(erf) = vpow2.f32 v9;
	v9 =	vadd.f32 $1.000000000e+00, v11  }
0xee: {  	v61 =	vadd.s32 s14, v56;
	v11 =	vpop (erf);
	(erf) = vrcp.f32 v0;
	v0 =	vadd.f32 $1.000000000e+00, v10  }
0xef: {  	v10 =	vpop (erf);
	(erf) = vrcp.f32 v9;
	v9 =	vadd.f32 $1.000000000e+00, v11;
	v11 =	vadd.s32 s14, v48  }
0xf0: {  	v12 =	vpop (erf);
	(erf) = vrcp.f32 v0;
	v0 =	vadd.f32 $1.000000000e+00, v10;
	v10 =	vadd.s32 s14, v1  }
0xf1: {  	v40 =	vpop (erf);
	(erf) = vrcp.f32 v9;
	v9 =	vadd.f32 $1.000000000e+00, v12;
	v12 =	vadd.s32 s14, v50  }
0xf2: {  	v42 =	vadd.s32 s14, v51;
	v41 =	vpop (erf);
	(erf) = vrcp.f32 v0;
	v0 =	vadd.f32 $1.000000000e+00, v40  }
0xf3: {  	v26 =	vld.idx.msk [tilespmem:v61+s2+$0x0], $0xffff;
	v44 =	vadd.s32 s14, v52;
	v43 =	vpop (erf);
	(erf) = vrcp.f32 v9;
	v9 =	vadd.f32 $1.000000000e+00, v41  }
0xf4: {  	v45 =	vpop (erf);
	(erf) = vrcp.f32 v0;
	v0 =	vadd.f32 $1.000000000e+00, v43;
	v20 =	vld.idx.msk [tilespmem:v11+s2+$0x0], $0xffff;
	v11 =	vadd.s32 s14, v53  }
0xf5: {  	v46 =	vpop (erf);
	(erf) = vrcp.f32 v9;
	v9 =	vadd.f32 $1.000000000e+00, v45;
	v21 =	vld.idx.msk [tilespmem:v10+s2+$0x0], $0xffff;
	v10 =	vadd.s32 s14, v54  }
0xf6: {  	v47 =	vpop (erf);
	(erf) = vrcp.f32 v0;
	v0 =	vadd.f32 $1.000000000e+00, v46;
	v23 =	vld.idx.msk [tilespmem:v12+s2+$0x0], $0xffff;
	v12 =	vadd.s32 s14, v55  }
0xf7: {  	v37 =	vld.idx.msk [tilespmem:v42+s2+$0x0], $0xffff;
	(erf) = vrcp.f32 v9;
	v9 =	vadd.f32 $1.000000000e+00, v47  }
0xf8: {  	v24 =	vld.idx.msk [tilespmem:v44+s2+$0x0], $0xffff;
	v35 =	vpop (erf);
	(erf) = vrcp.f32 v0;
	v0 =	vadd.s32 s14, v57  }
0xf9: {  	v31 =	vpop (erf);
	(erf) = vrcp.f32 v9;
	v19 =	vld.idx.msk [tilespmem:v11+s2+$0x0], $0xffff;
	v9 =	vadd.s32 s14, v58;
	v11 =	vadd.f32 v20, v20  }
0xfa: {  	v39 =	vadd.f32 $1.000000000e+00, v35;
	v38 =	vpop (erf);
	v25 =	vld.idx.msk [tilespmem:v10+s2+$0x0], $0xffff;
	v10 =	vadd.s32 s14, v49;
	v40 =	vadd.f32 v21, v21  }
0xfb: {  	v22 =	vpop (erf);
	v34 =	vld.idx.msk [tilespmem:v12+s2+$0x0], $0xffff;
	v12 =	vadd.s32 s14, v59;
	v11 =	vmul.f32 $1.442695020e+00, v11;
	v41 =	vadd.f32 v23, v23  }
0xfc: {  	v43 =	vadd.f32 v37, v37;
	(erf) = vrcp.f32 v39;
	v32 =	vpop (erf);
	v42 =	vmul.f32 $1.442695020e+00, v40  }
0xfd: {  	[tilespmem:$0x1FC50] =	vst v7;
	v44 =	vadd.f32 v24, v24;
	v33 =	vpop (erf);
	v7 =	vld.idx.msk [tilespmem:v0+s2+$0x0], $0xffff;
	(erf) = vpow2.f32 v11;
	v11 =	vmul.f32 $1.442695020e+00, v41  }
0xfe: {  	v46 =	vadd.f32 v26, v26;
	v30 =	vpop (erf);
	v27 =	vld.idx.msk [tilespmem:v9+s2+$0x0], $0xffff;
	(erf) = vpow2.f32 v42;
	v9 =	vmul.f32 $1.442695020e+00, v43  }
0xff: {  	v45 =	vadd.f32 v19, v19;
	v35 =	vpop (erf);
	v28 =	vld.idx.msk [tilespmem:v10+s2+$0x0], $0xffff;
	(erf) = vpow2.f32 v11;
	v11 =	vadd.f32 v25, v25  }
0x100: {  	v39 =	vmul.f32 $1.442695020e+00, v46;
	v10 =	vmul.f32 $1.442695020e+00, v44;
	v29 =	vld.idx.msk [tilespmem:v12+s2+$0x0], $0xffff;
	v12 =	vadd.f32 v34, v34  }
0x101: {  	v36 =	vpop (erf);
	(erf) = vpow2.f32 v9;
	v9 =	vmul.f32 $1.442695020e+00, v45  }
0x102: {  	v18 =	vpop (erf);
	(erf) = vpow2.f32 v10;
	v10 =	vmul.f32 $1.442695020e+00, v11  }
0x103: {  	v47 =	vmul.f32 $1.442695020e+00, v12;
	v11 =	vpop (erf);
	(erf) = vpow2.f32 v9;
	v61 =	vadd.f32 v27, v27  }
0x104: {  	v49 =	vadd.f32 v7, v7;
	v12 =	vpop (erf);
	(erf) = vpow2.f32 v10;
	v46 =	vadd.f32 v28, v28  }
0x105: {  	v0 =	vpop (erf);
	(erf) = vpow2.f32 v47  }
0x106: {  	v45 =	vmul.f32 $1.442695020e+00, v49;
	[tilespmem:$0x1FC70] =	vst v0;
	v0 =	vpop (erf)  }
0x107: {  	v47 =	vmul.f32 $1.442695020e+00, v61;
	v49 =	vadd.f32 v29, v29;
	(erf) = vpow2.f32 v39;
	v61 =	vpop (erf)  }
0x108: {  	(erf) = vpow2.f32 v45;
	v45 =	vmul.f32 $1.442695020e+00, v46;
	v46 =	vpop (erf)  }
0x109: {  	(erf) = vpow2.f32 v47;
	v47 =	vmul.f32 $1.442695020e+00, v49;
	v42 =	vpop (erf)  }
0x10a: {  	v49 =	vadd.f32 $1.000000000e+00, v61;
	(erf) = vpow2.f32 v45;
	v61 =	vpop (erf)  }
0x10b: {  	(erf) = vpow2.f32 v47;
	v39 =	vpop (erf)  }
0x10c: {  	v41 =	vadd.f32 $1.000000000e+00, v46;
	(erf) = vrcp.f32 v49;
	v40 =	vpop (erf)  }
0x10d: {  	v44 =	vpop (erf)  }
0x10e: {  	v45 =	vpop (erf);
	(erf) = vrcp.f32 v41  }
0x10f: {  	v42 =	vadd.f32 $1.000000000e+00, v42  }
0x110: {  	v41 =	vpop (erf)  }
0x111: {  	v46 =	vpop (erf)  }
0x112: {  	v47 =	vpop (erf)  }
0x113: {  	v43 =	vadd.f32 $1.000000000e+00, v61;
	(erf) = vrcp.f32 v42;
	v42 =	vpop (erf)  }
0x114: {  	v10 =	vmov v48;
	v39 =	vadd.f32 $1.000000000e+00, v39;
	v48 =	vpop (erf)  }
0x115: {  	v40 =	vadd.f32 $1.000000000e+00, v40;
	v61 =	vpop (erf);
	(erf) = vrcp.f32 v43  }
0x116: {  	v49 =	vadd.f32 v61, v61;
	(erf) = vrcp.f32 v39  }
0x117: {  	v43 =	vadd.f32 $1.000000000e+00, v44;
	v39 =	vadd.f32 v31, v31;
	v61 =	vpop (erf);
	(erf) = vrcp.f32 v40  }
0x118: {  	v44 =	vmul.f32 $8.000000000e+00, v49;
	v31 =	vadd.f32 v61, v61;
	v61 =	vadd.f32 $1.000000000e+00, v45  }
0x119: {  	(erf) = vrcp.f32 v43  }
0x11a: {  	v40 =	vadd.f32 v38, v38;
	v38 =	vsub.f32 $1.650000000e+01, v44;
	(erf) = vrcp.f32 v61  }
0x11b: {  	v41 =	vadd.f32 $1.000000000e+00, v41;
	v43 =	vmul.f32 $8.000000000e+00, v31;
	v61 =	vmul.f32 $8.000000000e+00, v39  }
0x11c: {  	v32 =	vadd.f32 v32, v32;
	v44 =	vpop (erf);
	v38 =	vtrunc.f32 v38  }
0x11d: {  	(erf) = vrcp.f32 v41;
	v44 =	vadd.f32 v44, v44;
	v41 =	vsub.f32 $1.650000000e+01, v43  }
0x11e: {  	[tilespmem:$0x1FC90] =	vst v6;
	v9 =	vmovc v51;
	v46 =	vadd.f32 $1.000000000e+00, v46;
	v43 =	vcvt.f32.s32 v38;
	v38 =	vmul.f32 $8.000000000e+00, v40  }
0x11f: {  	[tilespmem:$0x1FC60] =	vst v8;
	v45 =	vsub.f32 $1.650000000e+01, v61;
	v61 =	vpop (erf);
	v51 =	vmul.f32 $8.000000000e+00, v44;
	v41 =	vtrunc.f32 v41  }
0x120: {  	[tilespmem:$0x1FCA0] =	vst v5;
	v8 =	vmovc v50;
	(erf) = vrcp.f32 v46;
	v50 =	vadd.f32 v61, v61;
	v41 =	vcvt.f32.s32 v41  }
0x121: {  	[tilespmem:$0x1FCB0] =	vst v4;
	v6 =	vmovc v52;
	v5 =	vmovc v55;
	v4 =	vmov v54;
	v47 =	vadd.f32 $1.000000000e+00, v47;
	v51 =	vsub.f32 $1.650000000e+01, v51  }
0x122: {  	v46 =	vsub.f32 $1.650000000e+01, v38;
	v38 =	vtrunc.f32 v45;
	v61 =	vpop (erf);
	v54 =	vmul.f32 $8.000000000e+00, v50  }
0x123: {  	v42 =	vadd.f32 $1.000000000e+00, v42;
	(erf) = vrcp.f32 v47;
	v45 =	vpop (erf);
	v51 =	vtrunc.f32 v51  }
0x124: {  	[tilespmem:$0x1FCC0] =	vst v2;
	v52 =	vadd.f32 v61, v61;
	v61 =	vpop (erf);
	v47 =	vsub.f32 $1.650000000e+01, v54;
	v51 =	vcvt.f32.s32 v51  }
0x125: {  	[tilespmem:$0x1FCD0] =	vst v3;
	v2 =	vmov v53;
	v48 =	vadd.f32 $1.000000000e+00, v48;
	v53 =	vadd.f32 v61, v61;
	v55 =	vld.idx.msk [tilespmem:v43+s10+$0x0], $0xffff;
	v61 =	vpop (erf)  }
0x126: {  	v3 =	vmovc v56;
	v1 =	vmovc v58;
	v54 =	vadd.f32 v61, v61;
	v61 =	vmul.f32 $8.000000000e+00, v52;
	v47 =	vtrunc.f32 v47;
	v58 =	vld.idx.msk [tilespmem:v41+s10+$0x0], $0xffff  }
0x127: {  	[tilespmem:$0x1FC80] =	vst v0;
	v0 =	vmovc v57;
	v49 =	vsub.f32 $1.000000000e+00, v49;
	v45 =	vadd.f32 v45, v45;
	v43 =	vld.idx.msk [tilespmem:v43+s9+$0x0], $0xffff;
	v47 =	vcvt.f32.s32 v47  }
0x128: {  	v31 =	vsub.f32 $1.000000000e+00, v31;
	(erf) = vrcp.f32 v42;
	v56 =	vpop (erf);
	v41 =	vld.idx.msk [tilespmem:v41+s9+$0x0], $0xffff;
	v42 =	vsub.f32 $1.650000000e+01, v61  }
0x129: {  	v44 =	vsub.f32 $1.000000000e+00, v44;
	(erf) = vrcp.f32 v48;
	v57 =	vpop (erf);
	v61 =	vmul.f32 $8.000000000e+00, v45  }
0x12a: {  	v49 =	vmul.f32 v55, v49;
	v55 =	vadd.f32 v57, v57;
	v42 =	vtrunc.f32 v42;
	v57 =	vld.idx.msk [tilespmem:v51+s10+$0x0], $0xffff  }
0x12b: {  	v48 =	vsub.f32 $1.650000000e+01, v61;
	v42 =	vcvt.f32.s32 v42;
	v31 =	vmul.f32 v58, v31  }
0x12c: {  	v61 =	vmul.f32 $8.000000000e+00, v54;
	v43 =	vadd.f32 v49, v43;
	v49 =	vmul.f32 $8.000000000e+00, v53;
	v51 =	vld.idx.msk [tilespmem:v51+s9+$0x0], $0xffff  }
0x12d: {  	v56 =	vadd.f32 v56, v56;
	v48 =	vtrunc.f32 v48;
	v31 =	vadd.f32 v31, v41;
	v41 =	vld.idx.msk [tilespmem:v47+s10+$0x0], $0xffff  }
0x12e: {  	v58 =	vsub.f32 $1.650000000e+01, v61;
	v49 =	vsub.f32 $1.650000000e+01, v49;
	v48 =	vcvt.f32.s32 v48  }
0x12f: {  	v50 =	vsub.f32 $1.000000000e+00, v50;
	v61 =	vmul.f32 $8.000000000e+00, v56;
	v47 =	vld.idx.msk [tilespmem:v47+s9+$0x0], $0xffff;
	v44 =	vmul.f32 v57, v44  }
0x130: {  	v20 =	vadd.f32 v43, v20;
	v58 =	vtrunc.f32 v58;
	v49 =	vtrunc.f32 v49  }
0x131: {  	v43 =	vpop (erf);
	v49 =	vcvt.f32.s32 v49;
	v57 =	vsub.f32 $1.650000000e+01, v61;
	v44 =	vadd.f32 v44, v51;
	v51 =	vld.idx.msk [tilespmem:v42+s10+$0x0], $0xffff  }
0x132: {  	v58 =	vcvt.f32.s32 v58;
	v21 =	vadd.f32 v31, v21;
	v31 =	vpop (erf);
	v41 =	vmul.f32 v41, v50  }
0x133: {  	v61 =	vmovc v62;
	v62 =	vmovc v59;
	v42 =	vld.idx.msk [tilespmem:v42+s9+$0x0], $0xffff;
	v57 =	vtrunc.f32 v57;
	v59 =	vadd.f32 v31, v31;
	v31 =	vsub.f32 $1.000000000e+00, v52  }
0x134: {  	v52 =	vcvt.f32.s32 v57;
	v57 =	vmul.f32 $8.000000000e+00, v55;
	v41 =	vadd.f32 v41, v47;
	v47 =	vld.idx.msk [tilespmem:v48+s10+$0x0], $0xffff  }
0x135: {  	v46 =	vtrunc.f32 v46;
	v45 =	vsub.f32 $1.000000000e+00, v45;
	v43 =	vadd.f32 v43, v43  }
0x136: {  	v54 =	vsub.f32 $1.000000000e+00, v54;
	v48 =	vld.idx.msk [tilespmem:v48+s9+$0x0], $0xffff;
	v57 =	vsub.f32 $1.650000000e+01, v57;
	v51 =	vmul.f32 v51, v31  }
0x137: {  	v31 =	vadd.f32 v44, v23;
	v44 =	vmul.f32 $8.000000000e+00, v43;
	v23 =	vadd.f32 v41, v37;
	v37 =	vld.idx.msk [tilespmem:v49+s10+$0x0], $0xffff  }
0x138: {  	v53 =	vsub.f32 $1.000000000e+00, v53;
	v41 =	vcvt.f32.s32 v46;
	v42 =	vadd.f32 v51, v42;
	v51 =	vld.idx.msk [tilespmem:v58+s10+$0x0], $0xffff  }
0x139: {  	v50 =	vpop (erf);
	v49 =	vld.idx.msk [tilespmem:v49+s9+$0x0], $0xffff;
	v46 =	vtrunc.f32 v57;
	v44 =	vsub.f32 $1.650000000e+01, v44;
	v45 =	vmul.f32 v47, v45  }
0x13a: {  	v50 =	vadd.f32 v50, v50;
	v57 =	vld.idx.msk [tilespmem:v58+s9+$0x0], $0xffff;
	v46 =	vcvt.f32.s32 v46;
	v47 =	vmul.f32 $8.000000000e+00, v59  }
0x13b: {  	v24 =	vadd.f32 v42, v24;
	v44 =	vtrunc.f32 v44;
	v45 =	vadd.f32 v45, v48;
	v48 =	vld.idx.msk [tilespmem:v52+s10+$0x0], $0xffff  }
0x13c: {  	v37 =	vmul.f32 v37, v53;
	v47 =	vsub.f32 $1.650000000e+01, v47;
	v44 =	vcvt.f32.s32 v44  }
0x13d: {  	v42 =	vmul.f32 $8.000000000e+00, v50;
	v19 =	vadd.f32 v45, v19;
	v45 =	vmul.f32 v51, v54  }
0x13e: {  	v51 =	vld.idx.msk [tilespmem:v52+s9+$0x0], $0xffff;
	v37 =	vadd.f32 v37, v49;
	v49 =	vsub.f32 $1.000000000e+00, v56;
	v47 =	vtrunc.f32 v47  }
0x13f: {  	v42 =	vsub.f32 $1.650000000e+01, v42;
	v47 =	vcvt.f32.s32 v47;
	v45 =	vadd.f32 v45, v57  }
0x140: {  	v38 =	vcvt.f32.s32 v38;
	v25 =	vadd.f32 v37, v25;
	v37 =	vmul.f32 v48, v49;
	v48 =	vld.idx.msk [tilespmem:v41+s10+$0x0], $0xffff  }
0x141: {  	v42 =	vtrunc.f32 v42;
	v49 =	vadd.f32 v22, v22;
	v22 =	vadd.f32 v45, v34;
	v34 =	vld.idx.msk [tilespmem:v46+s10+$0x0], $0xffff  }
0x142: {  	v33 =	vadd.f32 v33, v33;
	v39 =	vsub.f32 $1.000000000e+00, v39;
	v42 =	vcvt.f32.s32 v42;
	v45 =	vld.idx.msk [tilespmem:v44+s10+$0x0], $0xffff  }
0x143: {  	v40 =	vsub.f32 $1.000000000e+00, v40;
	v46 =	vld.idx.msk [tilespmem:v46+s9+$0x0], $0xffff;
	v37 =	vadd.f32 v37, v51  }
0x144: {  	v43 =	vsub.f32 $1.000000000e+00, v43;
	v44 =	vld.idx.msk [tilespmem:v44+s9+$0x0], $0xffff;
	v51 =	vsub.f32 $1.000000000e+00, v55  }
0x145: {  	v50 =	vsub.f32 $1.000000000e+00, v50;
	v26 =	vadd.f32 v37, v26;
	v37 =	vld.idx.msk [tilespmem:v47+s10+$0x0], $0xffff  }
0x146: {  	v52 =	vld.idx.msk [tilespmem:v38+s10+$0x0], $0xffff;
	v40 =	vmul.f32 v48, v40;
	v48 =	vadd.f32 v30, v30;
	v30 =	vmul.f32 v34, v51  }
0x147: {  	v51 =	vadd.f32 v36, v36;
	v36 =	vmul.f32 v45, v43;
	v43 =	vmul.f32 $8.000000000e+00, v49  }
0x148: {  	v34 =	vld.idx.msk [tilespmem:v42+s10+$0x0], $0xffff;
	v45 =	vmul.f32 $8.000000000e+00, v32;
	v30 =	vadd.f32 v30, v46;
	v46 =	vsub.f32 $1.000000000e+00, v59  }
0x149: {  	v47 =	vld.idx.msk [tilespmem:v47+s9+$0x0], $0xffff;
	v59 =	vmovc v62;
	v62 =	vmovc v61;
	v36 =	vadd.f32 v36, v44;
	v61 =	vmul.f32 $8.000000000e+00, v33;
	v43 =	vsub.f32 $1.650000000e+01, v43  }
0x14a: {  	v42 =	vld.idx.msk [tilespmem:v42+s9+$0x0], $0xffff;
	v45 =	vsub.f32 $1.650000000e+01, v45;
	v37 =	vmul.f32 v37, v46;
	v46 =	vsub.f32 $1.000000000e+00, v49  }
0x14b: {  	v39 =	vmul.f32 v52, v39;
	v44 =	vsub.f32 $1.650000000e+01, v61;
	v30 =	vadd.f32 v30, v7  }
0x14c: {  	v43 =	vtrunc.f32 v43;
	v27 =	vadd.f32 v36, v27;
	v45 =	vtrunc.f32 v45  }
0x14d: {  	v49 =	vsub.f32 $1.000000000e+00, v32;
	v61 =	vadd.f32 v20, v20;
	v34 =	vmul.f32 v34, v50  }
0x14e: {  	v43 =	vcvt.f32.s32 v43;
	v32 =	vcvt.f32.s32 v45;
	v37 =	vadd.f32 v37, v47  }
0x14f: {  	v50 =	vadd.f32 v21, v21;
	v44 =	vtrunc.f32 v44;
	v34 =	vadd.f32 v34, v42  }
0x150: {  	v28 =	vadd.f32 v37, v28;
	v37 =	vmul.f32 $1.442695020e+00, v61;
	v61 =	vadd.f32 v31, v31  }
0x151: {  	v29 =	vadd.f32 v34, v29;
	v34 =	vmul.f32 $1.442695020e+00, v50;
	v50 =	vadd.f32 v23, v23  }
0x152: {  	(erf) = vpow2.f32 v37;
	v37 =	vmul.f32 $1.442695020e+00, v61;
	v61 =	vadd.f32 v24, v24  }
0x153: {  	(erf) = vpow2.f32 v34;
	v34 =	vmul.f32 $1.442695020e+00, v50;
	v50 =	vadd.f32 v19, v19  }
0x154: {  	(erf) = vpow2.f32 v37;
	v37 =	vmul.f32 $1.442695020e+00, v61;
	v61 =	vadd.f32 v25, v25  }
0x155: {  	v38 =	vld.idx.msk [tilespmem:v38+s9+$0x0], $0xffff;
	(erf) = vpow2.f32 v34;
	v34 =	vmul.f32 $1.442695020e+00, v50;
	v50 =	vadd.f32 v22, v22  }
0x156: {  	(erf) = vpow2.f32 v37;
	v37 =	vmul.f32 $1.442695020e+00, v61;
	v61 =	vadd.f32 v26, v26  }
0x157: {  	(erf) = vpow2.f32 v34;
	v34 =	vmul.f32 $1.442695020e+00, v50;
	v50 =	vadd.f32 v30, v30  }
0x158: {  	v35 =	vadd.f32 v35, v35;
	v44 =	vcvt.f32.s32 v44;
	(erf) = vpow2.f32 v37  }
0x159: {  	v37 =	vmul.f32 $1.442695020e+00, v61;
	v61 =	vadd.f32 v27, v27;
	v50 =	vmul.f32 $1.442695020e+00, v50  }
0x15a: {  	v57 =	vmovc v0;
	v41 =	vld.idx.msk [tilespmem:v41+s9+$0x0], $0xffff;
	v38 =	vadd.f32 v39, v38;
	v0 =	vmul.f32 $8.000000000e+00, v48;
	v42 =	vadd.f32 v28, v28  }
0x15b: {  	v45 =	vadd.f32 v29, v29;
	v39 =	vld.idx.msk [tilespmem:v43+s10+$0x0], $0xffff;
	(erf) = vpow2.f32 v34;
	v61 =	vmul.f32 $1.442695020e+00, v61  }
0x15c: {  	v0 =	vsub.f32 $1.650000000e+01, v0;
	v42 =	vmul.f32 $1.442695020e+00, v42;
	(erf) = vpow2.f32 v37  }
0x15d: {  	v17 =	vadd.f32 v38, v17;
	v45 =	vmul.f32 $1.442695020e+00, v45;
	(erf) = vpow2.f32 v50;
	v50 =	vpop (erf)  }
0x15e: {  	v36 =	vmul.f32 $8.000000000e+00, v35;
	v0 =	vtrunc.f32 v0;
	v38 =	vld.idx.msk [tilespmem:v32+s10+$0x0], $0xffff;
	v34 =	vadd.f32 $1.000000000e+00, v50  }
0x15f: {  	v40 =	vadd.f32 v40, v41;
	v0 =	vcvt.f32.s32 v0;
	v41 =	vld.idx.msk [tilespmem:v44+s10+$0x0], $0xffff;
	(erf) = vpow2.f32 v61;
	v61 =	vpop (erf)  }
0x160: {  	v39 =	vmul.f32 v39, v46;
	(erf) = vpow2.f32 v42;
	v50 =	vld.idx.msk [tilespmem:v32+s9+$0x0], $0xffff;
	v42 =	vpop (erf)  }
0x161: {  	v43 =	vld.idx.msk [tilespmem:v43+s9+$0x0], $0xffff;
	(erf) = vpow2.f32 v45;
	v61 =	vadd.f32 $1.000000000e+00, v61;
	v45 =	vpop (erf);
	v42 =	vadd.f32 $1.000000000e+00, v42  }
0x162: {  	v33 =	vsub.f32 $1.000000000e+00, v33;
	v46 =	vmul.f32 $8.000000000e+00, v51;
	(erf) = vrcp.f32 v34;
	v34 =	vpop (erf)  }
0x163: {  	v36 =	vsub.f32 $1.650000000e+01, v36;
	v38 =	vmul.f32 v38, v49;
	v37 =	vld.idx.msk [tilespmem:v44+s9+$0x0], $0xffff;
	v44 =	vpop (erf);
	(erf) = vrcp.f32 v61  }
0x164: {  	v41 =	vmul.f32 v41, v33;
	v32 =	vadd.f32 v40, v16;
	v40 =	vpop (erf);
	(erf) = vrcp.f32 v42  }
0x165: {  	v36 =	vtrunc.f32 v36;
	v16 =	vsub.f32 $1.650000000e+01, v46;
	v38 =	vadd.f32 v38, v50;
	v42 =	vpop (erf)  }
0x166: {  	v47 =	vcvt.f32.s32 v36;
	v61 =	vadd.f32 v39, v43;
	v43 =	vpop (erf)  }
0x167: {  	v46 =	vsub.f32 $1.000000000e+00, v48;
	v16 =	vtrunc.f32 v16;
	v39 =	vld.idx.msk [tilespmem:v0+s10+$0x0], $0xffff;
	v48 =	vpop (erf)  }
0x168: {  	v36 =	vadd.f32 v18, v18;
	v37 =	vadd.f32 v41, v37;
	v16 =	vcvt.f32.s32 v16;
	v41 =	vpop (erf)  }
0x169: {  	v0 =	vld.idx.msk [tilespmem:v0+s9+$0x0], $0xffff;
	v33 =	vadd.f32 v61, v15;
	v18 =	vadd.f32 v38, v13;
	v38 =	vpop (erf)  }
0x16a: {  	v13 =	vadd.f32 v37, v14;
	v61 =	vadd.f32 $1.000000000e+00, v45;
	v14 =	vpop (erf)  }
0x16b: {  	v35 =	vsub.f32 $1.000000000e+00, v35;
	v34 =	vadd.f32 $1.000000000e+00, v34;
	v49 =	vpop (erf)  }
0x16c: {  	v15 =	vld.idx.msk [tilespmem:v47+s10+$0x0], $0xffff;
	v39 =	vmul.f32 v39, v46;
	(erf) = vrcp.f32 v61;
	v61 =	vadd.f32 $1.000000000e+00, v44;
	v44 =	vpop (erf)  }
0x16d: {  	v46 =	vadd.f32 v49, v49;
	(erf) = vrcp.f32 v34;
	v34 =	vadd.f32 $1.000000000e+00, v40;
	v40 =	vld.idx.msk [tilespmem:v47+s9+$0x0], $0xffff;
	v49 =	vpop (erf)  }
0x16e: {  	v0 =	vadd.f32 v39, v0;
	v47 =	vld.idx.msk [tilespmem:v16+s10+$0x0], $0xffff;
	v49 =	vadd.f32 v49, v49  }
0x16f: {  	v44 =	vadd.f32 v44, v44;
	(erf) = vrcp.f32 v61;
	v61 =	vmul.f32 $8.000000000e+00, v46  }
0x170: {  	v16 =	vld.idx.msk [tilespmem:v16+s9+$0x0], $0xffff;
	(erf) = vrcp.f32 v34;
	v34 =	vadd.f32 $1.000000000e+00, v42;
	v39 =	vmul.f32 $8.000000000e+00, v49  }
0x171: {  	v45 =	vsub.f32 $1.000000000e+00, v51;
	v37 =	vsub.f32 $1.650000000e+01, v61;
	v61 =	vmul.f32 $8.000000000e+00, v44  }
0x172: {  	(erf) = vrcp.f32 v34;
	v34 =	vadd.f32 v0, v63;
	v0 =	vsub.f32 $1.650000000e+01, v39  }
0x173: {  	v15 =	vmul.f32 v15, v35;
	v35 =	vadd.f32 $1.000000000e+00, v43;
	v47 =	vmul.f32 v47, v45  }
0x174: {  	v43 =	vsub.f32 $1.650000000e+01, v61;
	v37 =	vtrunc.f32 v37;
	v0 =	vtrunc.f32 v0  }
0x175: {  	v16 =	vadd.f32 v47, v16;
	v47 =	vadd.f32 $1.000000000e+00, v41;
	v41 =	vcvt.f32.s32 v0;
	v0 =	vld [tilespmem:$0x1FC50]  }
0x176: {  	v50 =	vmovc v8;
	(erf) = vrcp.f32 v35;
	v15 =	vadd.f32 v15, v40;
	v8 =	vcvt.f32.s32 v37  }
0x177: {  	v58 =	vmov v1;
	v1 =	vld [tilespmem:$0x1FC60];
	v35 =	vtrunc.f32 v43;
	v45 =	vpop (erf)  }
0x178: {  	v52 =	vmovc v6;
	v48 =	vadd.f32 $1.000000000e+00, v48;
	v40 =	vcvt.f32.s32 v35;
	v6 =	vadd.f32 v45, v45  }
0x179: {  	v14 =	vadd.f32 $1.000000000e+00, v14  }
0x17a: {  	(erf) = vrcp.f32 v48;
	v48 =	vmul.f32 $8.000000000e+00, v6;
	v0 =	vadd.f32 v15, v0;
	v15 =	vpop (erf)  }
0x17b: {  	v37 =	vadd.f32 $1.000000000e+00, v38;
	v7 =	vadd.f32 v15, v15  }
0x17c: {  	v35 =	vadd.f32 v16, v1;
	v39 =	vld.idx.msk [tilespmem:v8+s9+$0x0], $0xffff;
	v48 =	vsub.f32 $1.650000000e+01, v48;
	v15 =	vpop (erf)  }
0x17d: {  	v8 =	vld.idx.msk [tilespmem:v8+s10+$0x0], $0xffff;
	(erf) = vrcp.f32 v47;
	v16 =	vadd.f32 v15, v15;
	v15 =	vpop (erf);
	v43 =	vmul.f32 $8.000000000e+00, v7  }
0x17e: {  	v38 =	vld.idx.msk [tilespmem:v40+s10+$0x0], $0xffff;
	(erf) = vrcp.f32 v37;
	v37 =	vtrunc.f32 v48;
	v42 =	vadd.f32 v15, v15;
	v15 =	vpop (erf)  }
0x17f: {  	(erf) = vrcp.f32 v14;
	v45 =	vadd.f32 v15, v15;
	v15 =	vpop (erf);
	v14 =	vsub.f32 $1.650000000e+01, v43  }
0x180: {  	v37 =	vcvt.f32.s32 v37;
	v47 =	vadd.f32 v15, v15;
	v15 =	vld.idx.msk [tilespmem:v41+s10+$0x0], $0xffff;
	v43 =	vsub.f32 $1.000000000e+00, v46  }
0x181: {  	v44 =	vsub.f32 $1.000000000e+00, v44;
	v46 =	vmul.f32 $8.000000000e+00, v16;
	v14 =	vtrunc.f32 v14  }
0x182: {  	v40 =	vld.idx.msk [tilespmem:v40+s9+$0x0], $0xffff;
	v48 =	vsub.f32 $1.000000000e+00, v49;
	v8 =	vmul.f32 v8, v43;
	v49 =	vcvt.f32.s32 v14  }
0x183: {  	v6 =	vsub.f32 $1.000000000e+00, v6;
	v41 =	vld.idx.msk [tilespmem:v41+s9+$0x0], $0xffff;
	v38 =	vmul.f32 v38, v44;
	v43 =	vsub.f32 $1.650000000e+01, v46  }
0x184: {  	v44 =	vmul.f32 $8.000000000e+00, v42;
	v46 =	vmul.f32 $8.000000000e+00, v45;
	v8 =	vadd.f32 v8, v39;
	v14 =	vpop (erf)  }
0x185: {  	v15 =	vmul.f32 v15, v48;
	v48 =	vadd.f32 v14, v14;
	v14 =	vtrunc.f32 v43  }
0x186: {  	v43 =	vsub.f32 $1.650000000e+01, v44;
	v44 =	vsub.f32 $1.650000000e+01, v46;
	v46 =	vcvt.f32.s32 v14  }
0x187: {  	v14 =	vadd.f32 v8, v20;
	v8 =	vld.idx.msk [tilespmem:v37+s10+$0x0], $0xffff;
	v20 =	vadd.f32 v38, v40  }
0x188: {  	v38 =	vmul.f32 $8.000000000e+00, v47;
	v15 =	vadd.f32 v15, v41;
	v40 =	vtrunc.f32 v43;
	v41 =	vld.idx.msk [tilespmem:v49+s10+$0x0], $0xffff  }
0x189: {  	v7 =	vsub.f32 $1.000000000e+00, v7;
	v16 =	vsub.f32 $1.000000000e+00, v16;
	v39 =	vpop (erf);
	v37 =	vld.idx.msk [tilespmem:v37+s9+$0x0], $0xffff;
	v40 =	vcvt.f32.s32 v40  }
0x18a: {  	v39 =	vadd.f32 v39, v39;
	v43 =	vtrunc.f32 v44;
	v38 =	vsub.f32 $1.650000000e+01, v38;
	v44 =	vld.idx.msk [tilespmem:v49+s9+$0x0], $0xffff  }
0x18b: {  	v15 =	vadd.f32 v15, v31;
	v31 =	vmul.f32 $8.000000000e+00, v48;
	v43 =	vcvt.f32.s32 v43  }
0x18c: {  	v21 =	vadd.f32 v20, v21;
	v20 =	vtrunc.f32 v38;
	v6 =	vmul.f32 v8, v6;
	v8 =	vld.idx.msk [tilespmem:v46+s10+$0x0], $0xffff  }
0x18d: {  	v31 =	vsub.f32 $1.650000000e+01, v31;
	v7 =	vmul.f32 v41, v7;
	v41 =	vcvt.f32.s32 v20  }
0x18e: {  	v42 =	vsub.f32 $1.000000000e+00, v42;
	v49 =	vpop (erf);
	v6 =	vadd.f32 v6, v37;
	v20 =	vmul.f32 $8.000000000e+00, v39;
	v37 =	vld.idx.msk [tilespmem:v46+s9+$0x0], $0xffff  }
0x18f: {  	v49 =	vadd.f32 v49, v49;
	v38 =	vpop (erf);
	v31 =	vtrunc.f32 v31;
	v7 =	vadd.f32 v7, v44;
	v44 =	vld.idx.msk [tilespmem:v40+s10+$0x0], $0xffff  }
0x190: {  	v38 =	vadd.f32 v38, v38;
	v31 =	vcvt.f32.s32 v31;
	v46 =	vsub.f32 $1.650000000e+01, v20  }
0x191: {  	v20 =	vadd.f32 v6, v23;
	v23 =	vmul.f32 $8.000000000e+00, v49;
	v40 =	vld.idx.msk [tilespmem:v40+s9+$0x0], $0xffff;
	v8 =	vmul.f32 v8, v16  }
0x192: {  	v45 =	vsub.f32 $1.000000000e+00, v45;
	v16 =	vmul.f32 $8.000000000e+00, v38;
	v6 =	vadd.f32 v7, v24;
	v7 =	vld.idx.msk [tilespmem:v43+s10+$0x0], $0xffff  }
0x193: {  	v46 =	vtrunc.f32 v46;
	v23 =	vsub.f32 $1.650000000e+01, v23;
	v8 =	vadd.f32 v8, v37;
	v37 =	vld.idx.msk [tilespmem:v41+s10+$0x0], $0xffff  }
0x194: {  	v43 =	vld.idx.msk [tilespmem:v43+s9+$0x0], $0xffff;
	v24 =	vcvt.f32.s32 v46;
	v16 =	vsub.f32 $1.650000000e+01, v16;
	v42 =	vmul.f32 v44, v42  }
0x195: {  	v46 =	vsub.f32 $1.000000000e+00, v47;
	v23 =	vtrunc.f32 v23;
	v41 =	vld.idx.msk [tilespmem:v41+s9+$0x0], $0xffff;
	v44 =	vmul.f32 $8.000000000e+00, v36  }
0x196: {  	v1 =	vld [tilespmem:$0x1FC70];
	v23 =	vcvt.f32.s32 v23;
	v16 =	vtrunc.f32 v16;
	v40 =	vadd.f32 v42, v40  }
0x197: {  	v42 =	vld.idx.msk [tilespmem:v31+s10+$0x0], $0xffff;
	v45 =	vmul.f32 v7, v45;
	v44 =	vsub.f32 $1.650000000e+01, v44;
	v47 =	vcvt.f32.s32 v16  }
0x198: {  	v16 =	vadd.f32 v8, v19;
	v19 =	vld.idx.msk [tilespmem:v31+s9+$0x0], $0xffff;
	v31 =	vsub.f32 $1.000000000e+00, v48;
	v8 =	vmul.f32 v37, v46  }
0x199: {  	v7 =	vadd.f32 v40, v25;
	v37 =	vadd.f32 v45, v43  }
0x19a: {  	v40 =	vld.idx.msk [tilespmem:v24+s10+$0x0], $0xffff;
	v8 =	vadd.f32 v8, v41;
	v41 =	vadd.f32 v11, v11  }
0x19b: {  	v25 =	vtrunc.f32 v44;
	v11 =	vadd.f32 v37, v22;
	v22 =	vadd.f32 v12, v12;
	v12 =	vld.idx.msk [tilespmem:v24+s9+$0x0], $0xffff  }
0x19c: {  	v24 =	vmul.f32 v42, v31;
	v42 =	vsub.f32 $1.000000000e+00, v39;
	v39 =	vadd.f32 v1, v1;
	v1 =	vld [tilespmem:$0x1FC80]  }
0x19d: {  	v25 =	vcvt.f32.s32 v25  }
0x19e: {  	v31 =	vmul.f32 $8.000000000e+00, v41;
	v8 =	vadd.f32 v8, v26;
	v26 =	vld.idx.msk [tilespmem:v23+s10+$0x0], $0xffff  }
0x19f: {  	v51 =	vmov v9;
	v9 =	vadd.f32 v24, v19;
	v19 =	vld.idx.msk [tilespmem:v47+s10+$0x0], $0xffff  }
0x1a0: {  	v38 =	vsub.f32 $1.000000000e+00, v38;
	v48 =	vmovc v10;
	v37 =	vmul.f32 $8.000000000e+00, v22;
	v10 =	vsub.f32 $1.650000000e+01, v31  }
0x1a1: {  	v31 =	vmul.f32 v40, v42;
	v40 =	vsub.f32 $1.000000000e+00, v49;
	v24 =	vadd.f32 v1, v1  }
0x1a2: {  	v23 =	vld.idx.msk [tilespmem:v23+s9+$0x0], $0xffff;
	v37 =	vsub.f32 $1.650000000e+01, v37;
	v9 =	vadd.f32 v9, v30;
	v30 =	vmul.f32 $8.000000000e+00, v39  }
0x1a3: {  	v12 =	vadd.f32 v31, v12;
	v31 =	vld.idx.msk [tilespmem:v25+s10+$0x0], $0xffff;
	v26 =	vmul.f32 v26, v40;
	v40 =	vmul.f32 $8.000000000e+00, v24  }
0x1a4: {  	v10 =	vtrunc.f32 v10;
	v30 =	vsub.f32 $1.650000000e+01, v30;
	v19 =	vmul.f32 v19, v38;
	v38 =	vld.idx.msk [tilespmem:v47+s9+$0x0], $0xffff  }
0x1a5: {  	v37 =	vtrunc.f32 v37;
	v42 =	vcvt.f32.s32 v10;
	v40 =	vsub.f32 $1.650000000e+01, v40  }
0x1a6: {  	v10 =	vadd.f32 v12, v27;
	v27 =	vcvt.f32.s32 v37;
	v12 =	vtrunc.f32 v30  }
0x1a7: {  	v30 =	vsub.f32 $1.000000000e+00, v36;
	v36 =	vcvt.f32.s32 v12;
	v12 =	vtrunc.f32 v40  }
0x1a8: {  	v40 =	vadd.f32 v14, v14;
	v37 =	vcvt.f32.s32 v12;
	v12 =	vadd.f32 v26, v23  }
0x1a9: {  	v26 =	vmul.f32 v31, v30;
	v30 =	vadd.f32 v19, v38;
	v38 =	vadd.f32 v21, v21  }
0x1aa: {  	v23 =	vmul.f32 $1.442695020e+00, v40;
	v40 =	vadd.f32 v15, v15;
	v19 =	vadd.f32 v12, v28  }
0x1ab: {  	v12 =	vadd.f32 v30, v29;
	v29 =	vmul.f32 $1.442695020e+00, v38;
	v30 =	vadd.f32 v20, v20  }
0x1ac: {  	(erf) = vpow2.f32 v23;
	v38 =	vmul.f32 $1.442695020e+00, v40;
	v40 =	vadd.f32 v6, v6  }
0x1ad: {  	(erf) = vpow2.f32 v29;
	v29 =	vmul.f32 $1.442695020e+00, v30;
	v30 =	vadd.f32 v16, v16  }
0x1ae: {  	(erf) = vpow2.f32 v38;
	v38 =	vmul.f32 $1.442695020e+00, v40;
	v40 =	vadd.f32 v7, v7  }
0x1af: {  	(erf) = vpow2.f32 v29;
	v29 =	vmul.f32 $1.442695020e+00, v30;
	v30 =	vadd.f32 v11, v11  }
0x1b0: {  	(erf) = vpow2.f32 v38;
	v38 =	vmul.f32 $1.442695020e+00, v40;
	v40 =	vadd.f32 v8, v8  }
0x1b1: {  	v25 =	vld.idx.msk [tilespmem:v25+s9+$0x0], $0xffff;
	(erf) = vpow2.f32 v29;
	v29 =	vmul.f32 $1.442695020e+00, v30  }
0x1b2: {  	(erf) = vpow2.f32 v38;
	v38 =	vmul.f32 $1.442695020e+00, v40  }
0x1b3: {  	v53 =	vmov v2;
	v2 =	vld [tilespmem:$0x1FC90];
	(erf) = vpow2.f32 v29  }
0x1b4: {  	v30 =	vadd.f32 v9, v9;
	(erf) = vpow2.f32 v38;
	v38 =	vld.idx.msk [tilespmem:v42+s10+$0x0], $0xffff  }
0x1b5: {  	v40 =	vadd.f32 v10, v10  }
0x1b6: {  	v31 =	vld.idx.msk [tilespmem:v42+s9+$0x0], $0xffff;
	v25 =	vadd.f32 v26, v25;
	v29 =	vmul.f32 $1.442695020e+00, v30  }
0x1b7: {  	v30 =	vadd.f32 v19, v19;
	v23 =	vmul.f32 $1.442695020e+00, v40;
	v40 =	vsub.f32 $1.000000000e+00, v41  }
0x1b8: {  	v55 =	vmovc v5;
	v17 =	vadd.f32 $0.0e+00, v17;
	v5 =	vadd.f32 v25, v2;
	v2 =	vld [tilespmem:$0x1FCA0];
	(erf) = vpow2.f32 v29  }
0x1b9: {  	v28 =	vadd.f32 v12, v12;
	v29 =	vmul.f32 $1.442695020e+00, v30;
	v30 =	vld.idx.msk [tilespmem:v27+s10+$0x0], $0xffff;
	v38 =	vmul.f32 v38, v40;
	_ =	sdelay $0x1  }
0x1ba: {  	v17 =	vadd.f32 v32, v17;
	v28 =	vmul.f32 $1.442695020e+00, v28;
	v26 =	vpop (erf);
	v27 =	vld.idx.msk [tilespmem:v27+s9+$0x0], $0xffff;
	v31 =	vadd.f32 v38, v31  }
0x1bb: {  	v22 =	vsub.f32 $1.000000000e+00, v22;
	(erf) = vpow2.f32 v23;
	v26 =	vadd.f32 $1.000000000e+00, v26;
	v23 =	vpop (erf)  }
0x1bc: {  	v54 =	vmov v4;
	v23 =	vadd.f32 $1.000000000e+00, v23;
	v4 =	vadd.f32 v31, v2;
	v2 =	vld [tilespmem:$0x1FCB0]  }
0x1bd: {  	v32 =	vld.idx.msk [tilespmem:v36+s10+$0x0], $0xffff;
	(erf) = vpow2.f32 v29;
	v29 =	vpop (erf);
	v22 =	vmul.f32 v30, v22  }
0x1be: {  	v17 =	vadd.f32 v33, v17;
	v33 =	vld.idx.msk [tilespmem:v36+s9+$0x0], $0xffff;
	(erf) = vpow2.f32 v28;
	v28 =	vpop (erf)  }
0x1bf: {  	v25 =	vld.idx.msk [tilespmem:v37+s10+$0x0], $0xffff;
	(erf) = vrcp.f32 v26;
	v26 =	vpop (erf);
	v22 =	vadd.f32 v22, v27  }
0x1c0: {  	v36 =	vsub.f32 $1.000000000e+00, v39;
	(erf) = vrcp.f32 v23;
	v23 =	vpop (erf)  }
0x1c1: {  	v56 =	vmov v3;
	v17 =	vadd.f32 v18, v17;
	v30 =	vpop (erf);
	v3 =	vadd.f32 v22, v2;
	v2 =	vld [tilespmem:$0x1FCC0]  }
0x1c2: {  	v24 =	vsub.f32 $1.000000000e+00, v24;
	v27 =	vmul.f32 v32, v36;
	v38 =	vpop (erf)  }
0x1c3: {  	v29 =	vadd.f32 $1.000000000e+00, v29;
	v18 =	vpop (erf)  }
0x1c4: {  	v13 =	vadd.f32 v13, v17;
	v37 =	vld.idx.msk [tilespmem:v37+s9+$0x0], $0xffff;
	v24 =	vmul.f32 v25, v24;
	v25 =	vpop (erf);
	v22 =	vadd.f32 v27, v33  }
0x1c5: {  	(erf) = vrcp.f32 v29;
	v17 =	vpop (erf)  }
0x1c6: {  	v13 =	vadd.f32 v34, v13;
	v27 =	vpop (erf);
	v22 =	vadd.f32 v22, v2;
	v2 =	vld [tilespmem:$0x1FCD0]  }
0x1c7: {  	v28 =	vadd.f32 $1.000000000e+00, v28;
	v29 =	vpop (erf)  }
0x1c8: {  	v0 =	vadd.f32 v0, v13;
	v26 =	vadd.f32 $1.000000000e+00, v26;
	v31 =	vpop (erf)  }
0x1c9: {  	v24 =	vadd.f32 v24, v37;
	(erf) = vrcp.f32 v28;
	v13 =	vadd.f32 v31, v31  }
0x1ca: {  	v23 =	vadd.f32 $1.000000000e+00, v23;
	(erf) = vrcp.f32 v26;
	v31 =	vpop (erf)  }
0x1cb: {  	v28 =	vmul.f32 $8.000000000e+00, v13;
	v2 =	vadd.f32 v24, v2;
	v24 =	vadd.f32 v31, v31  }
0x1cc: {  	v0 =	vadd.f32 v35, v0;
	v26 =	vadd.f32 $1.000000000e+00, v30  }
0x1cd: {  	(erf) = vrcp.f32 v23;
	v28 =	vsub.f32 $1.650000000e+01, v28;
	v30 =	vmul.f32 $8.000000000e+00, v24  }
0x1ce: {  	v0 =	vadd.f32 v5, v0;
	(erf) = vrcp.f32 v26;
	v26 =	vadd.f32 $1.000000000e+00, v38;
	v31 =	vpop (erf)  }
0x1cf: {  	v28 =	vtrunc.f32 v28;
	v23 =	vadd.f32 v31, v31;
	v5 =	vsub.f32 $1.650000000e+01, v30  }
0x1d0: {  	v0 =	vadd.f32 v4, v0;
	v18 =	vadd.f32 $1.000000000e+00, v18;
	v4 =	vcvt.f32.s32 v28  }
0x1d1: {  	v25 =	vadd.f32 $1.000000000e+00, v25;
	v30 =	vmul.f32 $8.000000000e+00, v23;
	v5 =	vtrunc.f32 v5  }
0x1d2: {  	v0 =	vadd.f32 v3, v0;
	(erf) = vrcp.f32 v26;
	v26 =	vpop (erf);
	v5 =	vcvt.f32.s32 v5  }
0x1d3: {  	(erf) = vrcp.f32 v18;
	v3 =	vadd.f32 v26, v26;
	v28 =	vsub.f32 $1.650000000e+01, v30  }
0x1d4: {  	v17 =	vadd.f32 $1.000000000e+00, v17;
	v0 =	vadd.f32 v22, v0;
	(erf) = vrcp.f32 v25;
	v31 =	vpop (erf)  }
0x1d5: {  	v25 =	vadd.f32 v31, v31;
	v22 =	vmul.f32 $8.000000000e+00, v3;
	v30 =	vtrunc.f32 v28  }
0x1d6: {  	v27 =	vadd.f32 $1.000000000e+00, v27;
	(erf) = vrcp.f32 v17;
	v17 =	vld.idx.msk [tilespmem:v4+s10+$0x0], $0xffff;
	v18 =	vcvt.f32.s32 v30  }
0x1d7: {  	v0 =	vadd.f32 v2, v0;
	v2 =	vsub.f32 $1.650000000e+01, v22;
	v4 =	vld.idx.msk [tilespmem:v4+s9+$0x0], $0xffff;
	v30 =	vmul.f32 $8.000000000e+00, v25  }
0x1d8: {  	v29 =	vadd.f32 $1.000000000e+00, v29;
	v13 =	vsub.f32 $1.000000000e+00, v13;
	v22 =	vld.idx.msk [tilespmem:v5+s10+$0x0], $0xffff  }
0x1d9: {  	v24 =	vsub.f32 $1.000000000e+00, v24;
	v26 =	vpop (erf);
	v2 =	vtrunc.f32 v2;
	v30 =	vsub.f32 $1.650000000e+01, v30  }
0x1da: {  	v26 =	vadd.f32 v26, v26;
	(erf) = vrcp.f32 v27;
	v2 =	vcvt.f32.s32 v2;
	v28 =	vpop (erf)  }
0x1db: {  	v23 =	vsub.f32 $1.000000000e+00, v23;
	v31 =	vpop (erf);
	v13 =	vmul.f32 v17, v13;
	v30 =	vtrunc.f32 v30  }
0x1dc: {  	v3 =	vsub.f32 $1.000000000e+00, v3;
	v31 =	vadd.f32 v31, v31;
	v30 =	vcvt.f32.s32 v30;
	v27 =	vld.idx.msk [tilespmem:v18+s10+$0x0], $0xffff  }
0x1dd: {  	v5 =	vld.idx.msk [tilespmem:v5+s9+$0x0], $0xffff;
	v4 =	vadd.f32 v13, v4;
	v22 =	vmul.f32 v22, v24;
	v24 =	vmul.f32 $8.000000000e+00, v26  }
0x1de: {  	v25 =	vsub.f32 $1.000000000e+00, v25;
	v28 =	vadd.f32 v28, v28;
	v17 =	vpop (erf);
	(erf) = vrcp.f32 v29;
	v18 =	vld.idx.msk [tilespmem:v18+s9+$0x0], $0xffff  }
0x1df: {  	v29 =	vpop (erf);
	v4 =	vadd.f32 v4, v14;
	v14 =	vmul.f32 $8.000000000e+00, v31;
	v24 =	vsub.f32 $1.650000000e+01, v24  }
0x1e0: {  	v17 =	vadd.f32 v17, v17;
	v29 =	vadd.f32 v29, v29  }
0x1e1: {  	v14 =	vsub.f32 $1.650000000e+01, v14;
	v23 =	vmul.f32 v27, v23;
	v27 =	vld.idx.msk [tilespmem:v2+s10+$0x0], $0xffff;
	v24 =	vtrunc.f32 v24  }
0x1e2: {  	v13 =	vpop (erf);
	v5 =	vadd.f32 v22, v5;
	v22 =	vmul.f32 $8.000000000e+00, v28;
	v2 =	vld.idx.msk [tilespmem:v2+s9+$0x0], $0xffff;
	v24 =	vcvt.f32.s32 v24  }
0x1e3: {  	v13 =	vadd.f32 v13, v13;
	v14 =	vtrunc.f32 v14;
	v18 =	vadd.f32 v23, v18;
	v23 =	vld.idx.msk [tilespmem:v30+s10+$0x0], $0xffff  }
0x1e4: {  	v22 =	vsub.f32 $1.650000000e+01, v22;
	v5 =	vadd.f32 v5, v21;
	v21 =	vmul.f32 $8.000000000e+00, v17  }
0x1e5: {  	v26 =	vsub.f32 $1.000000000e+00, v26;
	v0 =	vadd.f32 v4, v0;
	v14 =	vcvt.f32.s32 v14  }
0x1e6: {  	v30 =	vld.idx.msk [tilespmem:v30+s9+$0x0], $0xffff;
	v21 =	vsub.f32 $1.650000000e+01, v21;
	v22 =	vtrunc.f32 v22;
	v3 =	vmul.f32 v27, v3  }
0x1e7: {  	v15 =	vadd.f32 v18, v15;
	v27 =	vmul.f32 $8.000000000e+00, v29;
	v22 =	vcvt.f32.s32 v22  }
0x1e8: {  	v18 =	vpop (erf);
	v2 =	vadd.f32 v3, v2;
	v3 =	vmul.f32 $8.000000000e+00, v13;
	v23 =	vmul.f32 v23, v25;
	v25 =	vld.idx.msk [tilespmem:v24+s10+$0x0], $0xffff  }
0x1e9: {  	v21 =	vtrunc.f32 v21;
	v18 =	vadd.f32 v18, v18;
	v27 =	vsub.f32 $1.650000000e+01, v27  }
0x1ea: {  	v21 =	vcvt.f32.s32 v21;
	v3 =	vsub.f32 $1.650000000e+01, v3;
	v24 =	vld.idx.msk [tilespmem:v24+s9+$0x0], $0xffff;
	v2 =	vadd.f32 v2, v20  }
0x1eb: {  	v20 =	vpop (erf);
	v23 =	vadd.f32 v23, v30;
	v30 =	vmul.f32 $8.000000000e+00, v18;
	v27 =	vtrunc.f32 v27  }
0x1ec: {  	v0 =	vadd.f32 v5, v0;
	v5 =	vld.idx.msk [tilespmem:v14+s10+$0x0], $0xffff;
	v20 =	vadd.f32 v20, v20;
	v27 =	vcvt.f32.s32 v27  }
0x1ed: {  	v4 =	vld.idx.msk [tilespmem:v22+s10+$0x0], $0xffff;
	v30 =	vsub.f32 $1.650000000e+01, v30;
	v3 =	vtrunc.f32 v3;
	v25 =	vmul.f32 v25, v26  }
0x1ee: {  	v14 =	vld.idx.msk [tilespmem:v14+s9+$0x0], $0xffff;
	v3 =	vcvt.f32.s32 v3;
	v26 =	vmul.f32 $8.000000000e+00, v20  }
0x1ef: {  	v22 =	vld.idx.msk [tilespmem:v22+s9+$0x0], $0xffff;
	v24 =	vadd.f32 v25, v24;
	v25 =	vsub.f32 $1.000000000e+00, v28;
	v28 =	vtrunc.f32 v30  }
0x1f0: {  	v0 =	vadd.f32 v15, v0;
	v6 =	vadd.f32 v23, v6;
	v15 =	vld.idx.msk [tilespmem:v21+s9+$0x0], $0xffff;
	v28 =	vcvt.f32.s32 v28  }
0x1f1: {  	v23 =	vsub.f32 $1.000000000e+00, v31;
	v21 =	vld.idx.msk [tilespmem:v21+s10+$0x0], $0xffff;
	v26 =	vsub.f32 $1.650000000e+01, v26  }
0x1f2: {  	v17 =	vsub.f32 $1.000000000e+00, v17;
	v0 =	vadd.f32 v2, v0;
	v2 =	vld.idx.msk [tilespmem:v27+s10+$0x0], $0xffff;
	v4 =	vmul.f32 v4, v25  }
0x1f3: {  	v5 =	vmul.f32 v5, v23;
	v16 =	vadd.f32 v24, v16;
	v24 =	vtrunc.f32 v26  }
0x1f4: {  	v0 =	vadd.f32 v6, v0;
	v23 =	vld.idx.msk [tilespmem:v27+s9+$0x0], $0xffff;
	v4 =	vadd.f32 v4, v22;
	v22 =	vcvt.f32.s32 v24  }
0x1f5: {  	v5 =	vadd.f32 v5, v14;
	v14 =	vsub.f32 $1.000000000e+00, v29;
	v6 =	vld.idx.msk [tilespmem:v3+s10+$0x0], $0xffff  }
0x1f6: {  	v0 =	vadd.f32 v16, v0;
	v4 =	vadd.f32 v4, v7;
	v7 =	vmul.f32 v21, v17;
	v16 =	vld.idx.msk [tilespmem:v28+s10+$0x0], $0xffff  }
0x1f7: {  	v5 =	vadd.f32 v5, v11;
	v11 =	vsub.f32 $1.000000000e+00, v13;
	v3 =	vld.idx.msk [tilespmem:v3+s9+$0x0], $0xffff;
	v2 =	vmul.f32 v2, v14  }
0x1f8: {  	v7 =	vadd.f32 v7, v15;
	v0 =	vadd.f32 v4, v0;
	v4 =	vld.idx.msk [tilespmem:v28+s9+$0x0], $0xffff  }
0x1f9: {  	v13 =	vsub.f32 $1.000000000e+00, v18;
	v2 =	vadd.f32 v2, v23  }
0x1fa: {  	v6 =	vmul.f32 v6, v11;
	v11 =	vld.idx.msk [tilespmem:v22+s10+$0x0], $0xffff;
	v7 =	vadd.f32 v7, v8;
	v0 =	vadd.f32 v5, v0  }
0x1fb: {  	v2 =	vadd.f32 v2, v9;
	v5 =	vmul.f32 v16, v13  }
0x1fc: {  	v3 =	vadd.f32 v6, v3;
	v6 =	vld.idx.msk [tilespmem:v22+s9+$0x0], $0xffff;
	v0 =	vadd.f32 v7, v0  }
0x1fd: {  	v16 =	vld [tilespmem:$0x1FDF0];
	v7 =	vsub.f32 $1.000000000e+00, v20;
	v4 =	vadd.f32 v5, v4  }
0x1fe: {  	v18 =	vld [tilespmem:$0x1FE00];
	v3 =	vadd.f32 v3, v10  }
0x1ff: {  	v0 =	vadd.f32 v2, v0;
	v5 =	vmul.f32 v11, v7;
	v2 =	vadd.f32 v4, v19;
	v19 =	vld [tilespmem:$0x1FE10]  }
0x200: {  	v20 =	vld [tilespmem:$0x1FE20]  }
0x201: {  	v21 =	vld [tilespmem:$0x1FE30];
	v4 =	vor.u32 s13, v60;
	v0 =	vadd.f32 v3, v0;
	v5 =	vadd.f32 v5, v6  }
0x202: {  	v22 =	vld [tilespmem:$0x1FE40];
	v3 =	vand.u32 v16, v4  }
0x203: {  	v23 =	vld [tilespmem:$0x1FE50];
	v0 =	vadd.f32 v2, v0;
	v2 =	vor.u32 s13, v18;
	v4 =	vadd.f32 v5, v12  }
0x204: {  	v24 =	vld [tilespmem:$0x1FE60];
	v5 =	vor.u32 s13, v19  }
0x205: {  	v25 =	vld [tilespmem:$0x1FE70];
	v0 =	vadd.f32 v4, v0;
	v4 =	vor.u32 s13, v20  }
0x206: {  	v26 =	vld [tilespmem:$0x1FE80];
	v6 =	vor.u32 s13, v21  }
0x207: {  	v27 =	vld [tilespmem:$0x1FE90];
	[tilespmem:v3+s11+$0x0] =	vst.idx.msk $0xffff, v0;
	v3 =	vor.u32 s13, v22  }
0x208: {  	v28 =	vld [tilespmem:$0x1FEA0];
	[tilespmem:v2+s11+$0x0] =	vst.idx.msk $0xffff, v0;
	v2 =	vor.u32 s13, v23  }
0x209: {  	v29 =	vld [tilespmem:$0x1FEB0];
	[tilespmem:v5+s11+$0x0] =	vst.idx.msk $0xffff, v0;
	v5 =	vor.u32 s13, v24  }
0x20a: {  	v30 =	vld [tilespmem:$0x1FEC0];
	[tilespmem:v4+s11+$0x0] =	vst.idx.msk $0xffff, v0;
	v4 =	vor.u32 s13, v25  }
0x20b: {  	v31 =	vld [tilespmem:$0x1FED0];
	[tilespmem:v6+s11+$0x0] =	vst.idx.msk $0xffff, v0;
	v6 =	vor.u32 s13, v26  }
0x20c: {  	v32 =	vld [tilespmem:$0x1FEE0];
	[tilespmem:v3+s11+$0x0] =	vst.idx.msk $0xffff, v0;
	v3 =	vor.u32 s13, v27  }
0x20d: {  	v33 =	vld [tilespmem:$0x1FEF0];
	[tilespmem:v2+s11+$0x0] =	vst.idx.msk $0xffff, v0;
	v2 =	vor.u32 s13, v28  }
0x20e: {  	v34 =	vld [tilespmem:$0x1FF00];
	[tilespmem:v5+s11+$0x0] =	vst.idx.msk $0xffff, v0;
	v5 =	vor.u32 s13, v29  }
0x20f: {  	v35 =	vld [tilespmem:$0x1FF10];
	[tilespmem:v4+s11+$0x0] =	vst.idx.msk $0xffff, v0;
	v4 =	vor.u32 s13, v30  }
0x210: {  	v36 =	vld [tilespmem:$0x1FF20];
	[tilespmem:v6+s11+$0x0] =	vst.idx.msk $0xffff, v0;
	v6 =	vor.u32 s13, v31  }
0x211: {  	v37 =	vld [tilespmem:$0x1FF30];
	[tilespmem:v3+s11+$0x0] =	vst.idx.msk $0xffff, v0;
	v3 =	vor.u32 s13, v32  }
0x212: {  	v38 =	vld [tilespmem:$0x1FF40];
	[tilespmem:v2+s11+$0x0] =	vst.idx.msk $0xffff, v0;
	v2 =	vor.u32 s13, v33  }
0x213: {  	v39 =	vld [tilespmem:$0x1FF50];
	[tilespmem:v5+s11+$0x0] =	vst.idx.msk $0xffff, v0;
	v5 =	vor.u32 s13, v34  }
0x214: {  	v40 =	vld [tilespmem:$0x1FF60];
	[tilespmem:v4+s11+$0x0] =	vst.idx.msk $0xffff, v0;
	v4 =	vor.u32 s13, v35  }
0x215: {  	v41 =	vld [tilespmem:$0x1FF70];
	[tilespmem:v6+s11+$0x0] =	vst.idx.msk $0xffff, v0;
	v6 =	vor.u32 s13, v36  }
0x216: {  	v42 =	vld [tilespmem:$0x1FF80];
	[tilespmem:v3+s11+$0x0] =	vst.idx.msk $0xffff, v0;
	v3 =	vor.u32 s13, v37  }
0x217: {  	v43 =	vld [tilespmem:$0x1FF90];
	[tilespmem:v2+s11+$0x0] =	vst.idx.msk $0xffff, v0;
	v2 =	vor.u32 s13, v38  }
0x218: {  	v44 =	vld [tilespmem:$0x1FFA0];
	[tilespmem:v5+s11+$0x0] =	vst.idx.msk $0xffff, v0;
	v5 =	vor.u32 s13, v39  }
0x219: {  	v45 =	vld [tilespmem:$0x1FFB0];
	[tilespmem:v4+s11+$0x0] =	vst.idx.msk $0xffff, v0;
	v4 =	vor.u32 s13, v40  }
0x21a: {  	v46 =	vld [tilespmem:$0x1FFC0];
	[tilespmem:v6+s11+$0x0] =	vst.idx.msk $0xffff, v0;
	v6 =	vor.u32 s13, v41  }
0x21b: {  	v47 =	vld [tilespmem:$0x1FFD0];
	[tilespmem:v3+s11+$0x0] =	vst.idx.msk $0xffff, v0;
	v3 =	vor.u32 s13, v42  }
0x21c: {  	[tilespmem:v2+s11+$0x0] =	vst.idx.msk $0xffff, v0;
	v2 =	vor.u32 s13, v43  }
0x21d: {  	[tilespmem:v5+s11+$0x0] =	vst.idx.msk $0xffff, v0;
	v5 =	vor.u32 s13, v44  }
0x21e: {  	[tilespmem:v4+s11+$0x0] =	vst.idx.msk $0xffff, v0;
	v4 =	vor.u32 s13, v45  }
0x21f: {  	[tilespmem:v6+s11+$0x0] =	vst.idx.msk $0xffff, v0;
	v6 =	vor.u32 s13, v46  }
0x220: {  	[tilespmem:v3+s11+$0x0] =	vst.idx.msk $0xffff, v0;
	v3 =	vor.u32 s13, v47  }
0x221: {  	v61 =	vld [tilespmem:$0x1FFE0];
	[tilespmem:v2+s11+$0x0] =	vst.idx.msk $0xffff, v0  }
0x222: {  	[tilespmem:v5+s11+$0x0] =	vst.idx.msk $0xffff, v0  }
0x223: {  	v63 =	vld [tilespmem:$0x1FFF0];
	[tilespmem:v4+s11+$0x0] =	vst.idx.msk $0xffff, v0  }
0x224: {  	[tilespmem:v6+s11+$0x0] =	vst.idx.msk $0xffff, v0;
	v6 =	vld [tilespmem:$0x1FCE0]  }
0x225: {  	[tilespmem:v3+s11+$0x0] =	vst.idx.msk $0xffff, v0;
	v3 =	vld [tilespmem:$0x1FCF0]  }
0x226: {  	v2 =	vor.u32 s13, v61  }
0x227: {  	v5 =	vor.u32 s13, v62  }
0x228: {  	v4 =	vor.u32 s13, v63  }
0x229: {  	v6 =	vor.u32 s13, v6  }
0x22a: {  	v7 =	vor.u32 $0x24, v60;
	v3 =	vor.u32 s13, v3  }
0x22b: {  	[tilespmem:v2+s11+$0x0] =	vst.idx.msk $0xffff, v0;
	v2 =	vor.u32 s13, v7;
	v7 =	vor.u32 $0x25, v60  }
0x22c: {  	[tilespmem:v5+s11+$0x0] =	vst.idx.msk $0xffff, v0;
	v5 =	vor.u32 s13, v7;
	v7 =	vor.u32 $0x26, v60  }
0x22d: {  	[tilespmem:v4+s11+$0x0] =	vst.idx.msk $0xffff, v0;
	v4 =	vor.u32 s13, v7;
	v7 =	vor.u32 $0x27, v60  }
0x22e: {  	[tilespmem:v6+s11+$0x0] =	vst.idx.msk $0xffff, v0;
	v6 =	vor.u32 s13, v7;
	v7 =	vor.u32 $0x28, v60  }
0x22f: {  	[tilespmem:v3+s11+$0x0] =	vst.idx.msk $0xffff, v0;
	v3 =	vor.u32 s13, v7;
	v7 =	vor.u32 $0x29, v60  }
0x230: {  	[tilespmem:v2+s11+$0x0] =	vst.idx.msk $0xffff, v0;
	v2 =	vor.u32 s13, v7;
	v7 =	vor.u32 $0x2A, v60  }
0x231: {  	[tilespmem:v5+s11+$0x0] =	vst.idx.msk $0xffff, v0;
	v5 =	vor.u32 s13, v7;
	v7 =	vor.u32 $0x2B, v60  }
0x232: {  	[tilespmem:v4+s11+$0x0] =	vst.idx.msk $0xffff, v0;
	v4 =	vor.u32 s13, v7;
	v7 =	vor.u32 $0x2C, v60  }
0x233: {  	[tilespmem:v6+s11+$0x0] =	vst.idx.msk $0xffff, v0;
	v6 =	vor.u32 s13, v7;
	v7 =	vor.u32 $0x2D, v60  }
0x234: {  	[tilespmem:v3+s11+$0x0] =	vst.idx.msk $0xffff, v0;
	v3 =	vor.u32 s13, v7;
	v7 =	vor.u32 $0x2E, v60  }
0x235: {  	[tilespmem:v2+s11+$0x0] =	vst.idx.msk $0xffff, v0;
	v2 =	vor.u32 s13, v7;
	v7 =	vor.u32 $0x2F, v60  }
0x236: {  	[tilespmem:v5+s11+$0x0] =	vst.idx.msk $0xffff, v0;
	v5 =	vor.u32 s13, v7;
	v7 =	vor.u32 $0x30, v60  }
0x237: {  	[tilespmem:v4+s11+$0x0] =	vst.idx.msk $0xffff, v0;
	v4 =	vor.u32 s13, v7;
	v7 =	vor.u32 $0x31, v60  }
0x238: {  	[tilespmem:v6+s11+$0x0] =	vst.idx.msk $0xffff, v0;
	v6 =	vor.u32 s13, v7;
	v7 =	vor.u32 $0x32, v60  }
0x239: {  	[tilespmem:v3+s11+$0x0] =	vst.idx.msk $0xffff, v0;
	v3 =	vor.u32 s13, v7;
	v7 =	vor.u32 $0x33, v60  }
0x23a: {  	[tilespmem:v2+s11+$0x0] =	vst.idx.msk $0xffff, v0;
	v2 =	vor.u32 s13, v7;
	v7 =	vor.u32 $0x34, v60  }
0x23b: {  	[tilespmem:v5+s11+$0x0] =	vst.idx.msk $0xffff, v0;
	v5 =	vor.u32 s13, v7;
	v7 =	vor.u32 $0x35, v60  }
0x23c: {  	[tilespmem:v4+s11+$0x0] =	vst.idx.msk $0xffff, v0;
	v4 =	vor.u32 s13, v7;
	v7 =	vor.u32 $0x36, v60  }
0x23d: {  	[tilespmem:v6+s11+$0x0] =	vst.idx.msk $0xffff, v0;
	v6 =	vor.u32 s13, v7;
	v7 =	vor.u32 $0x37, v60  }
0x23e: {  	[tilespmem:v3+s11+$0x0] =	vst.idx.msk $0xffff, v0;
	v3 =	vor.u32 s13, v7;
	v7 =	vor.u32 $0x38, v60  }
0x23f: {  	[tilespmem:v2+s11+$0x0] =	vst.idx.msk $0xffff, v0;
	v2 =	vor.u32 s13, v7;
	v7 =	vor.u32 $0x39, v60  }
0x240: {  	[tilespmem:v5+s11+$0x0] =	vst.idx.msk $0xffff, v0;
	v5 =	vor.u32 s13, v7;
	v7 =	vor.u32 $0x3A, v60  }
0x241: {  	[tilespmem:v4+s11+$0x0] =	vst.idx.msk $0xffff, v0;
	v4 =	vor.u32 s13, v7;
	v7 =	vor.u32 $0x3B, v60  }
0x242: {  	[tilespmem:v6+s11+$0x0] =	vst.idx.msk $0xffff, v0;
	v6 =	vor.u32 s13, v7;
	v7 =	vor.u32 $0x3C, v60  }
0x243: {  	[tilespmem:v3+s11+$0x0] =	vst.idx.msk $0xffff, v0;
	v3 =	vor.u32 s13, v7;
	v7 =	vor.u32 $0x3D, v60  }
0x244: {  	[tilespmem:v2+s11+$0x0] =	vst.idx.msk $0xffff, v0;
	v2 =	vor.u32 s13, v7;
	v7 =	vor.u32 $0x3E, v60  }
0x245: {  	v49 =	vld [tilespmem:$0x1FDE0];
	[tilespmem:v5+s11+$0x0] =	vst.idx.msk $0xffff, v0;
	v5 =	vor.u32 s13, v7;
	v7 =	vor.u32 $0x3F, v60  }
0x246: {  	p0 =	sne.s32 s14, $0x3260;
	v1 =	vld [tilespmem:$0x1FDD0];
	[tilespmem:v4+s11+$0x0] =	vst.idx.msk $0xffff, v0;
	v4 =	vor.u32 s13, v7  }
.Ltmp0:
0x247: {  	v14 =	vld [tilespmem:$0x1FD80];
	[tilespmem:v6+s11+$0x0] =	vst.idx.msk $0xffff, v0;
	(pc) =	sbr.rel @p0 .LBB2_2-.Ltmp0, $4  }
0x248: {  	v9 =	vld [tilespmem:$0x1FD40];
	[tilespmem:v3+s11+$0x0] =	vst.idx.msk $0xffff, v0  }
0x249: {  	v10 =	vld [tilespmem:$0x1FD50];
	[tilespmem:v2+s11+$0x0] =	vst.idx.msk $0xffff, v0  }
0x24a: {  	v13 =	vld [tilespmem:$0x1FD70];
	[tilespmem:v5+s11+$0x0] =	vst.idx.msk $0xffff, v0  }
0x24b: {  	s14 =	sadd.s32 $0x1A0, s14;
	s13 =	sadd.s32 $0x400, s13;
	v6 =	vld [tilespmem:$0x1FD20];
	[tilespmem:v4+s11+$0x0] =	vst.idx.msk $0xffff, v0  }
0x24c: {  	s12 =	sadd.s32 $0x1, s12  }
0x24d: {  	p0 =	sne.s32 s12, s7  }
.Ltmp1:
0x24e: {  	_ = 	snop;
	(pc) =	sbr.rel @p0 .LBB2_1-.Ltmp1, $4  }
0x24f: {  	[hbm4b:s6+s2] =	stream.linear.scatter [tilespmem:s11], [sflag:$0x1], $0x8000, $0x38;
	[tilespmem:$0xB500] =	vst v63  }
0x250: {  	_ =	swait.ge [sflag:s8], $0x8000  }
0x251: {  	[sflag:s8] =	ssyncset.done $0x0  }
0x252: {  	[sflag:s8] =	ssyncadd.s32 $0xFFFF8000  }
0x253: {  	_ =	sfence.sel $0x180000  }
0x254: {  	[bflag:$0x0] =	sbarrier.arrive $0xFFFF  }
0x255: {  	p0 =	sne.s32 s0, $0x0;
	_ =	strace $0x90000047  }
0x256: {  	s0 =	sadd.s32 @!p0 $0x100000, s1;
	[bflag:$0x2] =	sbarrier.arrive $0xFFFF  }
0x257: {  	[sflag:s0] =	ssyncadd.tile.s32 @!p0 $0x1;
	_ =	shalt  }
.Lfunc_end2:
_tile_overlayer_lowered:
.L_overlay_start_2:
0x258: {  	(tag) =	ssettag $0x2  }
0x259: {  	s0 =	rddreg [dreg:$0x0];
	s2 =	stileid.u32  }
0x25a: {  	s1 =	rddreg [dreg:$0x1];
	p0 =	sne.s32 s2, $0x0  }
0x25b: {  	s3 =	rddreg [dreg:$0x2];
	[bflag:$0x3] =	sbarrier.arrive $0xFFFF;
	s2 =	simm.s32 @!p0 $0x1C01  }
0x25c: {  	[timem:s3], [sflag:s2] =	dma.local @!p0 [hbm:s0], s1  }
0x25d: {  	s0 =	simm.s32 @!p0 $0x1  }
0x25e: {  	_ =	swait.ge @!p0 [sflag:s0], s1  }
0x25f: {  	s1 =	ssub.s32 @!p0 $0x0, s1;
	[sflag:s0] =	ssyncset.done @!p0 $0x0  }
0x260: {  	[sflag:s0] =	ssyncadd.s32 @!p0 s1  }
0x261: {  	[bflag:$0x3] =	sbarrier.arrive $0xFFFF  }
0x262: {  	_ =	shalt  }

</sc_bundles>
